<compile_context>
chip_gen: v7x
topology: tpu7x:2x2x1
jax: 0.10.2.dev20260603
libtpu: 0.0.44.dev20260713+nightly
codegen_flags: <defaults>
</compile_context>

<pallas_src>
import jax
import jax.numpy as jnp
from jax import lax
from jax.experimental import pallas as pl
from jax.experimental.pallas import tpu as pltpu
from jax.experimental.pallas import tpu_sc as plsc

N = 50000
E = 1600000
NB = 64
K = 8

NC = 2
NS = 16
NW = NC * NS
CB = 128
SJ = 10
C = CB * SJ
NCHUNK = E // C
TMAX = (NCHUNK + NW - 1) // NW
NPAD = 51200
APT = 3 * NPAD // NS
VACC = NB * 6 * 16


def _sc_body(ev_hbm, srcf_hbm, dstf_hbm, batch_hbm, wb_hbm,
             fpart_hbm, spart_hbm,
             accum_sh, batch_v, ev_v, srcflat_v, dstflat_v,
             isrc_v, idst_v, vsrc_v, vdst_v, vacc_v, wb_v, bounce_v, sem):
    core = lax.axis_index("c")
    sid = lax.axis_index("s")
    wid = core * NS + sid

    lane = lax.iota(jnp.int32, 16)
    lane3 = lane * 3
    lane384 = lane * 384
    zf = jnp.zeros((16,), jnp.float32)

    pltpu.sync_copy(batch_hbm, batch_v)
    pltpu.sync_copy(wb_hbm, wb_v)

    def zero_bounce(i, carry):
        bounce_v[pl.ds(i * 16, 16)] = zf
        return carry
    lax.fori_loop(0, APT // 16, zero_bounce, 0)
    pltpu.sync_copy(bounce_v, accum_sh.at[pl.ds(sid * APT, APT)])

    def zero_vacc(i, carry):
        vacc_v[pl.ds(i * 16, 16)] = zf
        return carry
    lax.fori_loop(0, VACC // 16, zero_vacc, 0)

    plsc.subcore_barrier()

    wx = wb_v[0, :]
    wy = wb_v[1, :]
    wz = wb_v[2, :]

    def chunk_body(t, carry):
        cid = t * NW + wid

        @pl.when(cid < NCHUNK)
        def _():
            pltpu.sync_copy(ev_hbm.at[pl.ds(cid * (3 * C), 3 * C)], ev_v)
            pltpu.sync_copy(srcf_hbm.at[pl.ds(cid * C, C)], srcflat_v)
            pltpu.sync_copy(dstf_hbm.at[pl.ds(cid * C, C)], dstflat_v)

            def subchunk(j, jcarry):
                for g in range(CB // 16):
                    el = j * CB + g * 16
                    r0 = g * 16
                    s16 = srcflat_v[pl.ds(el, 16)]
                    d16 = dstflat_v[pl.ds(el, 16)]
                    ix = el * 3 + lane3
                    rx = plsc.load_gather(ev_v, [ix])
                    ry = plsc.load_gather(ev_v, [ix + 1])
                    rz = plsc.load_gather(ev_v, [ix + 2])
                    r2 = rx * rx + ry * ry + rz * rz
                    a = jnp.exp(r2 * -0.1) * -0.2
                    tt = rx * wx + ry * wy + rz * wz
                    eb = jnp.exp(jnp.abs(tt) * -2.0)
                    dd = eb + 1.0
                    s = (4.0 * eb) / (dd * dd)
                    fx = a * rx + s * wx
                    fy = a * ry + s * wy
                    fz = a * rz + s * wz

                    isrc_v[0, pl.ds(r0, 16)] = s16
                    isrc_v[1, pl.ds(r0, 16)] = s16 + NPAD
                    isrc_v[2, pl.ds(r0, 16)] = s16 + 2 * NPAD
                    idst_v[0, pl.ds(r0, 16)] = d16
                    idst_v[1, pl.ds(r0, 16)] = d16 + NPAD
                    idst_v[2, pl.ds(r0, 16)] = d16 + 2 * NPAD
                    vsrc_v[0, pl.ds(r0, 16)] = fx
                    vsrc_v[1, pl.ds(r0, 16)] = fy
                    vsrc_v[2, pl.ds(r0, 16)] = fz
                    vdst_v[0, pl.ds(r0, 16)] = -fx
                    vdst_v[1, pl.ds(r0, 16)] = -fy
                    vdst_v[2, pl.ds(r0, 16)] = -fz

                    seg = plsc.load_gather(batch_v, [d16])
                    sb = lane384 + seg * 6
                    plsc.addupdate_scatter(vacc_v, [sb], rx * fx)
                    plsc.addupdate_scatter(vacc_v, [sb + 1], ry * fy)
                    plsc.addupdate_scatter(vacc_v, [sb + 2], rz * fz)
                    plsc.addupdate_scatter(vacc_v, [sb + 3], rx * fy)
                    plsc.addupdate_scatter(vacc_v, [sb + 4], ry * fz)
                    plsc.addupdate_scatter(vacc_v, [sb + 5], rz * fx)

                copies = []
                for c in range(3):
                    copies.append(pltpu.async_copy(
                        vsrc_v.at[c], accum_sh.at[isrc_v.at[c]], sem,
                        add=True))
                    copies.append(pltpu.async_copy(
                        vdst_v.at[c], accum_sh.at[idst_v.at[c]], sem,
                        add=True))
                for cp in copies:
                    cp.wait()
                return jcarry

            lax.fori_loop(0, SJ, subchunk, 0)
        return carry

    lax.fori_loop(0, TMAX, chunk_body, 0)

    plsc.subcore_barrier()

    pltpu.sync_copy(accum_sh.at[pl.ds(sid * APT, APT)], bounce_v)
    pltpu.sync_copy(bounce_v, fpart_hbm.at[core, pl.ds(sid * APT, APT)])
    pltpu.sync_copy(vacc_v, spart_hbm.at[wid])


def _sc_scatter(ev_flat, srcflat, dstflat, batch, wb):
    mesh = plsc.VectorSubcoreMesh(core_axis_name="c", subcore_axis_name="s")
    f = pl.kernel(
        _sc_body,
        out_type=(
            jax.ShapeDtypeStruct((NC, 3 * NPAD), jnp.float32),
            jax.ShapeDtypeStruct((NW, VACC), jnp.float32),
        ),
        mesh=mesh,
        compiler_params=pltpu.CompilerParams(needs_layout_passes=False),
        scratch_types=[
            pltpu.VMEM_SHARED((3 * NPAD,), jnp.float32),
            pltpu.VMEM((N,), jnp.int32),
            pltpu.VMEM((3 * C,), jnp.float32),
            pltpu.VMEM((C,), jnp.int32),
            pltpu.VMEM((C,), jnp.int32),
            pltpu.VMEM((3, CB), jnp.int32),
            pltpu.VMEM((3, CB), jnp.int32),
            pltpu.VMEM((3, CB), jnp.float32),
            pltpu.VMEM((3, CB), jnp.float32),
            pltpu.VMEM((VACC,), jnp.float32),
            pltpu.VMEM((3, 16), jnp.float32),
            pltpu.VMEM((APT,), jnp.float32),
            pltpu.SemaphoreType.DMA,
        ],
    )
    return f(ev_flat, srcflat, dstflat, batch, wb)


def _moments_body(kv_ref, pos_ref, q_ref, out_ref):
    ph = jnp.dot(kv_ref[...], pos_ref[...],
                 preferred_element_type=jnp.float32)
    qv = q_ref[...]
    out_ref[:, 0:1] = jnp.sum(qv * jnp.cos(ph), axis=1, keepdims=True)
    out_ref[:, 1:2] = jnp.sum(qv * jnp.sin(ph), axis=1, keepdims=True)


def _finalize_body(fp0_ref, fp1_ref, pos_ref, q_ref, kv_ref, kvt_ref,
                   srsi_ref, force_ref):
    ph = jnp.dot(kv_ref[...], pos_ref[...],
                 preferred_element_type=jnp.float32)
    cre = srsi_ref[:, 0:1]
    cim = srsi_ref[:, 1:2]
    gmat = 2.0 * (cim * jnp.cos(ph) - cre * jnp.sin(ph))
    pg = jnp.dot(kvt_ref[...], gmat,
                 preferred_element_type=jnp.float32) * q_ref[...]
    force_ref[...] = (fp0_ref[...] + fp1_ref[...]) - pg


def _stress_body(sp_ref, vol_ref, out_ref):
    out_ref[...] = -(jnp.sum(sp_ref[...], axis=0, keepdims=True)
                     / vol_ref[...])


def kernel(edge_vec, pos, q, w_edge, kvecs, cell_volume, edge_index, batch,
           num_atoms):
    ev_flat = edge_vec.reshape(-1)
    srcflat = edge_index[0]
    dstflat = edge_index[1]
    wb = jnp.broadcast_to(w_edge.reshape(3, 1), (3, 16))

    fpart, spart = _sc_scatter(ev_flat, srcflat, dstflat, batch, wb)

    pos_t = pos.T
    q_t = q.reshape(1, N)
    kvt = kvecs.T
    srsi = pl.pallas_call(
        _moments_body,
        out_shape=jax.ShapeDtypeStruct((K, 2), jnp.float32),
    )(kvecs, pos_t, q_t)

    fp = fpart.reshape(NC, 3, NPAD)
    fp0 = fp[0]
    fp1 = fp[1]
    pos_tp = jnp.pad(pos_t, ((0, 0), (0, NPAD - N)))
    q_tp = jnp.pad(q_t, ((0, 0), (0, NPAD - N)))

    RC = 2048
    grid = NPAD // RC
    force_t = pl.pallas_call(
        _finalize_body,
        grid=(grid,),
        in_specs=[
            pl.BlockSpec((3, RC), lambda i: (0, i)),
            pl.BlockSpec((3, RC), lambda i: (0, i)),
            pl.BlockSpec((3, RC), lambda i: (0, i)),
            pl.BlockSpec((1, RC), lambda i: (0, i)),
            pl.BlockSpec((K, 3), lambda i: (0, 0)),
            pl.BlockSpec((3, K), lambda i: (0, 0)),
            pl.BlockSpec((K, 2), lambda i: (0, 0)),
        ],
        out_specs=pl.BlockSpec((3, RC), lambda i: (0, i)),
        out_shape=jax.ShapeDtypeStruct((3, NPAD), jnp.float32),
    )(fp0, fp1, pos_tp, q_tp, kvecs, kvt, srsi)
    force = force_t[:, :N].T

    volrep = jnp.repeat(cell_volume, 6).reshape(1, NB * 6)
    stress_flat = pl.pallas_call(
        _stress_body,
        out_shape=jax.ShapeDtypeStruct((1, NB * 6), jnp.float32),
    )(spart.reshape(NW * 16, NB * 6), volrep)
    stress = stress_flat.reshape(NB, 6)

    return force, stress

# --- scband reference (transcript-rebuilt; emitter-appended) ---
"""Pipeline reference for scband-lesforce-stress-output-69415261438217 (READ-ONLY COPY).

The authoritative reference and input builder live on the scoring server;
editing this copy changes nothing except your own understanding.
"""

import jax, jax.numpy as jnp
import numpy as np

N = 50000
E = 1600000
NB = 64
K = 8


def _edge_energy(rij, w_edge):
    # surrogate SR energy as a function of edge vectors (stands in for the
    # upstream GNN energy head whose autograd graph reaches EDGE_VEC)
    r2 = jnp.sum(rij * rij, axis=-1)
    return jnp.sum(jnp.exp(-0.1 * r2)) + jnp.sum(jnp.tanh(rij @ w_edge))


def _lr_energy(pos, q, kvecs):
    # reciprocal-space Ewald-like term: E_k ~ |sum_i q_i exp(i k.r_i)|^2
    ph = pos @ kvecs.T  # [N, K]
    sre = jnp.sum(q[:, None] * jnp.cos(ph), axis=0)
    sim = jnp.sum(q[:, None] * jnp.sin(ph), axis=0)
    return jnp.sum(sre * sre + sim * sim)


def setup_inputs(seed: int = 0) -> dict:
    key = jax.random.key(seed)
    ks = jax.random.split(key, 8)
    edge_vec = jax.random.normal(ks[0], (E, 3), dtype=jnp.float32)
    edge_index = jax.random.randint(ks[1], (2, E), 0, N, dtype=jnp.int32)
    pos = jax.random.normal(ks[2], (N, 3), dtype=jnp.float32)
    batch = jnp.sort(jax.random.randint(ks[3], (N,), 0, NB, dtype=jnp.int32))
    num_atoms = jnp.ones((N,), dtype=jnp.int32)  # sums to N = tot_num
    cell_volume = jax.random.uniform(ks[4], (NB,), dtype=jnp.float32, minval=0.5, maxval=1.5)
    # learned / model-state parameters of the surrogate energy heads
    q = jax.random.normal(ks[5], (N,), dtype=jnp.float32) * 0.1
    w_edge = jax.random.normal(ks[6], (3,), dtype=jnp.float32)
    kvecs = jax.random.normal(ks[7], (K, 3), dtype=jnp.float32)
    return {
        "edge_vec": edge_vec,
        "pos": pos,
        "q": q,
        "w_edge": w_edge,
        "kvecs": kvecs,
        "cell_volume": cell_volume,
        "edge_index": edge_index,
        "batch": batch,
        "num_atoms": num_atoms,
    }


def reference(edge_vec, pos, q, w_edge, kvecs, cell_volume, edge_index, batch, num_atoms):
    rij = edge_vec
    tot_num = pos.shape[0]  # == sum(num_atoms)
    # Path 1: fij = d(E_total)/d(rij)
    fij = jax.grad(lambda r: _edge_energy(r, w_edge))(rij)
    pf = jnp.zeros((tot_num, 3), dtype=fij.dtype).at[edge_index[0]].add(fij)
    nf = jnp.zeros((tot_num, 3), dtype=fij.dtype).at[edge_index[1]].add(fij)
    force = pf - nf
    # virial -> stress
    diag = rij * fij
    s12 = rij[:, 0] * fij[:, 1]
    s23 = rij[:, 1] * fij[:, 2]
    s31 = rij[:, 2] * fij[:, 0]
    virial = jnp.concatenate([diag, s12[:, None], s23[:, None], s31[:, None]], axis=-1)  # [E,6]
    s_node = jnp.zeros((tot_num, 6), dtype=fij.dtype).at[edge_index[1]].add(virial)
    nbatch = cell_volume.shape[0]
    sout = jnp.zeros((nbatch, 6), dtype=virial.dtype).at[batch].add(s_node)
    stress = -sout / cell_volume[:, None]
    # Path 2: direct positional LR force, F -= d(LR_ENERGY)/d(pos)
    pos_grad = jax.grad(lambda p: _lr_energy(p, q, kvecs))(pos)
    force = force - pos_grad
    return force, stress

if __name__ == "__main__":
    import jax
    _d = setup_inputs()
    print(jax.jit(kernel)(*tuple(_d.values())))

</pallas_src>

<mosaic_0001>
#map = affine_map<(d0, d1) -> (0)>
#map1 = affine_map<(d0, d1) -> (0, 0)>
module attributes {stable_mosaic.version = 14 : i64} {
  func.func @_sc_body(%arg0: i32, %arg1: i32, %arg2: memref<4800000xf32, #tpu.memory_space<hbm>>, %arg3: memref<1600000xi32, #tpu.memory_space<hbm>>, %arg4: memref<1600000xi32, #tpu.memory_space<hbm>>, %arg5: memref<50000xi32, #tpu.memory_space<hbm>>, %arg6: memref<3x16xf32, #tpu.memory_space<hbm>>, %arg7: memref<2x153600xf32, #tpu.memory_space<hbm>>, %arg8: memref<32x6144xf32, #tpu.memory_space<hbm>>, %arg9: memref<153600xf32, #tpu.memory_space<vmem_shared>>, %arg10: memref<50000xi32, #tpu.memory_space<vmem>>, %arg11: memref<3840xf32, #tpu.memory_space<vmem>>, %arg12: memref<1280xi32, #tpu.memory_space<vmem>>, %arg13: memref<1280xi32, #tpu.memory_space<vmem>>, %arg14: memref<3x128xi32, #tpu.memory_space<vmem>>, %arg15: memref<3x128xi32, #tpu.memory_space<vmem>>, %arg16: memref<3x128xf32, #tpu.memory_space<vmem>>, %arg17: memref<3x128xf32, #tpu.memory_space<vmem>>, %arg18: memref<6144xf32, #tpu.memory_space<vmem>>, %arg19: memref<3x16xf32, #tpu.memory_space<vmem>>, %arg20: memref<9600xf32, #tpu.memory_space<vmem>>, %arg21: memref<!tpu.dma_semaphore, #tpu.memory_space<semaphore_mem>>) attributes {dimension_semantics = [#tpu.dimension_semantics<core_parallel>, #tpu.dimension_semantics<subcore_parallel>], iteration_bounds = array<i64: 2, 16>, scalar_prefetch = 0 : i64, scratch_operands = 13 : i64, tpu.core_type = #tpu.core_type<sc_vector_subcore>, window_params = [{transform_indices = #map}, {transform_indices = #map}, {transform_indices = #map}, {transform_indices = #map}, {transform_indices = #map1}, {transform_indices = #map1}, {transform_indices = #map1}]} {
    %mul3A = arith.constant 16 : i32
    %mul3A_0 = arith.muli %arg0, %mul3A : i32
    %add3A = arith.addi %mul3A_0, %arg1 : i32
    %iota3A = tpu.iota {dimensions = array<i32: 0>} : vector<16xi32>
    %mul3A_1 = arith.constant 3 : i32
    %mul3A_2 = vector.broadcast %mul3A_1 : i32 to vector<16xi32>
    %mul3A_3 = arith.muli %iota3A, %mul3A_2 : vector<16xi32>
    %mul3A_4 = arith.constant 384 : i32
    %mul3A_5 = vector.broadcast %mul3A_4 : i32 to vector<16xi32>
    %mul3A_6 = arith.muli %iota3A, %mul3A_5 : vector<16xi32>
    %broadcast_in_dim3A = arith.constant 0.000000e+00 : f32
    %broadcast_in_dim3A_7 = vector.broadcast %broadcast_in_dim3A : f32 to vector<16xf32>
    "tpu.region"() ({
      %run_scoped3A = tpu.sem_alloc : memref<!tpu.dma_semaphore, #tpu.memory_space<semaphore_mem>>
      tpu.enqueue_dma source(%arg5 : memref<50000xi32, #tpu.memory_space<hbm>>) target(%arg10 : memref<50000xi32, #tpu.memory_space<vmem>>) target_semaphore(%run_scoped3A : memref<!tpu.dma_semaphore, #tpu.memory_space<semaphore_mem>>)
      tpu.wait_dma2 semaphore(%run_scoped3A : memref<!tpu.dma_semaphore, #tpu.memory_space<semaphore_mem>>) src(%arg5 : memref<50000xi32, #tpu.memory_space<hbm>>) dst(%arg10 : memref<50000xi32, #tpu.memory_space<vmem>>)
      tpu.yield
    }) : () -> ()
    "tpu.region"() ({
      %run_scoped3A = tpu.sem_alloc : memref<!tpu.dma_semaphore, #tpu.memory_space<semaphore_mem>>
      tpu.enqueue_dma source(%arg6 : memref<3x16xf32, #tpu.memory_space<hbm>>) target(%arg19 : memref<3x16xf32, #tpu.memory_space<vmem>>) target_semaphore(%run_scoped3A : memref<!tpu.dma_semaphore, #tpu.memory_space<semaphore_mem>>)
      tpu.wait_dma2 semaphore(%run_scoped3A : memref<!tpu.dma_semaphore, #tpu.memory_space<semaphore_mem>>) src(%arg6 : memref<3x16xf32, #tpu.memory_space<hbm>>) dst(%arg19 : memref<3x16xf32, #tpu.memory_space<vmem>>)
      tpu.yield
    }) : () -> ()
    %scan3A = arith.constant 0 : i32
    %scan3A_8 = arith.constant 0 : i32
    %scan3A_9 = arith.constant 600 : i32
    %scan3A_10 = arith.addi %scan3A_8, %scan3A_9 : i32
    %scan3A_11 = arith.constant 1 : i32
    scf.for %scan3A_43 = %scan3A_8 to %scan3A_10 step %scan3A_11  : i32 {
      %mul3A_44 = arith.constant 16 : i32
      %mul3A_45 = arith.muli %scan3A_43, %mul3A_44 : i32
      %swap3A = arith.index_cast %mul3A_45 : i32 to index
      %swap3A_46 = tpu.vector_load %arg20[%swap3A] {strides = array<i32>} : memref<9600xf32, #tpu.memory_space<vmem>>, vector<16xf32>,
      tpu.vector_store %arg20[%swap3A], %broadcast_in_dim3A_7 {strides = array<i32>} : memref<9600xf32, #tpu.memory_space<vmem>>, vector<16xf32>,
    }
    %scan3A_12 = arith.constant 600 : i32
    %mul3A_13 = arith.constant 9600 : i32
    %mul3A_14 = arith.muli %arg1, %mul3A_13 : i32
    "tpu.region"() ({
      %run_scoped3A = tpu.sem_alloc : memref<!tpu.dma_semaphore, #tpu.memory_space<semaphore_mem>>
      %dma_start3A = tpu.memref_slice %arg9[%mul3A_14] : memref<153600xf32, #tpu.memory_space<vmem_shared>> -> memref<9600xf32, #tpu.memory_space<vmem_shared>>
      %dma_start3A_43 = tpu.memref_slice %arg9[%mul3A_14] : memref<153600xf32, #tpu.memory_space<vmem_shared>> -> memref<9600xf32, #tpu.memory_space<vmem_shared>>
      tpu.enqueue_dma source(%arg20 : memref<9600xf32, #tpu.memory_space<vmem>>) target(%dma_start3A_43 : memref<9600xf32, #tpu.memory_space<vmem_shared>>) target_semaphore(%run_scoped3A : memref<!tpu.dma_semaphore, #tpu.memory_space<semaphore_mem>>)
      %dma_wait3A = tpu.memref_slice %arg9[%mul3A_14] : memref<153600xf32, #tpu.memory_space<vmem_shared>> -> memref<9600xf32, #tpu.memory_space<vmem_shared>>
      %dma_wait3A_44 = tpu.memref_slice %arg9[%mul3A_14] : memref<153600xf32, #tpu.memory_space<vmem_shared>> -> memref<9600xf32, #tpu.memory_space<vmem_shared>>
      tpu.wait_dma2 semaphore(%run_scoped3A : memref<!tpu.dma_semaphore, #tpu.memory_space<semaphore_mem>>) src(%arg20 : memref<9600xf32, #tpu.memory_space<vmem>>) dst(%dma_wait3A_44 : memref<9600xf32, #tpu.memory_space<vmem_shared>>)
      tpu.yield
    }) : () -> ()
    %scan3A_15 = arith.constant 0 : i32
    %scan3A_16 = arith.constant 0 : i32
    %scan3A_17 = arith.constant 384 : i32
    %scan3A_18 = arith.addi %scan3A_16, %scan3A_17 : i32
    %scan3A_19 = arith.constant 1 : i32
    scf.for %scan3A_43 = %scan3A_16 to %scan3A_18 step %scan3A_19  : i32 {
      %mul3A_44 = arith.constant 16 : i32
      %mul3A_45 = arith.muli %scan3A_43, %mul3A_44 : i32
      %swap3A = arith.index_cast %mul3A_45 : i32 to index
      %swap3A_46 = tpu.vector_load %arg18[%swap3A] {strides = array<i32>} : memref<6144xf32, #tpu.memory_space<vmem>>, vector<16xf32>,
      tpu.vector_store %arg18[%swap3A], %broadcast_in_dim3A_7 {strides = array<i32>} : memref<6144xf32, #tpu.memory_space<vmem>>, vector<16xf32>,
    }
    %scan3A_20 = arith.constant 384 : i32
    %barrier3A = arith.constant 0 : index
    tpu.barrier barrier_id(%barrier3A)
    %get3A = arith.constant 0 : i32
    %get3A_21 = arith.index_cast %get3A : i32 to index
    %get3A_22 = arith.constant 0 : index
    %get3A_23 = tpu.vector_load %arg19[%get3A_21, %get3A_22] {strides = array<i32>} : memref<3x16xf32, #tpu.memory_space<vmem>>, vector<16xf32>,
    %get3A_24 = arith.constant 1 : i32
    %get3A_25 = arith.index_cast %get3A_24 : i32 to index
    %get3A_26 = arith.constant 0 : index
    %get3A_27 = tpu.vector_load %arg19[%get3A_25, %get3A_26] {strides = array<i32>} : memref<3x16xf32, #tpu.memory_space<vmem>>, vector<16xf32>,
    %get3A_28 = arith.constant 2 : i32
    %get3A_29 = arith.index_cast %get3A_28 : i32 to index
    %get3A_30 = arith.constant 0 : index
    %get3A_31 = tpu.vector_load %arg19[%get3A_29, %get3A_30] {strides = array<i32>} : memref<3x16xf32, #tpu.memory_space<vmem>>, vector<16xf32>,
    %scan3A_32 = arith.constant 0 : i32
    %scan3A_33 = arith.constant 0 : i32
    %scan3A_34 = arith.constant 40 : i32
    %scan3A_35 = arith.addi %scan3A_33, %scan3A_34 : i32
    %scan3A_36 = arith.constant 1 : i32
    scf.for %scan3A_43 = %scan3A_33 to %scan3A_35 step %scan3A_36  : i32 {
      %mul3A_44 = arith.constant 32 : i32
      %mul3A_45 = arith.muli %scan3A_43, %mul3A_44 : i32
      %add3A_46 = arith.addi %mul3A_45, %add3A : i32
      %lt3A = arith.constant 1250 : i32
      %lt3A_47 = arith.cmpi slt, %add3A_46, %lt3A : i32
      %convert_element_type3A = arith.extui %lt3A_47 : i1 to i32
      %cond3A = arith.constant 0 : i32
      %cond3A_48 = arith.cmpi ne, %convert_element_type3A, %cond3A : i32
      scf.if %cond3A_48 {
        %mul3A_49 = arith.constant 3840 : i32
        %mul3A_50 = arith.muli %add3A_46, %mul3A_49 : i32
        "tpu.region"() ({
          %run_scoped3A = tpu.sem_alloc : memref<!tpu.dma_semaphore, #tpu.memory_space<semaphore_mem>>
          %dma_start3A = tpu.memref_slice %arg2[%mul3A_50] : memref<4800000xf32, #tpu.memory_space<hbm>> -> memref<3840xf32, #tpu.memory_space<hbm>>
          %dma_start3A_61 = tpu.memref_slice %arg2[%mul3A_50] : memref<4800000xf32, #tpu.memory_space<hbm>> -> memref<3840xf32, #tpu.memory_space<hbm>>
          tpu.enqueue_dma source(%dma_start3A_61 : memref<3840xf32, #tpu.memory_space<hbm>>) target(%arg11 : memref<3840xf32, #tpu.memory_space<vmem>>) target_semaphore(%run_scoped3A : memref<!tpu.dma_semaphore, #tpu.memory_space<semaphore_mem>>)
          %dma_wait3A = tpu.memref_slice %arg2[%mul3A_50] : memref<4800000xf32, #tpu.memory_space<hbm>> -> memref<3840xf32, #tpu.memory_space<hbm>>
          %dma_wait3A_62 = tpu.memref_slice %arg2[%mul3A_50] : memref<4800000xf32, #tpu.memory_space<hbm>> -> memref<3840xf32, #tpu.memory_space<hbm>>
          tpu.wait_dma2 semaphore(%run_scoped3A : memref<!tpu.dma_semaphore, #tpu.memory_space<semaphore_mem>>) src(%dma_wait3A_62 : memref<3840xf32, #tpu.memory_space<hbm>>) dst(%arg11 : memref<3840xf32, #tpu.memory_space<vmem>>)
          tpu.yield
        }) : () -> ()
        %mul3A_51 = arith.constant 1280 : i32
        %mul3A_52 = arith.muli %add3A_46, %mul3A_51 : i32
        "tpu.region"() ({
          %run_scoped3A = tpu.sem_alloc : memref<!tpu.dma_semaphore, #tpu.memory_space<semaphore_mem>>
          %dma_start3A = tpu.memref_slice %arg3[%mul3A_52] : memref<1600000xi32, #tpu.memory_space<hbm>> -> memref<1280xi32, #tpu.memory_space<hbm>>
          %dma_start3A_61 = tpu.memref_slice %arg3[%mul3A_52] : memref<1600000xi32, #tpu.memory_space<hbm>> -> memref<1280xi32, #tpu.memory_space<hbm>>
          tpu.enqueue_dma source(%dma_start3A_61 : memref<1280xi32, #tpu.memory_space<hbm>>) target(%arg12 : memref<1280xi32, #tpu.memory_space<vmem>>) target_semaphore(%run_scoped3A : memref<!tpu.dma_semaphore, #tpu.memory_space<semaphore_mem>>)
          %dma_wait3A = tpu.memref_slice %arg3[%mul3A_52] : memref<1600000xi32, #tpu.memory_space<hbm>> -> memref<1280xi32, #tpu.memory_space<hbm>>
          %dma_wait3A_62 = tpu.memref_slice %arg3[%mul3A_52] : memref<1600000xi32, #tpu.memory_space<hbm>> -> memref<1280xi32, #tpu.memory_space<hbm>>
          tpu.wait_dma2 semaphore(%run_scoped3A : memref<!tpu.dma_semaphore, #tpu.memory_space<semaphore_mem>>) src(%dma_wait3A_62 : memref<1280xi32, #tpu.memory_space<hbm>>) dst(%arg12 : memref<1280xi32, #tpu.memory_space<vmem>>)
          tpu.yield
        }) : () -> ()
        %mul3A_53 = arith.constant 1280 : i32
        %mul3A_54 = arith.muli %add3A_46, %mul3A_53 : i32
        "tpu.region"() ({
          %run_scoped3A = tpu.sem_alloc : memref<!tpu.dma_semaphore, #tpu.memory_space<semaphore_mem>>
          %dma_start3A = tpu.memref_slice %arg4[%mul3A_54] : memref<1600000xi32, #tpu.memory_space<hbm>> -> memref<1280xi32, #tpu.memory_space<hbm>>
          %dma_start3A_61 = tpu.memref_slice %arg4[%mul3A_54] : memref<1600000xi32, #tpu.memory_space<hbm>> -> memref<1280xi32, #tpu.memory_space<hbm>>
          tpu.enqueue_dma source(%dma_start3A_61 : memref<1280xi32, #tpu.memory_space<hbm>>) target(%arg13 : memref<1280xi32, #tpu.memory_space<vmem>>) target_semaphore(%run_scoped3A : memref<!tpu.dma_semaphore, #tpu.memory_space<semaphore_mem>>)
          %dma_wait3A = tpu.memref_slice %arg4[%mul3A_54] : memref<1600000xi32, #tpu.memory_space<hbm>> -> memref<1280xi32, #tpu.memory_space<hbm>>
          %dma_wait3A_62 = tpu.memref_slice %arg4[%mul3A_54] : memref<1600000xi32, #tpu.memory_space<hbm>> -> memref<1280xi32, #tpu.memory_space<hbm>>
          tpu.wait_dma2 semaphore(%run_scoped3A : memref<!tpu.dma_semaphore, #tpu.memory_space<semaphore_mem>>) src(%dma_wait3A_62 : memref<1280xi32, #tpu.memory_space<hbm>>) dst(%arg13 : memref<1280xi32, #tpu.memory_space<vmem>>)
          tpu.yield
        }) : () -> ()
        %scan3A_55 = arith.constant 0 : i32
        %scan3A_56 = arith.constant 0 : i32
        %scan3A_57 = arith.constant 10 : i32
        %scan3A_58 = arith.addi %scan3A_56, %scan3A_57 : i32
        %scan3A_59 = arith.constant 1 : i32
        scf.for %scan3A_61 = %scan3A_56 to %scan3A_58 step %scan3A_59  : i32 {
          %mul3A_62 = arith.constant 128 : i32
          %mul3A_63 = arith.muli %scan3A_61, %mul3A_62 : i32
          %add3A_64 = arith.constant 0 : i32
          %add3A_65 = arith.addi %mul3A_63, %add3A_64 : i32
          %get3A_66 = arith.index_cast %add3A_65 : i32 to index
          %get3A_67 = tpu.vector_load %arg12[%get3A_66] {strides = array<i32>} : memref<1280xi32, #tpu.memory_space<vmem>>, vector<16xi32>,
          %get3A_68 = arith.index_cast %add3A_65 : i32 to index
          %get3A_69 = tpu.vector_load %arg13[%get3A_68] {strides = array<i32>} : memref<1280xi32, #tpu.memory_space<vmem>>, vector<16xi32>,
          %mul3A_70 = arith.constant 3 : i32
          %mul3A_71 = arith.muli %add3A_65, %mul3A_70 : i32
          %add3A_72 = vector.broadcast %mul3A_71 : i32 to vector<16xi32>
          %add3A_73 = arith.addi %add3A_72, %mul3A_3 : vector<16xi32>
          %gather3A = tpu.vector_load_idx %arg11[%add3A_73] : memref<3840xf32, #tpu.memory_space<vmem>>[vector<16xi32>], vector<16xf32>,
          %add3A_74 = arith.constant 1 : i32
          %add3A_75 = vector.broadcast %add3A_74 : i32 to vector<16xi32>
          %add3A_76 = arith.addi %add3A_73, %add3A_75 : vector<16xi32>
          %gather3A_77 = tpu.vector_load_idx %arg11[%add3A_76] : memref<3840xf32, #tpu.memory_space<vmem>>[vector<16xi32>], vector<16xf32>,
          %add3A_78 = arith.constant 2 : i32
          %add3A_79 = vector.broadcast %add3A_78 : i32 to vector<16xi32>
          %add3A_80 = arith.addi %add3A_73, %add3A_79 : vector<16xi32>
          %gather3A_81 = tpu.vector_load_idx %arg11[%add3A_80] : memref<3840xf32, #tpu.memory_space<vmem>>[vector<16xi32>], vector<16xf32>,
          %mul3A_82 = arith.mulf %gather3A, %gather3A : vector<16xf32>
          %mul3A_83 = arith.mulf %gather3A_77, %gather3A_77 : vector<16xf32>
          %add3A_84 = arith.addf %mul3A_82, %mul3A_83 : vector<16xf32>
          %mul3A_85 = arith.mulf %gather3A_81, %gather3A_81 : vector<16xf32>
          %add3A_86 = arith.addf %add3A_84, %mul3A_85 : vector<16xf32>
          %mul3A_87 = arith.constant -1.000000e-01 : f32
          %mul3A_88 = vector.broadcast %mul3A_87 : f32 to vector<16xf32>
          %mul3A_89 = arith.mulf %add3A_86, %mul3A_88 : vector<16xf32>
          %exp3A = math.exp %mul3A_89 : vector<16xf32>
          %mul3A_90 = arith.constant -2.000000e-01 : f32
          %mul3A_91 = vector.broadcast %mul3A_90 : f32 to vector<16xf32>
          %mul3A_92 = arith.mulf %exp3A, %mul3A_91 : vector<16xf32>
          %mul3A_93 = arith.mulf %gather3A, %get3A_23 : vector<16xf32>
          %mul3A_94 = arith.mulf %gather3A_77, %get3A_27 : vector<16xf32>
          %add3A_95 = arith.addf %mul3A_93, %mul3A_94 : vector<16xf32>
          %mul3A_96 = arith.mulf %gather3A_81, %get3A_31 : vector<16xf32>
          %add3A_97 = arith.addf %add3A_95, %mul3A_96 : vector<16xf32>
          %abs3A = math.absf %add3A_97 : vector<16xf32>
          %mul3A_98 = arith.constant -2.000000e+00 : f32
          %mul3A_99 = vector.broadcast %mul3A_98 : f32 to vector<16xf32>
          %mul3A_100 = arith.mulf %abs3A, %mul3A_99 : vector<16xf32>
          %exp3A_101 = math.exp %mul3A_100 : vector<16xf32>
          %add3A_102 = arith.constant 1.000000e+00 : f32
          %add3A_103 = vector.broadcast %add3A_102 : f32 to vector<16xf32>
          %add3A_104 = arith.addf %exp3A_101, %add3A_103 : vector<16xf32>
          %mul3A_105 = arith.constant 4.000000e+00 : f32
          %mul3A_106 = vector.broadcast %mul3A_105 : f32 to vector<16xf32>
          %mul3A_107 = arith.mulf %mul3A_106, %exp3A_101 : vector<16xf32>
          %mul3A_108 = arith.mulf %add3A_104, %add3A_104 : vector<16xf32>
          %div3A = arith.divf %mul3A_107, %mul3A_108 : vector<16xf32>
          %mul3A_109 = arith.mulf %mul3A_92, %gather3A : vector<16xf32>
          %mul3A_110 = arith.mulf %div3A, %get3A_23 : vector<16xf32>
          %add3A_111 = arith.addf %mul3A_109, %mul3A_110 : vector<16xf32>
          %mul3A_112 = arith.mulf %mul3A_92, %gather3A_77 : vector<16xf32>
          %mul3A_113 = arith.mulf %div3A, %get3A_27 : vector<16xf32>
          %add3A_114 = arith.addf %mul3A_112, %mul3A_113 : vector<16xf32>
          %mul3A_115 = arith.mulf %mul3A_92, %gather3A_81 : vector<16xf32>
          %mul3A_116 = arith.mulf %div3A, %get3A_31 : vector<16xf32>
          %add3A_117 = arith.addf %mul3A_115, %mul3A_116 : vector<16xf32>
          %swap3A = arith.constant 0 : i32
          %swap3A_118 = arith.index_cast %swap3A : i32 to index
          %swap3A_119 = arith.constant 0 : index
          %swap3A_120 = tpu.vector_load %arg14[%swap3A_118, %swap3A_119] {strides = array<i32>} : memref<3x128xi32, #tpu.memory_space<vmem>>, vector<16xi32>,
          tpu.vector_store %arg14[%swap3A_118, %swap3A_119], %get3A_67 {strides = array<i32>} : memref<3x128xi32, #tpu.memory_space<vmem>>, vector<16xi32>,
          %add3A_121 = arith.constant 51200 : i32
          %add3A_122 = vector.broadcast %add3A_121 : i32 to vector<16xi32>
          %add3A_123 = arith.addi %get3A_67, %add3A_122 : vector<16xi32>
          %swap3A_124 = arith.constant 1 : i32
          %swap3A_125 = arith.index_cast %swap3A_124 : i32 to index
          %swap3A_126 = arith.constant 0 : index
          %swap3A_127 = tpu.vector_load %arg14[%swap3A_125, %swap3A_126] {strides = array<i32>} : memref<3x128xi32, #tpu.memory_space<vmem>>, vector<16xi32>,
          tpu.vector_store %arg14[%swap3A_125, %swap3A_126], %add3A_123 {strides = array<i32>} : memref<3x128xi32, #tpu.memory_space<vmem>>, vector<16xi32>,
          %add3A_128 = arith.constant 102400 : i32
          %add3A_129 = vector.broadcast %add3A_128 : i32 to vector<16xi32>
          %add3A_130 = arith.addi %get3A_67, %add3A_129 : vector<16xi32>
          %swap3A_131 = arith.constant 2 : i32
          %swap3A_132 = arith.index_cast %swap3A_131 : i32 to index
          %swap3A_133 = arith.constant 0 : index
          %swap3A_134 = tpu.vector_load %arg14[%swap3A_132, %swap3A_133] {strides = array<i32>} : memref<3x128xi32, #tpu.memory_space<vmem>>, vector<16xi32>,
          tpu.vector_store %arg14[%swap3A_132, %swap3A_133], %add3A_130 {strides = array<i32>} : memref<3x128xi32, #tpu.memory_space<vmem>>, vector<16xi32>,
          %swap3A_135 = arith.constant 0 : i32
          %swap3A_136 = arith.index_cast %swap3A_135 : i32 to index
          %swap3A_137 = arith.constant 0 : index
          %swap3A_138 = tpu.vector_load %arg15[%swap3A_136, %swap3A_137] {strides = array<i32>} : memref<3x128xi32, #tpu.memory_space<vmem>>, vector<16xi32>,
          tpu.vector_store %arg15[%swap3A_136, %swap3A_137], %get3A_69 {strides = array<i32>} : memref<3x128xi32, #tpu.memory_space<vmem>>, vector<16xi32>,
          %add3A_139 = arith.constant 51200 : i32
          %add3A_140 = vector.broadcast %add3A_139 : i32 to vector<16xi32>
          %add3A_141 = arith.addi %get3A_69, %add3A_140 : vector<16xi32>
          %swap3A_142 = arith.constant 1 : i32
          %swap3A_143 = arith.index_cast %swap3A_142 : i32 to index
          %swap3A_144 = arith.constant 0 : index
          %swap3A_145 = tpu.vector_load %arg15[%swap3A_143, %swap3A_144] {strides = array<i32>} : memref<3x128xi32, #tpu.memory_space<vmem>>, vector<16xi32>,
          tpu.vector_store %arg15[%swap3A_143, %swap3A_144], %add3A_141 {strides = array<i32>} : memref<3x128xi32, #tpu.memory_space<vmem>>, vector<16xi32>,
          %add3A_146 = arith.constant 102400 : i32
          %add3A_147 = vector.broadcast %add3A_146 : i32 to vector<16xi32>
          %add3A_148 = arith.addi %get3A_69, %add3A_147 : vector<16xi32>
          %swap3A_149 = arith.constant 2 : i32
          %swap3A_150 = arith.index_cast %swap3A_149 : i32 to index
          %swap3A_151 = arith.constant 0 : index
          %swap3A_152 = tpu.vector_load %arg15[%swap3A_150, %swap3A_151] {strides = array<i32>} : memref<3x128xi32, #tpu.memory_space<vmem>>, vector<16xi32>,
          tpu.vector_store %arg15[%swap3A_150, %swap3A_151], %add3A_148 {strides = array<i32>} : memref<3x128xi32, #tpu.memory_space<vmem>>, vector<16xi32>,
          %swap3A_153 = arith.constant 0 : i32
          %swap3A_154 = arith.index_cast %swap3A_153 : i32 to index
          %swap3A_155 = arith.constant 0 : index
          %swap3A_156 = tpu.vector_load %arg16[%swap3A_154, %swap3A_155] {strides = array<i32>} : memref<3x128xf32, #tpu.memory_space<vmem>>, vector<16xf32>,
          tpu.vector_store %arg16[%swap3A_154, %swap3A_155], %add3A_111 {strides = array<i32>} : memref<3x128xf32, #tpu.memory_space<vmem>>, vector<16xf32>,
          %swap3A_157 = arith.constant 1 : i32
          %swap3A_158 = arith.index_cast %swap3A_157 : i32 to index
          %swap3A_159 = arith.constant 0 : index
          %swap3A_160 = tpu.vector_load %arg16[%swap3A_158, %swap3A_159] {strides = array<i32>} : memref<3x128xf32, #tpu.memory_space<vmem>>, vector<16xf32>,
          tpu.vector_store %arg16[%swap3A_158, %swap3A_159], %add3A_114 {strides = array<i32>} : memref<3x128xf32, #tpu.memory_space<vmem>>, vector<16xf32>,
          %swap3A_161 = arith.constant 2 : i32
          %swap3A_162 = arith.index_cast %swap3A_161 : i32 to index
          %swap3A_163 = arith.constant 0 : index
          %swap3A_164 = tpu.vector_load %arg16[%swap3A_162, %swap3A_163] {strides = array<i32>} : memref<3x128xf32, #tpu.memory_space<vmem>>, vector<16xf32>,
          tpu.vector_store %arg16[%swap3A_162, %swap3A_163], %add3A_117 {strides = array<i32>} : memref<3x128xf32, #tpu.memory_space<vmem>>, vector<16xf32>,
          %neg3A = arith.constant 0.000000e+00 : f32
          %neg3A_165 = vector.broadcast %neg3A : f32 to vector<16xf32>
          %neg3A_166 = arith.subf %neg3A_165, %add3A_111 : vector<16xf32>
          %swap3A_167 = arith.constant 0 : i32
          %swap3A_168 = arith.index_cast %swap3A_167 : i32 to index
          %swap3A_169 = arith.constant 0 : index
          %swap3A_170 = tpu.vector_load %arg17[%swap3A_168, %swap3A_169] {strides = array<i32>} : memref<3x128xf32, #tpu.memory_space<vmem>>, vector<16xf32>,
          tpu.vector_store %arg17[%swap3A_168, %swap3A_169], %neg3A_166 {strides = array<i32>} : memref<3x128xf32, #tpu.memory_space<vmem>>, vector<16xf32>,
          %neg3A_171 = arith.constant 0.000000e+00 : f32
          %neg3A_172 = vector.broadcast %neg3A_171 : f32 to vector<16xf32>
          %neg3A_173 = arith.subf %neg3A_172, %add3A_114 : vector<16xf32>
          %swap3A_174 = arith.constant 1 : i32
          %swap3A_175 = arith.index_cast %swap3A_174 : i32 to index
          %swap3A_176 = arith.constant 0 : index
          %swap3A_177 = tpu.vector_load %arg17[%swap3A_175, %swap3A_176] {strides = array<i32>} : memref<3x128xf32, #tpu.memory_space<vmem>>, vector<16xf32>,
          tpu.vector_store %arg17[%swap3A_175, %swap3A_176], %neg3A_173 {strides = array<i32>} : memref<3x128xf32, #tpu.memory_space<vmem>>, vector<16xf32>,
          %neg3A_178 = arith.constant 0.000000e+00 : f32
          %neg3A_179 = vector.broadcast %neg3A_178 : f32 to vector<16xf32>
          %neg3A_180 = arith.subf %neg3A_179, %add3A_117 : vector<16xf32>
          %swap3A_181 = arith.constant 2 : i32
          %swap3A_182 = arith.index_cast %swap3A_181 : i32 to index
          %swap3A_183 = arith.constant 0 : index
          %swap3A_184 = tpu.vector_load %arg17[%swap3A_182, %swap3A_183] {strides = array<i32>} : memref<3x128xf32, #tpu.memory_space<vmem>>, vector<16xf32>,
          tpu.vector_store %arg17[%swap3A_182, %swap3A_183], %neg3A_180 {strides = array<i32>} : memref<3x128xf32, #tpu.memory_space<vmem>>, vector<16xf32>,
          %gather3A_185 = tpu.vector_load_idx %arg10[%get3A_69] : memref<50000xi32, #tpu.memory_space<vmem>>[vector<16xi32>], vector<16xi32>,
          %mul3A_186 = arith.constant 6 : i32
          %mul3A_187 = vector.broadcast %mul3A_186 : i32 to vector<16xi32>
          %mul3A_188 = arith.muli %gather3A_185, %mul3A_187 : vector<16xi32>
          %add3A_189 = arith.addi %mul3A_6, %mul3A_188 : vector<16xi32>
          %mul3A_190 = arith.mulf %gather3A, %add3A_111 : vector<16xf32>
          tpu.vector_store_idx %arg18[%add3A_189], %mul3A_190 {add = true} : memref<6144xf32, #tpu.memory_space<vmem>>[vector<16xi32>], vector<16xf32>,
          %add3A_191 = arith.constant 1 : i32
          %add3A_192 = vector.broadcast %add3A_191 : i32 to vector<16xi32>
          %add3A_193 = arith.addi %add3A_189, %add3A_192 : vector<16xi32>
          %mul3A_194 = arith.mulf %gather3A_77, %add3A_114 : vector<16xf32>
          tpu.vector_store_idx %arg18[%add3A_193], %mul3A_194 {add = true} : memref<6144xf32, #tpu.memory_space<vmem>>[vector<16xi32>], vector<16xf32>,
          %add3A_195 = arith.constant 2 : i32
          %add3A_196 = vector.broadcast %add3A_195 : i32 to vector<16xi32>
          %add3A_197 = arith.addi %add3A_189, %add3A_196 : vector<16xi32>
          %mul3A_198 = arith.mulf %gather3A_81, %add3A_117 : vector<16xf32>
          tpu.vector_store_idx %arg18[%add3A_197], %mul3A_198 {add = true} : memref<6144xf32, #tpu.memory_space<vmem>>[vector<16xi32>], vector<16xf32>,
          %add3A_199 = arith.constant 3 : i32
          %add3A_200 = vector.broadcast %add3A_199 : i32 to vector<16xi32>
          %add3A_201 = arith.addi %add3A_189, %add3A_200 : vector<16xi32>
          %mul3A_202 = arith.mulf %gather3A, %add3A_114 : vector<16xf32>
          tpu.vector_store_idx %arg18[%add3A_201], %mul3A_202 {add = true} : memref<6144xf32, #tpu.memory_space<vmem>>[vector<16xi32>], vector<16xf32>,
          %add3A_203 = arith.constant 4 : i32
          %add3A_204 = vector.broadcast %add3A_203 : i32 to vector<16xi32>
          %add3A_205 = arith.addi %add3A_189, %add3A_204 : vector<16xi32>
          %mul3A_206 = arith.mulf %gather3A_77, %add3A_117 : vector<16xf32>
          tpu.vector_store_idx %arg18[%add3A_205], %mul3A_206 {add = true} : memref<6144xf32, #tpu.memory_space<vmem>>[vector<16xi32>], vector<16xf32>,
          %add3A_207 = arith.constant 5 : i32
          %add3A_208 = vector.broadcast %add3A_207 : i32 to vector<16xi32>
          %add3A_209 = arith.addi %add3A_189, %add3A_208 : vector<16xi32>
          %mul3A_210 = arith.mulf %gather3A_81, %add3A_111 : vector<16xf32>
          tpu.vector_store_idx %arg18[%add3A_209], %mul3A_210 {add = true} : memref<6144xf32, #tpu.memory_space<vmem>>[vector<16xi32>], vector<16xf32>,
          %mul3A_211 = arith.constant 128 : i32
          %mul3A_212 = arith.muli %scan3A_61, %mul3A_211 : i32
          %add3A_213 = arith.constant 16 : i32
          %add3A_214 = arith.addi %mul3A_212, %add3A_213 : i32
          %get3A_215 = arith.index_cast %add3A_214 : i32 to index
          %get3A_216 = tpu.vector_load %arg12[%get3A_215] {strides = array<i32>} : memref<1280xi32, #tpu.memory_space<vmem>>, vector<16xi32>,
          %get3A_217 = arith.index_cast %add3A_214 : i32 to index
          %get3A_218 = tpu.vector_load %arg13[%get3A_217] {strides = array<i32>} : memref<1280xi32, #tpu.memory_space<vmem>>, vector<16xi32>,
          %mul3A_219 = arith.constant 3 : i32
          %mul3A_220 = arith.muli %add3A_214, %mul3A_219 : i32
          %add3A_221 = vector.broadcast %mul3A_220 : i32 to vector<16xi32>
          %add3A_222 = arith.addi %add3A_221, %mul3A_3 : vector<16xi32>
          %gather3A_223 = tpu.vector_load_idx %arg11[%add3A_222] : memref<3840xf32, #tpu.memory_space<vmem>>[vector<16xi32>], vector<16xf32>,
          %add3A_224 = arith.constant 1 : i32
          %add3A_225 = vector.broadcast %add3A_224 : i32 to vector<16xi32>
          %add3A_226 = arith.addi %add3A_222, %add3A_225 : vector<16xi32>
          %gather3A_227 = tpu.vector_load_idx %arg11[%add3A_226] : memref<3840xf32, #tpu.memory_space<vmem>>[vector<16xi32>], vector<16xf32>,
          %add3A_228 = arith.constant 2 : i32
          %add3A_229 = vector.broadcast %add3A_228 : i32 to vector<16xi32>
          %add3A_230 = arith.addi %add3A_222, %add3A_229 : vector<16xi32>
          %gather3A_231 = tpu.vector_load_idx %arg11[%add3A_230] : memref<3840xf32, #tpu.memory_space<vmem>>[vector<16xi32>], vector<16xf32>,
          %mul3A_232 = arith.mulf %gather3A_223, %gather3A_223 : vector<16xf32>
          %mul3A_233 = arith.mulf %gather3A_227, %gather3A_227 : vector<16xf32>
          %add3A_234 = arith.addf %mul3A_232, %mul3A_233 : vector<16xf32>
          %mul3A_235 = arith.mulf %gather3A_231, %gather3A_231 : vector<16xf32>
          %add3A_236 = arith.addf %add3A_234, %mul3A_235 : vector<16xf32>
          %mul3A_237 = arith.constant -1.000000e-01 : f32
          %mul3A_238 = vector.broadcast %mul3A_237 : f32 to vector<16xf32>
          %mul3A_239 = arith.mulf %add3A_236, %mul3A_238 : vector<16xf32>
          %exp3A_240 = math.exp %mul3A_239 : vector<16xf32>
          %mul3A_241 = arith.constant -2.000000e-01 : f32
          %mul3A_242 = vector.broadcast %mul3A_241 : f32 to vector<16xf32>
          %mul3A_243 = arith.mulf %exp3A_240, %mul3A_242 : vector<16xf32>
          %mul3A_244 = arith.mulf %gather3A_223, %get3A_23 : vector<16xf32>
          %mul3A_245 = arith.mulf %gather3A_227, %get3A_27 : vector<16xf32>
          %add3A_246 = arith.addf %mul3A_244, %mul3A_245 : vector<16xf32>
          %mul3A_247 = arith.mulf %gather3A_231, %get3A_31 : vector<16xf32>
          %add3A_248 = arith.addf %add3A_246, %mul3A_247 : vector<16xf32>
          %abs3A_249 = math.absf %add3A_248 : vector<16xf32>
          %mul3A_250 = arith.constant -2.000000e+00 : f32
          %mul3A_251 = vector.broadcast %mul3A_250 : f32 to vector<16xf32>
          %mul3A_252 = arith.mulf %abs3A_249, %mul3A_251 : vector<16xf32>
          %exp3A_253 = math.exp %mul3A_252 : vector<16xf32>
          %add3A_254 = arith.constant 1.000000e+00 : f32
          %add3A_255 = vector.broadcast %add3A_254 : f32 to vector<16xf32>
          %add3A_256 = arith.addf %exp3A_253, %add3A_255 : vector<16xf32>
          %mul3A_257 = arith.constant 4.000000e+00 : f32
          %mul3A_258 = vector.broadcast %mul3A_257 : f32 to vector<16xf32>
          %mul3A_259 = arith.mulf %mul3A_258, %exp3A_253 : vector<16xf32>
          %mul3A_260 = arith.mulf %add3A_256, %add3A_256 : vector<16xf32>
          %div3A_261 = arith.divf %mul3A_259, %mul3A_260 : vector<16xf32>
          %mul3A_262 = arith.mulf %mul3A_243, %gather3A_223 : vector<16xf32>
          %mul3A_263 = arith.mulf %div3A_261, %get3A_23 : vector<16xf32>
          %add3A_264 = arith.addf %mul3A_262, %mul3A_263 : vector<16xf32>
          %mul3A_265 = arith.mulf %mul3A_243, %gather3A_227 : vector<16xf32>
          %mul3A_266 = arith.mulf %div3A_261, %get3A_27 : vector<16xf32>
          %add3A_267 = arith.addf %mul3A_265, %mul3A_266 : vector<16xf32>
          %mul3A_268 = arith.mulf %mul3A_243, %gather3A_231 : vector<16xf32>
          %mul3A_269 = arith.mulf %div3A_261, %get3A_31 : vector<16xf32>
          %add3A_270 = arith.addf %mul3A_268, %mul3A_269 : vector<16xf32>
          %swap3A_271 = arith.constant 0 : i32
          %swap3A_272 = arith.index_cast %swap3A_271 : i32 to index
          %swap3A_273 = arith.constant 16 : index
          %swap3A_274 = tpu.vector_load %arg14[%swap3A_272, %swap3A_273] {strides = array<i32>} : memref<3x128xi32, #tpu.memory_space<vmem>>, vector<16xi32>,
          tpu.vector_store %arg14[%swap3A_272, %swap3A_273], %get3A_216 {strides = array<i32>} : memref<3x128xi32, #tpu.memory_space<vmem>>, vector<16xi32>,
          %add3A_275 = arith.constant 51200 : i32
          %add3A_276 = vector.broadcast %add3A_275 : i32 to vector<16xi32>
          %add3A_277 = arith.addi %get3A_216, %add3A_276 : vector<16xi32>
          %swap3A_278 = arith.constant 1 : i32
          %swap3A_279 = arith.index_cast %swap3A_278 : i32 to index
          %swap3A_280 = arith.constant 16 : index
          %swap3A_281 = tpu.vector_load %arg14[%swap3A_279, %swap3A_280] {strides = array<i32>} : memref<3x128xi32, #tpu.memory_space<vmem>>, vector<16xi32>,
          tpu.vector_store %arg14[%swap3A_279, %swap3A_280], %add3A_277 {strides = array<i32>} : memref<3x128xi32, #tpu.memory_space<vmem>>, vector<16xi32>,
          %add3A_282 = arith.constant 102400 : i32
          %add3A_283 = vector.broadcast %add3A_282 : i32 to vector<16xi32>
          %add3A_284 = arith.addi %get3A_216, %add3A_283 : vector<16xi32>
          %swap3A_285 = arith.constant 2 : i32
          %swap3A_286 = arith.index_cast %swap3A_285 : i32 to index
          %swap3A_287 = arith.constant 16 : index
          %swap3A_288 = tpu.vector_load %arg14[%swap3A_286, %swap3A_287] {strides = array<i32>} : memref<3x128xi32, #tpu.memory_space<vmem>>, vector<16xi32>,
          tpu.vector_store %arg14[%swap3A_286, %swap3A_287], %add3A_284 {strides = array<i32>} : memref<3x128xi32, #tpu.memory_space<vmem>>, vector<16xi32>,
          %swap3A_289 = arith.constant 0 : i32
          %swap3A_290 = arith.index_cast %swap3A_289 : i32 to index
          %swap3A_291 = arith.constant 16 : index
          %swap3A_292 = tpu.vector_load %arg15[%swap3A_290, %swap3A_291] {strides = array<i32>} : memref<3x128xi32, #tpu.memory_space<vmem>>, vector<16xi32>,
          tpu.vector_store %arg15[%swap3A_290, %swap3A_291], %get3A_218 {strides = array<i32>} : memref<3x128xi32, #tpu.memory_space<vmem>>, vector<16xi32>,
          %add3A_293 = arith.constant 51200 : i32
          %add3A_294 = vector.broadcast %add3A_293 : i32 to vector<16xi32>
          %add3A_295 = arith.addi %get3A_218, %add3A_294 : vector<16xi32>
          %swap3A_296 = arith.constant 1 : i32
          %swap3A_297 = arith.index_cast %swap3A_296 : i32 to index
          %swap3A_298 = arith.constant 16 : index
          %swap3A_299 = tpu.vector_load %arg15[%swap3A_297, %swap3A_298] {strides = array<i32>} : memref<3x128xi32, #tpu.memory_space<vmem>>, vector<16xi32>,
          tpu.vector_store %arg15[%swap3A_297, %swap3A_298], %add3A_295 {strides = array<i32>} : memref<3x128xi32, #tpu.memory_space<vmem>>, vector<16xi32>,
          %add3A_300 = arith.constant 102400 : i32
          %add3A_301 = vector.broadcast %add3A_300 : i32 to vector<16xi32>
          %add3A_302 = arith.addi %get3A_218, %add3A_301 : vector<16xi32>
          %swap3A_303 = arith.constant 2 : i32
          %swap3A_304 = arith.index_cast %swap3A_303 : i32 to index
          %swap3A_305 = arith.constant 16 : index
          %swap3A_306 = tpu.vector_load %arg15[%swap3A_304, %swap3A_305] {strides = array<i32>} : memref<3x128xi32, #tpu.memory_space<vmem>>, vector<16xi32>,
          tpu.vector_store %arg15[%swap3A_304, %swap3A_305], %add3A_302 {strides = array<i32>} : memref<3x128xi32, #tpu.memory_space<vmem>>, vector<16xi32>,
          %swap3A_307 = arith.constant 0 : i32
          %swap3A_308 = arith.index_cast %swap3A_307 : i32 to index
          %swap3A_309 = arith.constant 16 : index
          %swap3A_310 = tpu.vector_load %arg16[%swap3A_308, %swap3A_309] {strides = array<i32>} : memref<3x128xf32, #tpu.memory_space<vmem>>, vector<16xf32>,
          tpu.vector_store %arg16[%swap3A_308, %swap3A_309], %add3A_264 {strides = array<i32>} : memref<3x128xf32, #tpu.memory_space<vmem>>, vector<16xf32>,
          %swap3A_311 = arith.constant 1 : i32
          %swap3A_312 = arith.index_cast %swap3A_311 : i32 to index
          %swap3A_313 = arith.constant 16 : index
          %swap3A_314 = tpu.vector_load %arg16[%swap3A_312, %swap3A_313] {strides = array<i32>} : memref<3x128xf32, #tpu.memory_space<vmem>>, vector<16xf32>,
          tpu.vector_store %arg16[%swap3A_312, %swap3A_313], %add3A_267 {strides = array<i32>} : memref<3x128xf32, #tpu.memory_space<vmem>>, vector<16xf32>,
          %swap3A_315 = arith.constant 2 : i32
          %swap3A_316 = arith.index_cast %swap3A_315 : i32 to index
          %swap3A_317 = arith.constant 16 : index
          %swap3A_318 = tpu.vector_load %arg16[%swap3A_316, %swap3A_317] {strides = array<i32>} : memref<3x128xf32, #tpu.memory_space<vmem>>, vector<16xf32>,
          tpu.vector_store %arg16[%swap3A_316, %swap3A_317], %add3A_270 {strides = array<i32>} : memref<3x128xf32, #tpu.memory_space<vmem>>, vector<16xf32>,
          %neg3A_319 = arith.constant 0.000000e+00 : f32
          %neg3A_320 = vector.broadcast %neg3A_319 : f32 to vector<16xf32>
          %neg3A_321 = arith.subf %neg3A_320, %add3A_264 : vector<16xf32>
          %swap3A_322 = arith.constant 0 : i32
          %swap3A_323 = arith.index_cast %swap3A_322 : i32 to index
          %swap3A_324 = arith.constant 16 : index
          %swap3A_325 = tpu.vector_load %arg17[%swap3A_323, %swap3A_324] {strides = array<i32>} : memref<3x128xf32, #tpu.memory_space<vmem>>, vector<16xf32>,
          tpu.vector_store %arg17[%swap3A_323, %swap3A_324], %neg3A_321 {strides = array<i32>} : memref<3x128xf32, #tpu.memory_space<vmem>>, vector<16xf32>,
          %neg3A_326 = arith.constant 0.000000e+00 : f32
          %neg3A_327 = vector.broadcast %neg3A_326 : f32 to vector<16xf32>
          %neg3A_328 = arith.subf %neg3A_327, %add3A_267 : vector<16xf32>
          %swap3A_329 = arith.constant 1 : i32
          %swap3A_330 = arith.index_cast %swap3A_329 : i32 to index
          %swap3A_331 = arith.constant 16 : index
          %swap3A_332 = tpu.vector_load %arg17[%swap3A_330, %swap3A_331] {strides = array<i32>} : memref<3x128xf32, #tpu.memory_space<vmem>>, vector<16xf32>,
          tpu.vector_store %arg17[%swap3A_330, %swap3A_331], %neg3A_328 {strides = array<i32>} : memref<3x128xf32, #tpu.memory_space<vmem>>, vector<16xf32>,
          %neg3A_333 = arith.constant 0.000000e+00 : f32
          %neg3A_334 = vector.broadcast %neg3A_333 : f32 to vector<16xf32>
          %neg3A_335 = arith.subf %neg3A_334, %add3A_270 : vector<16xf32>
          %swap3A_336 = arith.constant 2 : i32
          %swap3A_337 = arith.index_cast %swap3A_336 : i32 to index
          %swap3A_338 = arith.constant 16 : index
          %swap3A_339 = tpu.vector_load %arg17[%swap3A_337, %swap3A_338] {strides = array<i32>} : memref<3x128xf32, #tpu.memory_space<vmem>>, vector<16xf32>,
          tpu.vector_store %arg17[%swap3A_337, %swap3A_338], %neg3A_335 {strides = array<i32>} : memref<3x128xf32, #tpu.memory_space<vmem>>, vector<16xf32>,
          %gather3A_340 = tpu.vector_load_idx %arg10[%get3A_218] : memref<50000xi32, #tpu.memory_space<vmem>>[vector<16xi32>], vector<16xi32>,
          %mul3A_341 = arith.constant 6 : i32
          %mul3A_342 = vector.broadcast %mul3A_341 : i32 to vector<16xi32>
          %mul3A_343 = arith.muli %gather3A_340, %mul3A_342 : vector<16xi32>
          %add3A_344 = arith.addi %mul3A_6, %mul3A_343 : vector<16xi32>
          %mul3A_345 = arith.mulf %gather3A_223, %add3A_264 : vector<16xf32>
          tpu.vector_store_idx %arg18[%add3A_344], %mul3A_345 {add = true} : memref<6144xf32, #tpu.memory_space<vmem>>[vector<16xi32>], vector<16xf32>,
          %add3A_346 = arith.constant 1 : i32
          %add3A_347 = vector.broadcast %add3A_346 : i32 to vector<16xi32>
          %add3A_348 = arith.addi %add3A_344, %add3A_347 : vector<16xi32>
          %mul3A_349 = arith.mulf %gather3A_227, %add3A_267 : vector<16xf32>
          tpu.vector_store_idx %arg18[%add3A_348], %mul3A_349 {add = true} : memref<6144xf32, #tpu.memory_space<vmem>>[vector<16xi32>], vector<16xf32>,
          %add3A_350 = arith.constant 2 : i32
          %add3A_351 = vector.broadcast %add3A_350 : i32 to vector<16xi32>
          %add3A_352 = arith.addi %add3A_344, %add3A_351 : vector<16xi32>
          %mul3A_353 = arith.mulf %gather3A_231, %add3A_270 : vector<16xf32>
          tpu.vector_store_idx %arg18[%add3A_352], %mul3A_353 {add = true} : memref<6144xf32, #tpu.memory_space<vmem>>[vector<16xi32>], vector<16xf32>,
          %add3A_354 = arith.constant 3 : i32
          %add3A_355 = vector.broadcast %add3A_354 : i32 to vector<16xi32>
          %add3A_356 = arith.addi %add3A_344, %add3A_355 : vector<16xi32>
          %mul3A_357 = arith.mulf %gather3A_223, %add3A_267 : vector<16xf32>
          tpu.vector_store_idx %arg18[%add3A_356], %mul3A_357 {add = true} : memref<6144xf32, #tpu.memory_space<vmem>>[vector<16xi32>], vector<16xf32>,
          %add3A_358 = arith.constant 4 : i32
          %add3A_359 = vector.broadcast %add3A_358 : i32 to vector<16xi32>
          %add3A_360 = arith.addi %add3A_344, %add3A_359 : vector<16xi32>
          %mul3A_361 = arith.mulf %gather3A_227, %add3A_270 : vector<16xf32>
          tpu.vector_store_idx %arg18[%add3A_360], %mul3A_361 {add = true} : memref<6144xf32, #tpu.memory_space<vmem>>[vector<16xi32>], vector<16xf32>,
          %add3A_362 = arith.constant 5 : i32
          %add3A_363 = vector.broadcast %add3A_362 : i32 to vector<16xi32>
          %add3A_364 = arith.addi %add3A_344, %add3A_363 : vector<16xi32>
          %mul3A_365 = arith.mulf %gather3A_231, %add3A_264 : vector<16xf32>
          tpu.vector_store_idx %arg18[%add3A_364], %mul3A_365 {add = true} : memref<6144xf32, #tpu.memory_space<vmem>>[vector<16xi32>], vector<16xf32>,
          %mul3A_366 = arith.constant 128 : i32
          %mul3A_367 = arith.muli %scan3A_61, %mul3A_366 : i32
          %add3A_368 = arith.constant 32 : i32
          %add3A_369 = arith.addi %mul3A_367, %add3A_368 : i32
          %get3A_370 = arith.index_cast %add3A_369 : i32 to index
          %get3A_371 = tpu.vector_load %arg12[%get3A_370] {strides = array<i32>} : memref<1280xi32, #tpu.memory_space<vmem>>, vector<16xi32>,
          %get3A_372 = arith.index_cast %add3A_369 : i32 to index
          %get3A_373 = tpu.vector_load %arg13[%get3A_372] {strides = array<i32>} : memref<1280xi32, #tpu.memory_space<vmem>>, vector<16xi32>,
          %mul3A_374 = arith.constant 3 : i32
          %mul3A_375 = arith.muli %add3A_369, %mul3A_374 : i32
          %add3A_376 = vector.broadcast %mul3A_375 : i32 to vector<16xi32>
          %add3A_377 = arith.addi %add3A_376, %mul3A_3 : vector<16xi32>
          %gather3A_378 = tpu.vector_load_idx %arg11[%add3A_377] : memref<3840xf32, #tpu.memory_space<vmem>>[vector<16xi32>], vector<16xf32>,
          %add3A_379 = arith.constant 1 : i32
          %add3A_380 = vector.broadcast %add3A_379 : i32 to vector<16xi32>
          %add3A_381 = arith.addi %add3A_377, %add3A_380 : vector<16xi32>
          %gather3A_382 = tpu.vector_load_idx %arg11[%add3A_381] : memref<3840xf32, #tpu.memory_space<vmem>>[vector<16xi32>], vector<16xf32>,
          %add3A_383 = arith.constant 2 : i32
          %add3A_384 = vector.broadcast %add3A_383 : i32 to vector<16xi32>
          %add3A_385 = arith.addi %add3A_377, %add3A_384 : vector<16xi32>
          %gather3A_386 = tpu.vector_load_idx %arg11[%add3A_385] : memref<3840xf32, #tpu.memory_space<vmem>>[vector<16xi32>], vector<16xf32>,
          %mul3A_387 = arith.mulf %gather3A_378, %gather3A_378 : vector<16xf32>
          %mul3A_388 = arith.mulf %gather3A_382, %gather3A_382 : vector<16xf32>
          %add3A_389 = arith.addf %mul3A_387, %mul3A_388 : vector<16xf32>
          %mul3A_390 = arith.mulf %gather3A_386, %gather3A_386 : vector<16xf32>
          %add3A_391 = arith.addf %add3A_389, %mul3A_390 : vector<16xf32>
          %mul3A_392 = arith.constant -1.000000e-01 : f32
          %mul3A_393 = vector.broadcast %mul3A_392 : f32 to vector<16xf32>
          %mul3A_394 = arith.mulf %add3A_391, %mul3A_393 : vector<16xf32>
          %exp3A_395 = math.exp %mul3A_394 : vector<16xf32>
          %mul3A_396 = arith.constant -2.000000e-01 : f32
          %mul3A_397 = vector.broadcast %mul3A_396 : f32 to vector<16xf32>
          %mul3A_398 = arith.mulf %exp3A_395, %mul3A_397 : vector<16xf32>
          %mul3A_399 = arith.mulf %gather3A_378, %get3A_23 : vector<16xf32>
          %mul3A_400 = arith.mulf %gather3A_382, %get3A_27 : vector<16xf32>
          %add3A_401 = arith.addf %mul3A_399, %mul3A_400 : vector<16xf32>
          %mul3A_402 = arith.mulf %gather3A_386, %get3A_31 : vector<16xf32>
          %add3A_403 = arith.addf %add3A_401, %mul3A_402 : vector<16xf32>
          %abs3A_404 = math.absf %add3A_403 : vector<16xf32>
          %mul3A_405 = arith.constant -2.000000e+00 : f32
          %mul3A_406 = vector.broadcast %mul3A_405 : f32 to vector<16xf32>
          %mul3A_407 = arith.mulf %abs3A_404, %mul3A_406 : vector<16xf32>
          %exp3A_408 = math.exp %mul3A_407 : vector<16xf32>
          %add3A_409 = arith.constant 1.000000e+00 : f32
          %add3A_410 = vector.broadcast %add3A_409 : f32 to vector<16xf32>
          %add3A_411 = arith.addf %exp3A_408, %add3A_410 : vector<16xf32>
          %mul3A_412 = arith.constant 4.000000e+00 : f32
          %mul3A_413 = vector.broadcast %mul3A_412 : f32 to vector<16xf32>
          %mul3A_414 = arith.mulf %mul3A_413, %exp3A_408 : vector<16xf32>
          %mul3A_415 = arith.mulf %add3A_411, %add3A_411 : vector<16xf32>
          %div3A_416 = arith.divf %mul3A_414, %mul3A_415 : vector<16xf32>
          %mul3A_417 = arith.mulf %mul3A_398, %gather3A_378 : vector<16xf32>
          %mul3A_418 = arith.mulf %div3A_416, %get3A_23 : vector<16xf32>
          %add3A_419 = arith.addf %mul3A_417, %mul3A_418 : vector<16xf32>
          %mul3A_420 = arith.mulf %mul3A_398, %gather3A_382 : vector<16xf32>
          %mul3A_421 = arith.mulf %div3A_416, %get3A_27 : vector<16xf32>
          %add3A_422 = arith.addf %mul3A_420, %mul3A_421 : vector<16xf32>
          %mul3A_423 = arith.mulf %mul3A_398, %gather3A_386 : vector<16xf32>
          %mul3A_424 = arith.mulf %div3A_416, %get3A_31 : vector<16xf32>
          %add3A_425 = arith.addf %mul3A_423, %mul3A_424 : vector<16xf32>
          %swap3A_426 = arith.constant 0 : i32
          %swap3A_427 = arith.index_cast %swap3A_426 : i32 to index
          %swap3A_428 = arith.constant 32 : index
          %swap3A_429 = tpu.vector_load %arg14[%swap3A_427, %swap3A_428] {strides = array<i32>} : memref<3x128xi32, #tpu.memory_space<vmem>>, vector<16xi32>,
          tpu.vector_store %arg14[%swap3A_427, %swap3A_428], %get3A_371 {strides = array<i32>} : memref<3x128xi32, #tpu.memory_space<vmem>>, vector<16xi32>,
          %add3A_430 = arith.constant 51200 : i32
          %add3A_431 = vector.broadcast %add3A_430 : i32 to vector<16xi32>
          %add3A_432 = arith.addi %get3A_371, %add3A_431 : vector<16xi32>
          %swap3A_433 = arith.constant 1 : i32
          %swap3A_434 = arith.index_cast %swap3A_433 : i32 to index
          %swap3A_435 = arith.constant 32 : index
          %swap3A_436 = tpu.vector_load %arg14[%swap3A_434, %swap3A_435] {strides = array<i32>} : memref<3x128xi32, #tpu.memory_space<vmem>>, vector<16xi32>,
          tpu.vector_store %arg14[%swap3A_434, %swap3A_435], %add3A_432 {strides = array<i32>} : memref<3x128xi32, #tpu.memory_space<vmem>>, vector<16xi32>,
          %add3A_437 = arith.constant 102400 : i32
          %add3A_438 = vector.broadcast %add3A_437 : i32 to vector<16xi32>
          %add3A_439 = arith.addi %get3A_371, %add3A_438 : vector<16xi32>
          %swap3A_440 = arith.constant 2 : i32
          %swap3A_441 = arith.index_cast %swap3A_440 : i32 to index
          %swap3A_442 = arith.constant 32 : index
          %swap3A_443 = tpu.vector_load %arg14[%swap3A_441, %swap3A_442] {strides = array<i32>} : memref<3x128xi32, #tpu.memory_space<vmem>>, vector<16xi32>,
          tpu.vector_store %arg14[%swap3A_441, %swap3A_442], %add3A_439 {strides = array<i32>} : memref<3x128xi32, #tpu.memory_space<vmem>>, vector<16xi32>,
          %swap3A_444 = arith.constant 0 : i32
          %swap3A_445 = arith.index_cast %swap3A_444 : i32 to index
          %swap3A_446 = arith.constant 32 : index
          %swap3A_447 = tpu.vector_load %arg15[%swap3A_445, %swap3A_446] {strides = array<i32>} : memref<3x128xi32, #tpu.memory_space<vmem>>, vector<16xi32>,
          tpu.vector_store %arg15[%swap3A_445, %swap3A_446], %get3A_373 {strides = array<i32>} : memref<3x128xi32, #tpu.memory_space<vmem>>, vector<16xi32>,
          %add3A_448 = arith.constant 51200 : i32
          %add3A_449 = vector.broadcast %add3A_448 : i32 to vector<16xi32>
          %add3A_450 = arith.addi %get3A_373, %add3A_449 : vector<16xi32>
          %swap3A_451 = arith.constant 1 : i32
          %swap3A_452 = arith.index_cast %swap3A_451 : i32 to index
          %swap3A_453 = arith.constant 32 : index
          %swap3A_454 = tpu.vector_load %arg15[%swap3A_452, %swap3A_453] {strides = array<i32>} : memref<3x128xi32, #tpu.memory_space<vmem>>, vector<16xi32>,
          tpu.vector_store %arg15[%swap3A_452, %swap3A_453], %add3A_450 {strides = array<i32>} : memref<3x128xi32, #tpu.memory_space<vmem>>, vector<16xi32>,
          %add3A_455 = arith.constant 102400 : i32
          %add3A_456 = vector.broadcast %add3A_455 : i32 to vector<16xi32>
          %add3A_457 = arith.addi %get3A_373, %add3A_456 : vector<16xi32>
          %swap3A_458 = arith.constant 2 : i32
          %swap3A_459 = arith.index_cast %swap3A_458 : i32 to index
          %swap3A_460 = arith.constant 32 : index
          %swap3A_461 = tpu.vector_load %arg15[%swap3A_459, %swap3A_460] {strides = array<i32>} : memref<3x128xi32, #tpu.memory_space<vmem>>, vector<16xi32>,
          tpu.vector_store %arg15[%swap3A_459, %swap3A_460], %add3A_457 {strides = array<i32>} : memref<3x128xi32, #tpu.memory_space<vmem>>, vector<16xi32>,
          %swap3A_462 = arith.constant 0 : i32
          %swap3A_463 = arith.index_cast %swap3A_462 : i32 to index
          %swap3A_464 = arith.constant 32 : index
          %swap3A_465 = tpu.vector_load %arg16[%swap3A_463, %swap3A_464] {strides = array<i32>} : memref<3x128xf32, #tpu.memory_space<vmem>>, vector<16xf32>,
          tpu.vector_store %arg16[%swap3A_463, %swap3A_464], %add3A_419 {strides = array<i32>} : memref<3x128xf32, #tpu.memory_space<vmem>>, vector<16xf32>,
          %swap3A_466 = arith.constant 1 : i32
          %swap3A_467 = arith.index_cast %swap3A_466 : i32 to index
          %swap3A_468 = arith.constant 32 : index
          %swap3A_469 = tpu.vector_load %arg16[%swap3A_467, %swap3A_468] {strides = array<i32>} : memref<3x128xf32, #tpu.memory_space<vmem>>, vector<16xf32>,
          tpu.vector_store %arg16[%swap3A_467, %swap3A_468], %add3A_422 {strides = array<i32>} : memref<3x128xf32, #tpu.memory_space<vmem>>, vector<16xf32>,
          %swap3A_470 = arith.constant 2 : i32
          %swap3A_471 = arith.index_cast %swap3A_470 : i32 to index
          %swap3A_472 = arith.constant 32 : index
          %swap3A_473 = tpu.vector_load %arg16[%swap3A_471, %swap3A_472] {strides = array<i32>} : memref<3x128xf32, #tpu.memory_space<vmem>>, vector<16xf32>,
          tpu.vector_store %arg16[%swap3A_471, %swap3A_472], %add3A_425 {strides = array<i32>} : memref<3x128xf32, #tpu.memory_space<vmem>>, vector<16xf32>,
          %neg3A_474 = arith.constant 0.000000e+00 : f32
          %neg3A_475 = vector.broadcast %neg3A_474 : f32 to vector<16xf32>
          %neg3A_476 = arith.subf %neg3A_475, %add3A_419 : vector<16xf32>
          %swap3A_477 = arith.constant 0 : i32
          %swap3A_478 = arith.index_cast %swap3A_477 : i32 to index
          %swap3A_479 = arith.constant 32 : index
          %swap3A_480 = tpu.vector_load %arg17[%swap3A_478, %swap3A_479] {strides = array<i32>} : memref<3x128xf32, #tpu.memory_space<vmem>>, vector<16xf32>,
          tpu.vector_store %arg17[%swap3A_478, %swap3A_479], %neg3A_476 {strides = array<i32>} : memref<3x128xf32, #tpu.memory_space<vmem>>, vector<16xf32>,
          %neg3A_481 = arith.constant 0.000000e+00 : f32
          %neg3A_482 = vector.broadcast %neg3A_481 : f32 to vector<16xf32>
          %neg3A_483 = arith.subf %neg3A_482, %add3A_422 : vector<16xf32>
          %swap3A_484 = arith.constant 1 : i32
          %swap3A_485 = arith.index_cast %swap3A_484 : i32 to index
          %swap3A_486 = arith.constant 32 : index
          %swap3A_487 = tpu.vector_load %arg17[%swap3A_485, %swap3A_486] {strides = array<i32>} : memref<3x128xf32, #tpu.memory_space<vmem>>, vector<16xf32>,
          tpu.vector_store %arg17[%swap3A_485, %swap3A_486], %neg3A_483 {strides = array<i32>} : memref<3x128xf32, #tpu.memory_space<vmem>>, vector<16xf32>,
          %neg3A_488 = arith.constant 0.000000e+00 : f32
          %neg3A_489 = vector.broadcast %neg3A_488 : f32 to vector<16xf32>
          %neg3A_490 = arith.subf %neg3A_489, %add3A_425 : vector<16xf32>
          %swap3A_491 = arith.constant 2 : i32
          %swap3A_492 = arith.index_cast %swap3A_491 : i32 to index
          %swap3A_493 = arith.constant 32 : index
          %swap3A_494 = tpu.vector_load %arg17[%swap3A_492, %swap3A_493] {strides = array<i32>} : memref<3x128xf32, #tpu.memory_space<vmem>>, vector<16xf32>,
          tpu.vector_store %arg17[%swap3A_492, %swap3A_493], %neg3A_490 {strides = array<i32>} : memref<3x128xf32, #tpu.memory_space<vmem>>, vector<16xf32>,
          %gather3A_495 = tpu.vector_load_idx %arg10[%get3A_373] : memref<50000xi32, #tpu.memory_space<vmem>>[vector<16xi32>], vector<16xi32>,
          %mul3A_496 = arith.constant 6 : i32
          %mul3A_497 = vector.broadcast %mul3A_496 : i32 to vector<16xi32>
          %mul3A_498 = arith.muli %gather3A_495, %mul3A_497 : vector<16xi32>
          %add3A_499 = arith.addi %mul3A_6, %mul3A_498 : vector<16xi32>
          %mul3A_500 = arith.mulf %gather3A_378, %add3A_419 : vector<16xf32>
          tpu.vector_store_idx %arg18[%add3A_499], %mul3A_500 {add = true} : memref<6144xf32, #tpu.memory_space<vmem>>[vector<16xi32>], vector<16xf32>,
          %add3A_501 = arith.constant 1 : i32
          %add3A_502 = vector.broadcast %add3A_501 : i32 to vector<16xi32>
          %add3A_503 = arith.addi %add3A_499, %add3A_502 : vector<16xi32>
          %mul3A_504 = arith.mulf %gather3A_382, %add3A_422 : vector<16xf32>
          tpu.vector_store_idx %arg18[%add3A_503], %mul3A_504 {add = true} : memref<6144xf32, #tpu.memory_space<vmem>>[vector<16xi32>], vector<16xf32>,
          %add3A_505 = arith.constant 2 : i32
          %add3A_506 = vector.broadcast %add3A_505 : i32 to vector<16xi32>
          %add3A_507 = arith.addi %add3A_499, %add3A_506 : vector<16xi32>
          %mul3A_508 = arith.mulf %gather3A_386, %add3A_425 : vector<16xf32>
          tpu.vector_store_idx %arg18[%add3A_507], %mul3A_508 {add = true} : memref<6144xf32, #tpu.memory_space<vmem>>[vector<16xi32>], vector<16xf32>,
          %add3A_509 = arith.constant 3 : i32
          %add3A_510 = vector.broadcast %add3A_509 : i32 to vector<16xi32>
          %add3A_511 = arith.addi %add3A_499, %add3A_510 : vector<16xi32>
          %mul3A_512 = arith.mulf %gather3A_378, %add3A_422 : vector<16xf32>
          tpu.vector_store_idx %arg18[%add3A_511], %mul3A_512 {add = true} : memref<6144xf32, #tpu.memory_space<vmem>>[vector<16xi32>], vector<16xf32>,
          %add3A_513 = arith.constant 4 : i32
          %add3A_514 = vector.broadcast %add3A_513 : i32 to vector<16xi32>
          %add3A_515 = arith.addi %add3A_499, %add3A_514 : vector<16xi32>
          %mul3A_516 = arith.mulf %gather3A_382, %add3A_425 : vector<16xf32>
          tpu.vector_store_idx %arg18[%add3A_515], %mul3A_516 {add = true} : memref<6144xf32, #tpu.memory_space<vmem>>[vector<16xi32>], vector<16xf32>,
          %add3A_517 = arith.constant 5 : i32
          %add3A_518 = vector.broadcast %add3A_517 : i32 to vector<16xi32>
          %add3A_519 = arith.addi %add3A_499, %add3A_518 : vector<16xi32>
          %mul3A_520 = arith.mulf %gather3A_386, %add3A_419 : vector<16xf32>
          tpu.vector_store_idx %arg18[%add3A_519], %mul3A_520 {add = true} : memref<6144xf32, #tpu.memory_space<vmem>>[vector<16xi32>], vector<16xf32>,
          %mul3A_521 = arith.constant 128 : i32
          %mul3A_522 = arith.muli %scan3A_61, %mul3A_521 : i32
          %add3A_523 = arith.constant 48 : i32
          %add3A_524 = arith.addi %mul3A_522, %add3A_523 : i32
          %get3A_525 = arith.index_cast %add3A_524 : i32 to index
          %get3A_526 = tpu.vector_load %arg12[%get3A_525] {strides = array<i32>} : memref<1280xi32, #tpu.memory_space<vmem>>, vector<16xi32>,
          %get3A_527 = arith.index_cast %add3A_524 : i32 to index
          %get3A_528 = tpu.vector_load %arg13[%get3A_527] {strides = array<i32>} : memref<1280xi32, #tpu.memory_space<vmem>>, vector<16xi32>,
          %mul3A_529 = arith.constant 3 : i32
          %mul3A_530 = arith.muli %add3A_524, %mul3A_529 : i32
          %add3A_531 = vector.broadcast %mul3A_530 : i32 to vector<16xi32>
          %add3A_532 = arith.addi %add3A_531, %mul3A_3 : vector<16xi32>
          %gather3A_533 = tpu.vector_load_idx %arg11[%add3A_532] : memref<3840xf32, #tpu.memory_space<vmem>>[vector<16xi32>], vector<16xf32>,
          %add3A_534 = arith.constant 1 : i32
          %add3A_535 = vector.broadcast %add3A_534 : i32 to vector<16xi32>
          %add3A_536 = arith.addi %add3A_532, %add3A_535 : vector<16xi32>
          %gather3A_537 = tpu.vector_load_idx %arg11[%add3A_536] : memref<3840xf32, #tpu.memory_space<vmem>>[vector<16xi32>], vector<16xf32>,
          %add3A_538 = arith.constant 2 : i32
          %add3A_539 = vector.broadcast %add3A_538 : i32 to vector<16xi32>
          %add3A_540 = arith.addi %add3A_532, %add3A_539 : vector<16xi32>
          %gather3A_541 = tpu.vector_load_idx %arg11[%add3A_540] : memref<3840xf32, #tpu.memory_space<vmem>>[vector<16xi32>], vector<16xf32>,
          %mul3A_542 = arith.mulf %gather3A_533, %gather3A_533 : vector<16xf32>
          %mul3A_543 = arith.mulf %gather3A_537, %gather3A_537 : vector<16xf32>
          %add3A_544 = arith.addf %mul3A_542, %mul3A_543 : vector<16xf32>
          %mul3A_545 = arith.mulf %gather3A_541, %gather3A_541 : vector<16xf32>
          %add3A_546 = arith.addf %add3A_544, %mul3A_545 : vector<16xf32>
          %mul3A_547 = arith.constant -1.000000e-01 : f32
          %mul3A_548 = vector.broadcast %mul3A_547 : f32 to vector<16xf32>
          %mul3A_549 = arith.mulf %add3A_546, %mul3A_548 : vector<16xf32>
          %exp3A_550 = math.exp %mul3A_549 : vector<16xf32>
          %mul3A_551 = arith.constant -2.000000e-01 : f32
          %mul3A_552 = vector.broadcast %mul3A_551 : f32 to vector<16xf32>
          %mul3A_553 = arith.mulf %exp3A_550, %mul3A_552 : vector<16xf32>
          %mul3A_554 = arith.mulf %gather3A_533, %get3A_23 : vector<16xf32>
          %mul3A_555 = arith.mulf %gather3A_537, %get3A_27 : vector<16xf32>
          %add3A_556 = arith.addf %mul3A_554, %mul3A_555 : vector<16xf32>
          %mul3A_557 = arith.mulf %gather3A_541, %get3A_31 : vector<16xf32>
          %add3A_558 = arith.addf %add3A_556, %mul3A_557 : vector<16xf32>
          %abs3A_559 = math.absf %add3A_558 : vector<16xf32>
          %mul3A_560 = arith.constant -2.000000e+00 : f32
          %mul3A_561 = vector.broadcast %mul3A_560 : f32 to vector<16xf32>
          %mul3A_562 = arith.mulf %abs3A_559, %mul3A_561 : vector<16xf32>
          %exp3A_563 = math.exp %mul3A_562 : vector<16xf32>
          %add3A_564 = arith.constant 1.000000e+00 : f32
          %add3A_565 = vector.broadcast %add3A_564 : f32 to vector<16xf32>
          %add3A_566 = arith.addf %exp3A_563, %add3A_565 : vector<16xf32>
          %mul3A_567 = arith.constant 4.000000e+00 : f32
          %mul3A_568 = vector.broadcast %mul3A_567 : f32 to vector<16xf32>
          %mul3A_569 = arith.mulf %mul3A_568, %exp3A_563 : vector<16xf32>
          %mul3A_570 = arith.mulf %add3A_566, %add3A_566 : vector<16xf32>
          %div3A_571 = arith.divf %mul3A_569, %mul3A_570 : vector<16xf32>
          %mul3A_572 = arith.mulf %mul3A_553, %gather3A_533 : vector<16xf32>
          %mul3A_573 = arith.mulf %div3A_571, %get3A_23 : vector<16xf32>
          %add3A_574 = arith.addf %mul3A_572, %mul3A_573 : vector<16xf32>
          %mul3A_575 = arith.mulf %mul3A_553, %gather3A_537 : vector<16xf32>
          %mul3A_576 = arith.mulf %div3A_571, %get3A_27 : vector<16xf32>
          %add3A_577 = arith.addf %mul3A_575, %mul3A_576 : vector<16xf32>
          %mul3A_578 = arith.mulf %mul3A_553, %gather3A_541 : vector<16xf32>
          %mul3A_579 = arith.mulf %div3A_571, %get3A_31 : vector<16xf32>
          %add3A_580 = arith.addf %mul3A_578, %mul3A_579 : vector<16xf32>
          %swap3A_581 = arith.constant 0 : i32
          %swap3A_582 = arith.index_cast %swap3A_581 : i32 to index
          %swap3A_583 = arith.constant 48 : index
          %swap3A_584 = tpu.vector_load %arg14[%swap3A_582, %swap3A_583] {strides = array<i32>} : memref<3x128xi32, #tpu.memory_space<vmem>>, vector<16xi32>,
          tpu.vector_store %arg14[%swap3A_582, %swap3A_583], %get3A_526 {strides = array<i32>} : memref<3x128xi32, #tpu.memory_space<vmem>>, vector<16xi32>,
          %add3A_585 = arith.constant 51200 : i32
          %add3A_586 = vector.broadcast %add3A_585 : i32 to vector<16xi32>
          %add3A_587 = arith.addi %get3A_526, %add3A_586 : vector<16xi32>
          %swap3A_588 = arith.constant 1 : i32
          %swap3A_589 = arith.index_cast %swap3A_588 : i32 to index
          %swap3A_590 = arith.constant 48 : index
          %swap3A_591 = tpu.vector_load %arg14[%swap3A_589, %swap3A_590] {strides = array<i32>} : memref<3x128xi32, #tpu.memory_space<vmem>>, vector<16xi32>,
          tpu.vector_store %arg14[%swap3A_589, %swap3A_590], %add3A_587 {strides = array<i32>} : memref<3x128xi32, #tpu.memory_space<vmem>>, vector<16xi32>,
          %add3A_592 = arith.constant 102400 : i32
          %add3A_593 = vector.broadcast %add3A_592 : i32 to vector<16xi32>
          %add3A_594 = arith.addi %get3A_526, %add3A_593 : vector<16xi32>
          %swap3A_595 = arith.constant 2 : i32
          %swap3A_596 = arith.index_cast %swap3A_595 : i32 to index
          %swap3A_597 = arith.constant 48 : index
          %swap3A_598 = tpu.vector_load %arg14[%swap3A_596, %swap3A_597] {strides = array<i32>} : memref<3x128xi32, #tpu.memory_space<vmem>>, vector<16xi32>,
          tpu.vector_store %arg14[%swap3A_596, %swap3A_597], %add3A_594 {strides = array<i32>} : memref<3x128xi32, #tpu.memory_space<vmem>>, vector<16xi32>,
          %swap3A_599 = arith.constant 0 : i32
          %swap3A_600 = arith.index_cast %swap3A_599 : i32 to index
          %swap3A_601 = arith.constant 48 : index
          %swap3A_602 = tpu.vector_load %arg15[%swap3A_600, %swap3A_601] {strides = array<i32>} : memref<3x128xi32, #tpu.memory_space<vmem>>, vector<16xi32>,
          tpu.vector_store %arg15[%swap3A_600, %swap3A_601], %get3A_528 {strides = array<i32>} : memref<3x128xi32, #tpu.memory_space<vmem>>, vector<16xi32>,
          %add3A_603 = arith.constant 51200 : i32
          %add3A_604 = vector.broadcast %add3A_603 : i32 to vector<16xi32>
          %add3A_605 = arith.addi %get3A_528, %add3A_604 : vector<16xi32>
          %swap3A_606 = arith.constant 1 : i32
          %swap3A_607 = arith.index_cast %swap3A_606 : i32 to index
          %swap3A_608 = arith.constant 48 : index
          %swap3A_609 = tpu.vector_load %arg15[%swap3A_607, %swap3A_608] {strides = array<i32>} : memref<3x128xi32, #tpu.memory_space<vmem>>, vector<16xi32>,
          tpu.vector_store %arg15[%swap3A_607, %swap3A_608], %add3A_605 {strides = array<i32>} : memref<3x128xi32, #tpu.memory_space<vmem>>, vector<16xi32>,
          %add3A_610 = arith.constant 102400 : i32
          %add3A_611 = vector.broadcast %add3A_610 : i32 to vector<16xi32>
          %add3A_612 = arith.addi %get3A_528, %add3A_611 : vector<16xi32>
          %swap3A_613 = arith.constant 2 : i32
          %swap3A_614 = arith.index_cast %swap3A_613 : i32 to index
          %swap3A_615 = arith.constant 48 : index
          %swap3A_616 = tpu.vector_load %arg15[%swap3A_614, %swap3A_615] {strides = array<i32>} : memref<3x128xi32, #tpu.memory_space<vmem>>, vector<16xi32>,
          tpu.vector_store %arg15[%swap3A_614, %swap3A_615], %add3A_612 {strides = array<i32>} : memref<3x128xi32, #tpu.memory_space<vmem>>, vector<16xi32>,
          %swap3A_617 = arith.constant 0 : i32
          %swap3A_618 = arith.index_cast %swap3A_617 : i32 to index
          %swap3A_619 = arith.constant 48 : index
          %swap3A_620 = tpu.vector_load %arg16[%swap3A_618, %swap3A_619] {strides = array<i32>} : memref<3x128xf32, #tpu.memory_space<vmem>>, vector<16xf32>,
          tpu.vector_store %arg16[%swap3A_618, %swap3A_619], %add3A_574 {strides = array<i32>} : memref<3x128xf32, #tpu.memory_space<vmem>>, vector<16xf32>,
          %swap3A_621 = arith.constant 1 : i32
          %swap3A_622 = arith.index_cast %swap3A_621 : i32 to index
          %swap3A_623 = arith.constant 48 : index
          %swap3A_624 = tpu.vector_load %arg16[%swap3A_622, %swap3A_623] {strides = array<i32>} : memref<3x128xf32, #tpu.memory_space<vmem>>, vector<16xf32>,
          tpu.vector_store %arg16[%swap3A_622, %swap3A_623], %add3A_577 {strides = array<i32>} : memref<3x128xf32, #tpu.memory_space<vmem>>, vector<16xf32>,
          %swap3A_625 = arith.constant 2 : i32
          %swap3A_626 = arith.index_cast %swap3A_625 : i32 to index
          %swap3A_627 = arith.constant 48 : index
          %swap3A_628 = tpu.vector_load %arg16[%swap3A_626, %swap3A_627] {strides = array<i32>} : memref<3x128xf32, #tpu.memory_space<vmem>>, vector<16xf32>,
          tpu.vector_store %arg16[%swap3A_626, %swap3A_627], %add3A_580 {strides = array<i32>} : memref<3x128xf32, #tpu.memory_space<vmem>>, vector<16xf32>,
          %neg3A_629 = arith.constant 0.000000e+00 : f32
          %neg3A_630 = vector.broadcast %neg3A_629 : f32 to vector<16xf32>
          %neg3A_631 = arith.subf %neg3A_630, %add3A_574 : vector<16xf32>
          %swap3A_632 = arith.constant 0 : i32
          %swap3A_633 = arith.index_cast %swap3A_632 : i32 to index
          %swap3A_634 = arith.constant 48 : index
          %swap3A_635 = tpu.vector_load %arg17[%swap3A_633, %swap3A_634] {strides = array<i32>} : memref<3x128xf32, #tpu.memory_space<vmem>>, vector<16xf32>,
          tpu.vector_store %arg17[%swap3A_633, %swap3A_634], %neg3A_631 {strides = array<i32>} : memref<3x128xf32, #tpu.memory_space<vmem>>, vector<16xf32>,
          %neg3A_636 = arith.constant 0.000000e+00 : f32
          %neg3A_637 = vector.broadcast %neg3A_636 : f32 to vector<16xf32>
          %neg3A_638 = arith.subf %neg3A_637, %add3A_577 : vector<16xf32>
          %swap3A_639 = arith.constant 1 : i32
          %swap3A_640 = arith.index_cast %swap3A_639 : i32 to index
          %swap3A_641 = arith.constant 48 : index
          %swap3A_642 = tpu.vector_load %arg17[%swap3A_640, %swap3A_641] {strides = array<i32>} : memref<3x128xf32, #tpu.memory_space<vmem>>, vector<16xf32>,
          tpu.vector_store %arg17[%swap3A_640, %swap3A_641], %neg3A_638 {strides = array<i32>} : memref<3x128xf32, #tpu.memory_space<vmem>>, vector<16xf32>,
          %neg3A_643 = arith.constant 0.000000e+00 : f32
          %neg3A_644 = vector.broadcast %neg3A_643 : f32 to vector<16xf32>
          %neg3A_645 = arith.subf %neg3A_644, %add3A_580 : vector<16xf32>
          %swap3A_646 = arith.constant 2 : i32
          %swap3A_647 = arith.index_cast %swap3A_646 : i32 to index
          %swap3A_648 = arith.constant 48 : index
          %swap3A_649 = tpu.vector_load %arg17[%swap3A_647, %swap3A_648] {strides = array<i32>} : memref<3x128xf32, #tpu.memory_space<vmem>>, vector<16xf32>,
          tpu.vector_store %arg17[%swap3A_647, %swap3A_648], %neg3A_645 {strides = array<i32>} : memref<3x128xf32, #tpu.memory_space<vmem>>, vector<16xf32>,
          %gather3A_650 = tpu.vector_load_idx %arg10[%get3A_528] : memref<50000xi32, #tpu.memory_space<vmem>>[vector<16xi32>], vector<16xi32>,
          %mul3A_651 = arith.constant 6 : i32
          %mul3A_652 = vector.broadcast %mul3A_651 : i32 to vector<16xi32>
          %mul3A_653 = arith.muli %gather3A_650, %mul3A_652 : vector<16xi32>
          %add3A_654 = arith.addi %mul3A_6, %mul3A_653 : vector<16xi32>
          %mul3A_655 = arith.mulf %gather3A_533, %add3A_574 : vector<16xf32>
          tpu.vector_store_idx %arg18[%add3A_654], %mul3A_655 {add = true} : memref<6144xf32, #tpu.memory_space<vmem>>[vector<16xi32>], vector<16xf32>,
          %add3A_656 = arith.constant 1 : i32
          %add3A_657 = vector.broadcast %add3A_656 : i32 to vector<16xi32>
          %add3A_658 = arith.addi %add3A_654, %add3A_657 : vector<16xi32>
          %mul3A_659 = arith.mulf %gather3A_537, %add3A_577 : vector<16xf32>
          tpu.vector_store_idx %arg18[%add3A_658], %mul3A_659 {add = true} : memref<6144xf32, #tpu.memory_space<vmem>>[vector<16xi32>], vector<16xf32>,
          %add3A_660 = arith.constant 2 : i32
          %add3A_661 = vector.broadcast %add3A_660 : i32 to vector<16xi32>
          %add3A_662 = arith.addi %add3A_654, %add3A_661 : vector<16xi32>
          %mul3A_663 = arith.mulf %gather3A_541, %add3A_580 : vector<16xf32>
          tpu.vector_store_idx %arg18[%add3A_662], %mul3A_663 {add = true} : memref<6144xf32, #tpu.memory_space<vmem>>[vector<16xi32>], vector<16xf32>,
          %add3A_664 = arith.constant 3 : i32
          %add3A_665 = vector.broadcast %add3A_664 : i32 to vector<16xi32>
          %add3A_666 = arith.addi %add3A_654, %add3A_665 : vector<16xi32>
          %mul3A_667 = arith.mulf %gather3A_533, %add3A_577 : vector<16xf32>
          tpu.vector_store_idx %arg18[%add3A_666], %mul3A_667 {add = true} : memref<6144xf32, #tpu.memory_space<vmem>>[vector<16xi32>], vector<16xf32>,
          %add3A_668 = arith.constant 4 : i32
          %add3A_669 = vector.broadcast %add3A_668 : i32 to vector<16xi32>
          %add3A_670 = arith.addi %add3A_654, %add3A_669 : vector<16xi32>
          %mul3A_671 = arith.mulf %gather3A_537, %add3A_580 : vector<16xf32>
          tpu.vector_store_idx %arg18[%add3A_670], %mul3A_671 {add = true} : memref<6144xf32, #tpu.memory_space<vmem>>[vector<16xi32>], vector<16xf32>,
          %add3A_672 = arith.constant 5 : i32
          %add3A_673 = vector.broadcast %add3A_672 : i32 to vector<16xi32>
          %add3A_674 = arith.addi %add3A_654, %add3A_673 : vector<16xi32>
          %mul3A_675 = arith.mulf %gather3A_541, %add3A_574 : vector<16xf32>
          tpu.vector_store_idx %arg18[%add3A_674], %mul3A_675 {add = true} : memref<6144xf32, #tpu.memory_space<vmem>>[vector<16xi32>], vector<16xf32>,
          %mul3A_676 = arith.constant 128 : i32
          %mul3A_677 = arith.muli %scan3A_61, %mul3A_676 : i32
          %add3A_678 = arith.constant 64 : i32
          %add3A_679 = arith.addi %mul3A_677, %add3A_678 : i32
          %get3A_680 = arith.index_cast %add3A_679 : i32 to index
          %get3A_681 = tpu.vector_load %arg12[%get3A_680] {strides = array<i32>} : memref<1280xi32, #tpu.memory_space<vmem>>, vector<16xi32>,
          %get3A_682 = arith.index_cast %add3A_679 : i32 to index
          %get3A_683 = tpu.vector_load %arg13[%get3A_682] {strides = array<i32>} : memref<1280xi32, #tpu.memory_space<vmem>>, vector<16xi32>,
          %mul3A_684 = arith.constant 3 : i32
          %mul3A_685 = arith.muli %add3A_679, %mul3A_684 : i32
          %add3A_686 = vector.broadcast %mul3A_685 : i32 to vector<16xi32>
          %add3A_687 = arith.addi %add3A_686, %mul3A_3 : vector<16xi32>
          %gather3A_688 = tpu.vector_load_idx %arg11[%add3A_687] : memref<3840xf32, #tpu.memory_space<vmem>>[vector<16xi32>], vector<16xf32>,
          %add3A_689 = arith.constant 1 : i32
          %add3A_690 = vector.broadcast %add3A_689 : i32 to vector<16xi32>
          %add3A_691 = arith.addi %add3A_687, %add3A_690 : vector<16xi32>
          %gather3A_692 = tpu.vector_load_idx %arg11[%add3A_691] : memref<3840xf32, #tpu.memory_space<vmem>>[vector<16xi32>], vector<16xf32>,
          %add3A_693 = arith.constant 2 : i32
          %add3A_694 = vector.broadcast %add3A_693 : i32 to vector<16xi32>
          %add3A_695 = arith.addi %add3A_687, %add3A_694 : vector<16xi32>
          %gather3A_696 = tpu.vector_load_idx %arg11[%add3A_695] : memref<3840xf32, #tpu.memory_space<vmem>>[vector<16xi32>], vector<16xf32>,
          %mul3A_697 = arith.mulf %gather3A_688, %gather3A_688 : vector<16xf32>
          %mul3A_698 = arith.mulf %gather3A_692, %gather3A_692 : vector<16xf32>
          %add3A_699 = arith.addf %mul3A_697, %mul3A_698 : vector<16xf32>
          %mul3A_700 = arith.mulf %gather3A_696, %gather3A_696 : vector<16xf32>
          %add3A_701 = arith.addf %add3A_699, %mul3A_700 : vector<16xf32>
          %mul3A_702 = arith.constant -1.000000e-01 : f32
          %mul3A_703 = vector.broadcast %mul3A_702 : f32 to vector<16xf32>
          %mul3A_704 = arith.mulf %add3A_701, %mul3A_703 : vector<16xf32>
          %exp3A_705 = math.exp %mul3A_704 : vector<16xf32>
          %mul3A_706 = arith.constant -2.000000e-01 : f32
          %mul3A_707 = vector.broadcast %mul3A_706 : f32 to vector<16xf32>
          %mul3A_708 = arith.mulf %exp3A_705, %mul3A_707 : vector<16xf32>
          %mul3A_709 = arith.mulf %gather3A_688, %get3A_23 : vector<16xf32>
          %mul3A_710 = arith.mulf %gather3A_692, %get3A_27 : vector<16xf32>
          %add3A_711 = arith.addf %mul3A_709, %mul3A_710 : vector<16xf32>
          %mul3A_712 = arith.mulf %gather3A_696, %get3A_31 : vector<16xf32>
          %add3A_713 = arith.addf %add3A_711, %mul3A_712 : vector<16xf32>
          %abs3A_714 = math.absf %add3A_713 : vector<16xf32>
          %mul3A_715 = arith.constant -2.000000e+00 : f32
          %mul3A_716 = vector.broadcast %mul3A_715 : f32 to vector<16xf32>
          %mul3A_717 = arith.mulf %abs3A_714, %mul3A_716 : vector<16xf32>
          %exp3A_718 = math.exp %mul3A_717 : vector<16xf32>
          %add3A_719 = arith.constant 1.000000e+00 : f32
          %add3A_720 = vector.broadcast %add3A_719 : f32 to vector<16xf32>
          %add3A_721 = arith.addf %exp3A_718, %add3A_720 : vector<16xf32>
          %mul3A_722 = arith.constant 4.000000e+00 : f32
          %mul3A_723 = vector.broadcast %mul3A_722 : f32 to vector<16xf32>
          %mul3A_724 = arith.mulf %mul3A_723, %exp3A_718 : vector<16xf32>
          %mul3A_725 = arith.mulf %add3A_721, %add3A_721 : vector<16xf32>
          %div3A_726 = arith.divf %mul3A_724, %mul3A_725 : vector<16xf32>
          %mul3A_727 = arith.mulf %mul3A_708, %gather3A_688 : vector<16xf32>
          %mul3A_728 = arith.mulf %div3A_726, %get3A_23 : vector<16xf32>
          %add3A_729 = arith.addf %mul3A_727, %mul3A_728 : vector<16xf32>
          %mul3A_730 = arith.mulf %mul3A_708, %gather3A_692 : vector<16xf32>
          %mul3A_731 = arith.mulf %div3A_726, %get3A_27 : vector<16xf32>
          %add3A_732 = arith.addf %mul3A_730, %mul3A_731 : vector<16xf32>
          %mul3A_733 = arith.mulf %mul3A_708, %gather3A_696 : vector<16xf32>
          %mul3A_734 = arith.mulf %div3A_726, %get3A_31 : vector<16xf32>
          %add3A_735 = arith.addf %mul3A_733, %mul3A_734 : vector<16xf32>
          %swap3A_736 = arith.constant 0 : i32
          %swap3A_737 = arith.index_cast %swap3A_736 : i32 to index
          %swap3A_738 = arith.constant 64 : index
          %swap3A_739 = tpu.vector_load %arg14[%swap3A_737, %swap3A_738] {strides = array<i32>} : memref<3x128xi32, #tpu.memory_space<vmem>>, vector<16xi32>,
          tpu.vector_store %arg14[%swap3A_737, %swap3A_738], %get3A_681 {strides = array<i32>} : memref<3x128xi32, #tpu.memory_space<vmem>>, vector<16xi32>,
          %add3A_740 = arith.constant 51200 : i32
          %add3A_741 = vector.broadcast %add3A_740 : i32 to vector<16xi32>
          %add3A_742 = arith.addi %get3A_681, %add3A_741 : vector<16xi32>
          %swap3A_743 = arith.constant 1 : i32
          %swap3A_744 = arith.index_cast %swap3A_743 : i32 to index
          %swap3A_745 = arith.constant 64 : index
          %swap3A_746 = tpu.vector_load %arg14[%swap3A_744, %swap3A_745] {strides = array<i32>} : memref<3x128xi32, #tpu.memory_space<vmem>>, vector<16xi32>,
          tpu.vector_store %arg14[%swap3A_744, %swap3A_745], %add3A_742 {strides = array<i32>} : memref<3x128xi32, #tpu.memory_space<vmem>>, vector<16xi32>,
          %add3A_747 = arith.constant 102400 : i32
          %add3A_748 = vector.broadcast %add3A_747 : i32 to vector<16xi32>
          %add3A_749 = arith.addi %get3A_681, %add3A_748 : vector<16xi32>
          %swap3A_750 = arith.constant 2 : i32
          %swap3A_751 = arith.index_cast %swap3A_750 : i32 to index
          %swap3A_752 = arith.constant 64 : index
          %swap3A_753 = tpu.vector_load %arg14[%swap3A_751, %swap3A_752] {strides = array<i32>} : memref<3x128xi32, #tpu.memory_space<vmem>>, vector<16xi32>,
          tpu.vector_store %arg14[%swap3A_751, %swap3A_752], %add3A_749 {strides = array<i32>} : memref<3x128xi32, #tpu.memory_space<vmem>>, vector<16xi32>,
          %swap3A_754 = arith.constant 0 : i32
          %swap3A_755 = arith.index_cast %swap3A_754 : i32 to index
          %swap3A_756 = arith.constant 64 : index
          %swap3A_757 = tpu.vector_load %arg15[%swap3A_755, %swap3A_756] {strides = array<i32>} : memref<3x128xi32, #tpu.memory_space<vmem>>, vector<16xi32>,
          tpu.vector_store %arg15[%swap3A_755, %swap3A_756], %get3A_683 {strides = array<i32>} : memref<3x128xi32, #tpu.memory_space<vmem>>, vector<16xi32>,
          %add3A_758 = arith.constant 51200 : i32
          %add3A_759 = vector.broadcast %add3A_758 : i32 to vector<16xi32>
          %add3A_760 = arith.addi %get3A_683, %add3A_759 : vector<16xi32>
          %swap3A_761 = arith.constant 1 : i32
          %swap3A_762 = arith.index_cast %swap3A_761 : i32 to index
          %swap3A_763 = arith.constant 64 : index
          %swap3A_764 = tpu.vector_load %arg15[%swap3A_762, %swap3A_763] {strides = array<i32>} : memref<3x128xi32, #tpu.memory_space<vmem>>, vector<16xi32>,
          tpu.vector_store %arg15[%swap3A_762, %swap3A_763], %add3A_760 {strides = array<i32>} : memref<3x128xi32, #tpu.memory_space<vmem>>, vector<16xi32>,
          %add3A_765 = arith.constant 102400 : i32
          %add3A_766 = vector.broadcast %add3A_765 : i32 to vector<16xi32>
          %add3A_767 = arith.addi %get3A_683, %add3A_766 : vector<16xi32>
          %swap3A_768 = arith.constant 2 : i32
          %swap3A_769 = arith.index_cast %swap3A_768 : i32 to index
          %swap3A_770 = arith.constant 64 : index
          %swap3A_771 = tpu.vector_load %arg15[%swap3A_769, %swap3A_770] {strides = array<i32>} : memref<3x128xi32, #tpu.memory_space<vmem>>, vector<16xi32>,
          tpu.vector_store %arg15[%swap3A_769, %swap3A_770], %add3A_767 {strides = array<i32>} : memref<3x128xi32, #tpu.memory_space<vmem>>, vector<16xi32>,
          %swap3A_772 = arith.constant 0 : i32
          %swap3A_773 = arith.index_cast %swap3A_772 : i32 to index
          %swap3A_774 = arith.constant 64 : index
          %swap3A_775 = tpu.vector_load %arg16[%swap3A_773, %swap3A_774] {strides = array<i32>} : memref<3x128xf32, #tpu.memory_space<vmem>>, vector<16xf32>,
          tpu.vector_store %arg16[%swap3A_773, %swap3A_774], %add3A_729 {strides = array<i32>} : memref<3x128xf32, #tpu.memory_space<vmem>>, vector<16xf32>,
          %swap3A_776 = arith.constant 1 : i32
          %swap3A_777 = arith.index_cast %swap3A_776 : i32 to index
          %swap3A_778 = arith.constant 64 : index
          %swap3A_779 = tpu.vector_load %arg16[%swap3A_777, %swap3A_778] {strides = array<i32>} : memref<3x128xf32, #tpu.memory_space<vmem>>, vector<16xf32>,
          tpu.vector_store %arg16[%swap3A_777, %swap3A_778], %add3A_732 {strides = array<i32>} : memref<3x128xf32, #tpu.memory_space<vmem>>, vector<16xf32>,
          %swap3A_780 = arith.constant 2 : i32
          %swap3A_781 = arith.index_cast %swap3A_780 : i32 to index
          %swap3A_782 = arith.constant 64 : index
          %swap3A_783 = tpu.vector_load %arg16[%swap3A_781, %swap3A_782] {strides = array<i32>} : memref<3x128xf32, #tpu.memory_space<vmem>>, vector<16xf32>,
          tpu.vector_store %arg16[%swap3A_781, %swap3A_782], %add3A_735 {strides = array<i32>} : memref<3x128xf32, #tpu.memory_space<vmem>>, vector<16xf32>,
          %neg3A_784 = arith.constant 0.000000e+00 : f32
          %neg3A_785 = vector.broadcast %neg3A_784 : f32 to vector<16xf32>
          %neg3A_786 = arith.subf %neg3A_785, %add3A_729 : vector<16xf32>
          %swap3A_787 = arith.constant 0 : i32
          %swap3A_788 = arith.index_cast %swap3A_787 : i32 to index
          %swap3A_789 = arith.constant 64 : index
          %swap3A_790 = tpu.vector_load %arg17[%swap3A_788, %swap3A_789] {strides = array<i32>} : memref<3x128xf32, #tpu.memory_space<vmem>>, vector<16xf32>,
          tpu.vector_store %arg17[%swap3A_788, %swap3A_789], %neg3A_786 {strides = array<i32>} : memref<3x128xf32, #tpu.memory_space<vmem>>, vector<16xf32>,
          %neg3A_791 = arith.constant 0.000000e+00 : f32
          %neg3A_792 = vector.broadcast %neg3A_791 : f32 to vector<16xf32>
          %neg3A_793 = arith.subf %neg3A_792, %add3A_732 : vector<16xf32>
          %swap3A_794 = arith.constant 1 : i32
          %swap3A_795 = arith.index_cast %swap3A_794 : i32 to index
          %swap3A_796 = arith.constant 64 : index
          %swap3A_797 = tpu.vector_load %arg17[%swap3A_795, %swap3A_796] {strides = array<i32>} : memref<3x128xf32, #tpu.memory_space<vmem>>, vector<16xf32>,
          tpu.vector_store %arg17[%swap3A_795, %swap3A_796], %neg3A_793 {strides = array<i32>} : memref<3x128xf32, #tpu.memory_space<vmem>>, vector<16xf32>,
          %neg3A_798 = arith.constant 0.000000e+00 : f32
          %neg3A_799 = vector.broadcast %neg3A_798 : f32 to vector<16xf32>
          %neg3A_800 = arith.subf %neg3A_799, %add3A_735 : vector<16xf32>
          %swap3A_801 = arith.constant 2 : i32
          %swap3A_802 = arith.index_cast %swap3A_801 : i32 to index
          %swap3A_803 = arith.constant 64 : index
          %swap3A_804 = tpu.vector_load %arg17[%swap3A_802, %swap3A_803] {strides = array<i32>} : memref<3x128xf32, #tpu.memory_space<vmem>>, vector<16xf32>,
          tpu.vector_store %arg17[%swap3A_802, %swap3A_803], %neg3A_800 {strides = array<i32>} : memref<3x128xf32, #tpu.memory_space<vmem>>, vector<16xf32>,
          %gather3A_805 = tpu.vector_load_idx %arg10[%get3A_683] : memref<50000xi32, #tpu.memory_space<vmem>>[vector<16xi32>], vector<16xi32>,
          %mul3A_806 = arith.constant 6 : i32
          %mul3A_807 = vector.broadcast %mul3A_806 : i32 to vector<16xi32>
          %mul3A_808 = arith.muli %gather3A_805, %mul3A_807 : vector<16xi32>
          %add3A_809 = arith.addi %mul3A_6, %mul3A_808 : vector<16xi32>
          %mul3A_810 = arith.mulf %gather3A_688, %add3A_729 : vector<16xf32>
          tpu.vector_store_idx %arg18[%add3A_809], %mul3A_810 {add = true} : memref<6144xf32, #tpu.memory_space<vmem>>[vector<16xi32>], vector<16xf32>,
          %add3A_811 = arith.constant 1 : i32
          %add3A_812 = vector.broadcast %add3A_811 : i32 to vector<16xi32>
          %add3A_813 = arith.addi %add3A_809, %add3A_812 : vector<16xi32>
          %mul3A_814 = arith.mulf %gather3A_692, %add3A_732 : vector<16xf32>
          tpu.vector_store_idx %arg18[%add3A_813], %mul3A_814 {add = true} : memref<6144xf32, #tpu.memory_space<vmem>>[vector<16xi32>], vector<16xf32>,
          %add3A_815 = arith.constant 2 : i32
          %add3A_816 = vector.broadcast %add3A_815 : i32 to vector<16xi32>
          %add3A_817 = arith.addi %add3A_809, %add3A_816 : vector<16xi32>
          %mul3A_818 = arith.mulf %gather3A_696, %add3A_735 : vector<16xf32>
          tpu.vector_store_idx %arg18[%add3A_817], %mul3A_818 {add = true} : memref<6144xf32, #tpu.memory_space<vmem>>[vector<16xi32>], vector<16xf32>,
          %add3A_819 = arith.constant 3 : i32
          %add3A_820 = vector.broadcast %add3A_819 : i32 to vector<16xi32>
          %add3A_821 = arith.addi %add3A_809, %add3A_820 : vector<16xi32>
          %mul3A_822 = arith.mulf %gather3A_688, %add3A_732 : vector<16xf32>
          tpu.vector_store_idx %arg18[%add3A_821], %mul3A_822 {add = true} : memref<6144xf32, #tpu.memory_space<vmem>>[vector<16xi32>], vector<16xf32>,
          %add3A_823 = arith.constant 4 : i32
          %add3A_824 = vector.broadcast %add3A_823 : i32 to vector<16xi32>
          %add3A_825 = arith.addi %add3A_809, %add3A_824 : vector<16xi32>
          %mul3A_826 = arith.mulf %gather3A_692, %add3A_735 : vector<16xf32>
          tpu.vector_store_idx %arg18[%add3A_825], %mul3A_826 {add = true} : memref<6144xf32, #tpu.memory_space<vmem>>[vector<16xi32>], vector<16xf32>,
          %add3A_827 = arith.constant 5 : i32
          %add3A_828 = vector.broadcast %add3A_827 : i32 to vector<16xi32>
          %add3A_829 = arith.addi %add3A_809, %add3A_828 : vector<16xi32>
          %mul3A_830 = arith.mulf %gather3A_696, %add3A_729 : vector<16xf32>
          tpu.vector_store_idx %arg18[%add3A_829], %mul3A_830 {add = true} : memref<6144xf32, #tpu.memory_space<vmem>>[vector<16xi32>], vector<16xf32>,
          %mul3A_831 = arith.constant 128 : i32
          %mul3A_832 = arith.muli %scan3A_61, %mul3A_831 : i32
          %add3A_833 = arith.constant 80 : i32
          %add3A_834 = arith.addi %mul3A_832, %add3A_833 : i32
          %get3A_835 = arith.index_cast %add3A_834 : i32 to index
          %get3A_836 = tpu.vector_load %arg12[%get3A_835] {strides = array<i32>} : memref<1280xi32, #tpu.memory_space<vmem>>, vector<16xi32>,
          %get3A_837 = arith.index_cast %add3A_834 : i32 to index
          %get3A_838 = tpu.vector_load %arg13[%get3A_837] {strides = array<i32>} : memref<1280xi32, #tpu.memory_space<vmem>>, vector<16xi32>,
          %mul3A_839 = arith.constant 3 : i32
          %mul3A_840 = arith.muli %add3A_834, %mul3A_839 : i32
          %add3A_841 = vector.broadcast %mul3A_840 : i32 to vector<16xi32>
          %add3A_842 = arith.addi %add3A_841, %mul3A_3 : vector<16xi32>
          %gather3A_843 = tpu.vector_load_idx %arg11[%add3A_842] : memref<3840xf32, #tpu.memory_space<vmem>>[vector<16xi32>], vector<16xf32>,
          %add3A_844 = arith.constant 1 : i32
          %add3A_845 = vector.broadcast %add3A_844 : i32 to vector<16xi32>
          %add3A_846 = arith.addi %add3A_842, %add3A_845 : vector<16xi32>
          %gather3A_847 = tpu.vector_load_idx %arg11[%add3A_846] : memref<3840xf32, #tpu.memory_space<vmem>>[vector<16xi32>], vector<16xf32>,
          %add3A_848 = arith.constant 2 : i32
          %add3A_849 = vector.broadcast %add3A_848 : i32 to vector<16xi32>
          %add3A_850 = arith.addi %add3A_842, %add3A_849 : vector<16xi32>
          %gather3A_851 = tpu.vector_load_idx %arg11[%add3A_850] : memref<3840xf32, #tpu.memory_space<vmem>>[vector<16xi32>], vector<16xf32>,
          %mul3A_852 = arith.mulf %gather3A_843, %gather3A_843 : vector<16xf32>
          %mul3A_853 = arith.mulf %gather3A_847, %gather3A_847 : vector<16xf32>
          %add3A_854 = arith.addf %mul3A_852, %mul3A_853 : vector<16xf32>
          %mul3A_855 = arith.mulf %gather3A_851, %gather3A_851 : vector<16xf32>
          %add3A_856 = arith.addf %add3A_854, %mul3A_855 : vector<16xf32>
          %mul3A_857 = arith.constant -1.000000e-01 : f32
          %mul3A_858 = vector.broadcast %mul3A_857 : f32 to vector<16xf32>
          %mul3A_859 = arith.mulf %add3A_856, %mul3A_858 : vector<16xf32>
          %exp3A_860 = math.exp %mul3A_859 : vector<16xf32>
          %mul3A_861 = arith.constant -2.000000e-01 : f32
          %mul3A_862 = vector.broadcast %mul3A_861 : f32 to vector<16xf32>
          %mul3A_863 = arith.mulf %exp3A_860, %mul3A_862 : vector<16xf32>
          %mul3A_864 = arith.mulf %gather3A_843, %get3A_23 : vector<16xf32>
          %mul3A_865 = arith.mulf %gather3A_847, %get3A_27 : vector<16xf32>
          %add3A_866 = arith.addf %mul3A_864, %mul3A_865 : vector<16xf32>
          %mul3A_867 = arith.mulf %gather3A_851, %get3A_31 : vector<16xf32>
          %add3A_868 = arith.addf %add3A_866, %mul3A_867 : vector<16xf32>
          %abs3A_869 = math.absf %add3A_868 : vector<16xf32>
          %mul3A_870 = arith.constant -2.000000e+00 : f32
          %mul3A_871 = vector.broadcast %mul3A_870 : f32 to vector<16xf32>
          %mul3A_872 = arith.mulf %abs3A_869, %mul3A_871 : vector<16xf32>
          %exp3A_873 = math.exp %mul3A_872 : vector<16xf32>
          %add3A_874 = arith.constant 1.000000e+00 : f32
          %add3A_875 = vector.broadcast %add3A_874 : f32 to vector<16xf32>
          %add3A_876 = arith.addf %exp3A_873, %add3A_875 : vector<16xf32>
          %mul3A_877 = arith.constant 4.000000e+00 : f32
          %mul3A_878 = vector.broadcast %mul3A_877 : f32 to vector<16xf32>
          %mul3A_879 = arith.mulf %mul3A_878, %exp3A_873 : vector<16xf32>
          %mul3A_880 = arith.mulf %add3A_876, %add3A_876 : vector<16xf32>
          %div3A_881 = arith.divf %mul3A_879, %mul3A_880 : vector<16xf32>
          %mul3A_882 = arith.mulf %mul3A_863, %gather3A_843 : vector<16xf32>
          %mul3A_883 = arith.mulf %div3A_881, %get3A_23 : vector<16xf32>
          %add3A_884 = arith.addf %mul3A_882, %mul3A_883 : vector<16xf32>
          %mul3A_885 = arith.mulf %mul3A_863, %gather3A_847 : vector<16xf32>
          %mul3A_886 = arith.mulf %div3A_881, %get3A_27 : vector<16xf32>
          %add3A_887 = arith.addf %mul3A_885, %mul3A_886 : vector<16xf32>
          %mul3A_888 = arith.mulf %mul3A_863, %gather3A_851 : vector<16xf32>
          %mul3A_889 = arith.mulf %div3A_881, %get3A_31 : vector<16xf32>
          %add3A_890 = arith.addf %mul3A_888, %mul3A_889 : vector<16xf32>
          %swap3A_891 = arith.constant 0 : i32
          %swap3A_892 = arith.index_cast %swap3A_891 : i32 to index
          %swap3A_893 = arith.constant 80 : index
          %swap3A_894 = tpu.vector_load %arg14[%swap3A_892, %swap3A_893] {strides = array<i32>} : memref<3x128xi32, #tpu.memory_space<vmem>>, vector<16xi32>,
          tpu.vector_store %arg14[%swap3A_892, %swap3A_893], %get3A_836 {strides = array<i32>} : memref<3x128xi32, #tpu.memory_space<vmem>>, vector<16xi32>,
          %add3A_895 = arith.constant 51200 : i32
          %add3A_896 = vector.broadcast %add3A_895 : i32 to vector<16xi32>
          %add3A_897 = arith.addi %get3A_836, %add3A_896 : vector<16xi32>
          %swap3A_898 = arith.constant 1 : i32
          %swap3A_899 = arith.index_cast %swap3A_898 : i32 to index
          %swap3A_900 = arith.constant 80 : index
          %swap3A_901 = tpu.vector_load %arg14[%swap3A_899, %swap3A_900] {strides = array<i32>} : memref<3x128xi32, #tpu.memory_space<vmem>>, vector<16xi32>,
          tpu.vector_store %arg14[%swap3A_899, %swap3A_900], %add3A_897 {strides = array<i32>} : memref<3x128xi32, #tpu.memory_space<vmem>>, vector<16xi32>,
          %add3A_902 = arith.constant 102400 : i32
          %add3A_903 = vector.broadcast %add3A_902 : i32 to vector<16xi32>
          %add3A_904 = arith.addi %get3A_836, %add3A_903 : vector<16xi32>
          %swap3A_905 = arith.constant 2 : i32
          %swap3A_906 = arith.index_cast %swap3A_905 : i32 to index
          %swap3A_907 = arith.constant 80 : index
          %swap3A_908 = tpu.vector_load %arg14[%swap3A_906, %swap3A_907] {strides = array<i32>} : memref<3x128xi32, #tpu.memory_space<vmem>>, vector<16xi32>,
          tpu.vector_store %arg14[%swap3A_906, %swap3A_907], %add3A_904 {strides = array<i32>} : memref<3x128xi32, #tpu.memory_space<vmem>>, vector<16xi32>,
          %swap3A_909 = arith.constant 0 : i32
          %swap3A_910 = arith.index_cast %swap3A_909 : i32 to index
          %swap3A_911 = arith.constant 80 : index
          %swap3A_912 = tpu.vector_load %arg15[%swap3A_910, %swap3A_911] {strides = array<i32>} : memref<3x128xi32, #tpu.memory_space<vmem>>, vector<16xi32>,
          tpu.vector_store %arg15[%swap3A_910, %swap3A_911], %get3A_838 {strides = array<i32>} : memref<3x128xi32, #tpu.memory_space<vmem>>, vector<16xi32>,
          %add3A_913 = arith.constant 51200 : i32
          %add3A_914 = vector.broadcast %add3A_913 : i32 to vector<16xi32>
          %add3A_915 = arith.addi %get3A_838, %add3A_914 : vector<16xi32>
          %swap3A_916 = arith.constant 1 : i32
          %swap3A_917 = arith.index_cast %swap3A_916 : i32 to index
          %swap3A_918 = arith.constant 80 : index
          %swap3A_919 = tpu.vector_load %arg15[%swap3A_917, %swap3A_918] {strides = array<i32>} : memref<3x128xi32, #tpu.memory_space<vmem>>, vector<16xi32>,
          tpu.vector_store %arg15[%swap3A_917, %swap3A_918], %add3A_915 {strides = array<i32>} : memref<3x128xi32, #tpu.memory_space<vmem>>, vector<16xi32>,
          %add3A_920 = arith.constant 102400 : i32
          %add3A_921 = vector.broadcast %add3A_920 : i32 to vector<16xi32>
          %add3A_922 = arith.addi %get3A_838, %add3A_921 : vector<16xi32>
          %swap3A_923 = arith.constant 2 : i32
          %swap3A_924 = arith.index_cast %swap3A_923 : i32 to index
          %swap3A_925 = arith.constant 80 : index
          %swap3A_926 = tpu.vector_load %arg15[%swap3A_924, %swap3A_925] {strides = array<i32>} : memref<3x128xi32, #tpu.memory_space<vmem>>, vector<16xi32>,
          tpu.vector_store %arg15[%swap3A_924, %swap3A_925], %add3A_922 {strides = array<i32>} : memref<3x128xi32, #tpu.memory_space<vmem>>, vector<16xi32>,
          %swap3A_927 = arith.constant 0 : i32
          %swap3A_928 = arith.index_cast %swap3A_927 : i32 to index
          %swap3A_929 = arith.constant 80 : index
          %swap3A_930 = tpu.vector_load %arg16[%swap3A_928, %swap3A_929] {strides = array<i32>} : memref<3x128xf32, #tpu.memory_space<vmem>>, vector<16xf32>,
          tpu.vector_store %arg16[%swap3A_928, %swap3A_929], %add3A_884 {strides = array<i32>} : memref<3x128xf32, #tpu.memory_space<vmem>>, vector<16xf32>,
          %swap3A_931 = arith.constant 1 : i32
          %swap3A_932 = arith.index_cast %swap3A_931 : i32 to index
          %swap3A_933 = arith.constant 80 : index
          %swap3A_934 = tpu.vector_load %arg16[%swap3A_932, %swap3A_933] {strides = array<i32>} : memref<3x128xf32, #tpu.memory_space<vmem>>, vector<16xf32>,
          tpu.vector_store %arg16[%swap3A_932, %swap3A_933], %add3A_887 {strides = array<i32>} : memref<3x128xf32, #tpu.memory_space<vmem>>, vector<16xf32>,
          %swap3A_935 = arith.constant 2 : i32
          %swap3A_936 = arith.index_cast %swap3A_935 : i32 to index
          %swap3A_937 = arith.constant 80 : index
          %swap3A_938 = tpu.vector_load %arg16[%swap3A_936, %swap3A_937] {strides = array<i32>} : memref<3x128xf32, #tpu.memory_space<vmem>>, vector<16xf32>,
          tpu.vector_store %arg16[%swap3A_936, %swap3A_937], %add3A_890 {strides = array<i32>} : memref<3x128xf32, #tpu.memory_space<vmem>>, vector<16xf32>,
          %neg3A_939 = arith.constant 0.000000e+00 : f32
          %neg3A_940 = vector.broadcast %neg3A_939 : f32 to vector<16xf32>
          %neg3A_941 = arith.subf %neg3A_940, %add3A_884 : vector<16xf32>
          %swap3A_942 = arith.constant 0 : i32
          %swap3A_943 = arith.index_cast %swap3A_942 : i32 to index
          %swap3A_944 = arith.constant 80 : index
          %swap3A_945 = tpu.vector_load %arg17[%swap3A_943, %swap3A_944] {strides = array<i32>} : memref<3x128xf32, #tpu.memory_space<vmem>>, vector<16xf32>,
          tpu.vector_store %arg17[%swap3A_943, %swap3A_944], %neg3A_941 {strides = array<i32>} : memref<3x128xf32, #tpu.memory_space<vmem>>, vector<16xf32>,
          %neg3A_946 = arith.constant 0.000000e+00 : f32
          %neg3A_947 = vector.broadcast %neg3A_946 : f32 to vector<16xf32>
          %neg3A_948 = arith.subf %neg3A_947, %add3A_887 : vector<16xf32>
          %swap3A_949 = arith.constant 1 : i32
          %swap3A_950 = arith.index_cast %swap3A_949 : i32 to index
          %swap3A_951 = arith.constant 80 : index
          %swap3A_952 = tpu.vector_load %arg17[%swap3A_950, %swap3A_951] {strides = array<i32>} : memref<3x128xf32, #tpu.memory_space<vmem>>, vector<16xf32>,
          tpu.vector_store %arg17[%swap3A_950, %swap3A_951], %neg3A_948 {strides = array<i32>} : memref<3x128xf32, #tpu.memory_space<vmem>>, vector<16xf32>,
          %neg3A_953 = arith.constant 0.000000e+00 : f32
          %neg3A_954 = vector.broadcast %neg3A_953 : f32 to vector<16xf32>
          %neg3A_955 = arith.subf %neg3A_954, %add3A_890 : vector<16xf32>
          %swap3A_956 = arith.constant 2 : i32
          %swap3A_957 = arith.index_cast %swap3A_956 : i32 to index
          %swap3A_958 = arith.constant 80 : index
          %swap3A_959 = tpu.vector_load %arg17[%swap3A_957, %swap3A_958] {strides = array<i32>} : memref<3x128xf32, #tpu.memory_space<vmem>>, vector<16xf32>,
          tpu.vector_store %arg17[%swap3A_957, %swap3A_958], %neg3A_955 {strides = array<i32>} : memref<3x128xf32, #tpu.memory_space<vmem>>, vector<16xf32>,
          %gather3A_960 = tpu.vector_load_idx %arg10[%get3A_838] : memref<50000xi32, #tpu.memory_space<vmem>>[vector<16xi32>], vector<16xi32>,
          %mul3A_961 = arith.constant 6 : i32
          %mul3A_962 = vector.broadcast %mul3A_961 : i32 to vector<16xi32>
          %mul3A_963 = arith.muli %gather3A_960, %mul3A_962 : vector<16xi32>
          %add3A_964 = arith.addi %mul3A_6, %mul3A_963 : vector<16xi32>
          %mul3A_965 = arith.mulf %gather3A_843, %add3A_884 : vector<16xf32>
          tpu.vector_store_idx %arg18[%add3A_964], %mul3A_965 {add = true} : memref<6144xf32, #tpu.memory_space<vmem>>[vector<16xi32>], vector<16xf32>,
          %add3A_966 = arith.constant 1 : i32
          %add3A_967 = vector.broadcast %add3A_966 : i32 to vector<16xi32>
          %add3A_968 = arith.addi %add3A_964, %add3A_967 : vector<16xi32>
          %mul3A_969 = arith.mulf %gather3A_847, %add3A_887 : vector<16xf32>
          tpu.vector_store_idx %arg18[%add3A_968], %mul3A_969 {add = true} : memref<6144xf32, #tpu.memory_space<vmem>>[vector<16xi32>], vector<16xf32>,
          %add3A_970 = arith.constant 2 : i32
          %add3A_971 = vector.broadcast %add3A_970 : i32 to vector<16xi32>
          %add3A_972 = arith.addi %add3A_964, %add3A_971 : vector<16xi32>
          %mul3A_973 = arith.mulf %gather3A_851, %add3A_890 : vector<16xf32>
          tpu.vector_store_idx %arg18[%add3A_972], %mul3A_973 {add = true} : memref<6144xf32, #tpu.memory_space<vmem>>[vector<16xi32>], vector<16xf32>,
          %add3A_974 = arith.constant 3 : i32
          %add3A_975 = vector.broadcast %add3A_974 : i32 to vector<16xi32>
          %add3A_976 = arith.addi %add3A_964, %add3A_975 : vector<16xi32>
          %mul3A_977 = arith.mulf %gather3A_843, %add3A_887 : vector<16xf32>
          tpu.vector_store_idx %arg18[%add3A_976], %mul3A_977 {add = true} : memref<6144xf32, #tpu.memory_space<vmem>>[vector<16xi32>], vector<16xf32>,
          %add3A_978 = arith.constant 4 : i32
          %add3A_979 = vector.broadcast %add3A_978 : i32 to vector<16xi32>
          %add3A_980 = arith.addi %add3A_964, %add3A_979 : vector<16xi32>
          %mul3A_981 = arith.mulf %gather3A_847, %add3A_890 : vector<16xf32>
          tpu.vector_store_idx %arg18[%add3A_980], %mul3A_981 {add = true} : memref<6144xf32, #tpu.memory_space<vmem>>[vector<16xi32>], vector<16xf32>,
          %add3A_982 = arith.constant 5 : i32
          %add3A_983 = vector.broadcast %add3A_982 : i32 to vector<16xi32>
          %add3A_984 = arith.addi %add3A_964, %add3A_983 : vector<16xi32>
          %mul3A_985 = arith.mulf %gather3A_851, %add3A_884 : vector<16xf32>
          tpu.vector_store_idx %arg18[%add3A_984], %mul3A_985 {add = true} : memref<6144xf32, #tpu.memory_space<vmem>>[vector<16xi32>], vector<16xf32>,
          %mul3A_986 = arith.constant 128 : i32
          %mul3A_987 = arith.muli %scan3A_61, %mul3A_986 : i32
          %add3A_988 = arith.constant 96 : i32
          %add3A_989 = arith.addi %mul3A_987, %add3A_988 : i32
          %get3A_990 = arith.index_cast %add3A_989 : i32 to index
          %get3A_991 = tpu.vector_load %arg12[%get3A_990] {strides = array<i32>} : memref<1280xi32, #tpu.memory_space<vmem>>, vector<16xi32>,
          %get3A_992 = arith.index_cast %add3A_989 : i32 to index
          %get3A_993 = tpu.vector_load %arg13[%get3A_992] {strides = array<i32>} : memref<1280xi32, #tpu.memory_space<vmem>>, vector<16xi32>,
          %mul3A_994 = arith.constant 3 : i32
          %mul3A_995 = arith.muli %add3A_989, %mul3A_994 : i32
          %add3A_996 = vector.broadcast %mul3A_995 : i32 to vector<16xi32>
          %add3A_997 = arith.addi %add3A_996, %mul3A_3 : vector<16xi32>
          %gather3A_998 = tpu.vector_load_idx %arg11[%add3A_997] : memref<3840xf32, #tpu.memory_space<vmem>>[vector<16xi32>], vector<16xf32>,
          %add3A_999 = arith.constant 1 : i32
          %add3A_1000 = vector.broadcast %add3A_999 : i32 to vector<16xi32>
          %add3A_1001 = arith.addi %add3A_997, %add3A_1000 : vector<16xi32>
          %gather3A_1002 = tpu.vector_load_idx %arg11[%add3A_1001] : memref<3840xf32, #tpu.memory_space<vmem>>[vector<16xi32>], vector<16xf32>,
          %add3A_1003 = arith.constant 2 : i32
          %add3A_1004 = vector.broadcast %add3A_1003 : i32 to vector<16xi32>
          %add3A_1005 = arith.addi %add3A_997, %add3A_1004 : vector<16xi32>
          %gather3A_1006 = tpu.vector_load_idx %arg11[%add3A_1005] : memref<3840xf32, #tpu.memory_space<vmem>>[vector<16xi32>], vector<16xf32>,
          %mul3A_1007 = arith.mulf %gather3A_998, %gather3A_998 : vector<16xf32>
          %mul3A_1008 = arith.mulf %gather3A_1002, %gather3A_1002 : vector<16xf32>
          %add3A_1009 = arith.addf %mul3A_1007, %mul3A_1008 : vector<16xf32>
          %mul3A_1010 = arith.mulf %gather3A_1006, %gather3A_1006 : vector<16xf32>
          %add3A_1011 = arith.addf %add3A_1009, %mul3A_1010 : vector<16xf32>
          %mul3A_1012 = arith.constant -1.000000e-01 : f32
          %mul3A_1013 = vector.broadcast %mul3A_1012 : f32 to vector<16xf32>
          %mul3A_1014 = arith.mulf %add3A_1011, %mul3A_1013 : vector<16xf32>
          %exp3A_1015 = math.exp %mul3A_1014 : vector<16xf32>
          %mul3A_1016 = arith.constant -2.000000e-01 : f32
          %mul3A_1017 = vector.broadcast %mul3A_1016 : f32 to vector<16xf32>
          %mul3A_1018 = arith.mulf %exp3A_1015, %mul3A_1017 : vector<16xf32>
          %mul3A_1019 = arith.mulf %gather3A_998, %get3A_23 : vector<16xf32>
          %mul3A_1020 = arith.mulf %gather3A_1002, %get3A_27 : vector<16xf32>
          %add3A_1021 = arith.addf %mul3A_1019, %mul3A_1020 : vector<16xf32>
          %mul3A_1022 = arith.mulf %gather3A_1006, %get3A_31 : vector<16xf32>
          %add3A_1023 = arith.addf %add3A_1021, %mul3A_1022 : vector<16xf32>
          %abs3A_1024 = math.absf %add3A_1023 : vector<16xf32>
          %mul3A_1025 = arith.constant -2.000000e+00 : f32
          %mul3A_1026 = vector.broadcast %mul3A_1025 : f32 to vector<16xf32>
          %mul3A_1027 = arith.mulf %abs3A_1024, %mul3A_1026 : vector<16xf32>
          %exp3A_1028 = math.exp %mul3A_1027 : vector<16xf32>
          %add3A_1029 = arith.constant 1.000000e+00 : f32
          %add3A_1030 = vector.broadcast %add3A_1029 : f32 to vector<16xf32>
          %add3A_1031 = arith.addf %exp3A_1028, %add3A_1030 : vector<16xf32>
          %mul3A_1032 = arith.constant 4.000000e+00 : f32
          %mul3A_1033 = vector.broadcast %mul3A_1032 : f32 to vector<16xf32>
          %mul3A_1034 = arith.mulf %mul3A_1033, %exp3A_1028 : vector<16xf32>
          %mul3A_1035 = arith.mulf %add3A_1031, %add3A_1031 : vector<16xf32>
          %div3A_1036 = arith.divf %mul3A_1034, %mul3A_1035 : vector<16xf32>
          %mul3A_1037 = arith.mulf %mul3A_1018, %gather3A_998 : vector<16xf32>
          %mul3A_1038 = arith.mulf %div3A_1036, %get3A_23 : vector<16xf32>
          %add3A_1039 = arith.addf %mul3A_1037, %mul3A_1038 : vector<16xf32>
          %mul3A_1040 = arith.mulf %mul3A_1018, %gather3A_1002 : vector<16xf32>
          %mul3A_1041 = arith.mulf %div3A_1036, %get3A_27 : vector<16xf32>
          %add3A_1042 = arith.addf %mul3A_1040, %mul3A_1041 : vector<16xf32>
          %mul3A_1043 = arith.mulf %mul3A_1018, %gather3A_1006 : vector<16xf32>
          %mul3A_1044 = arith.mulf %div3A_1036, %get3A_31 : vector<16xf32>
          %add3A_1045 = arith.addf %mul3A_1043, %mul3A_1044 : vector<16xf32>
          %swap3A_1046 = arith.constant 0 : i32
          %swap3A_1047 = arith.index_cast %swap3A_1046 : i32 to index
          %swap3A_1048 = arith.constant 96 : index
          %swap3A_1049 = tpu.vector_load %arg14[%swap3A_1047, %swap3A_1048] {strides = array<i32>} : memref<3x128xi32, #tpu.memory_space<vmem>>, vector<16xi32>,
          tpu.vector_store %arg14[%swap3A_1047, %swap3A_1048], %get3A_991 {strides = array<i32>} : memref<3x128xi32, #tpu.memory_space<vmem>>, vector<16xi32>,
          %add3A_1050 = arith.constant 51200 : i32
          %add3A_1051 = vector.broadcast %add3A_1050 : i32 to vector<16xi32>
          %add3A_1052 = arith.addi %get3A_991, %add3A_1051 : vector<16xi32>
          %swap3A_1053 = arith.constant 1 : i32
          %swap3A_1054 = arith.index_cast %swap3A_1053 : i32 to index
          %swap3A_1055 = arith.constant 96 : index
          %swap3A_1056 = tpu.vector_load %arg14[%swap3A_1054, %swap3A_1055] {strides = array<i32>} : memref<3x128xi32, #tpu.memory_space<vmem>>, vector<16xi32>,
          tpu.vector_store %arg14[%swap3A_1054, %swap3A_1055], %add3A_1052 {strides = array<i32>} : memref<3x128xi32, #tpu.memory_space<vmem>>, vector<16xi32>,
          %add3A_1057 = arith.constant 102400 : i32
          %add3A_1058 = vector.broadcast %add3A_1057 : i32 to vector<16xi32>
          %add3A_1059 = arith.addi %get3A_991, %add3A_1058 : vector<16xi32>
          %swap3A_1060 = arith.constant 2 : i32
          %swap3A_1061 = arith.index_cast %swap3A_1060 : i32 to index
          %swap3A_1062 = arith.constant 96 : index
          %swap3A_1063 = tpu.vector_load %arg14[%swap3A_1061, %swap3A_1062] {strides = array<i32>} : memref<3x128xi32, #tpu.memory_space<vmem>>, vector<16xi32>,
          tpu.vector_store %arg14[%swap3A_1061, %swap3A_1062], %add3A_1059 {strides = array<i32>} : memref<3x128xi32, #tpu.memory_space<vmem>>, vector<16xi32>,
          %swap3A_1064 = arith.constant 0 : i32
          %swap3A_1065 = arith.index_cast %swap3A_1064 : i32 to index
          %swap3A_1066 = arith.constant 96 : index
          %swap3A_1067 = tpu.vector_load %arg15[%swap3A_1065, %swap3A_1066] {strides = array<i32>} : memref<3x128xi32, #tpu.memory_space<vmem>>, vector<16xi32>,
          tpu.vector_store %arg15[%swap3A_1065, %swap3A_1066], %get3A_993 {strides = array<i32>} : memref<3x128xi32, #tpu.memory_space<vmem>>, vector<16xi32>,
          %add3A_1068 = arith.constant 51200 : i32
          %add3A_1069 = vector.broadcast %add3A_1068 : i32 to vector<16xi32>
          %add3A_1070 = arith.addi %get3A_993, %add3A_1069 : vector<16xi32>
          %swap3A_1071 = arith.constant 1 : i32
          %swap3A_1072 = arith.index_cast %swap3A_1071 : i32 to index
          %swap3A_1073 = arith.constant 96 : index
          %swap3A_1074 = tpu.vector_load %arg15[%swap3A_1072, %swap3A_1073] {strides = array<i32>} : memref<3x128xi32, #tpu.memory_space<vmem>>, vector<16xi32>,
          tpu.vector_store %arg15[%swap3A_1072, %swap3A_1073], %add3A_1070 {strides = array<i32>} : memref<3x128xi32, #tpu.memory_space<vmem>>, vector<16xi32>,
          %add3A_1075 = arith.constant 102400 : i32
          %add3A_1076 = vector.broadcast %add3A_1075 : i32 to vector<16xi32>
          %add3A_1077 = arith.addi %get3A_993, %add3A_1076 : vector<16xi32>
          %swap3A_1078 = arith.constant 2 : i32
          %swap3A_1079 = arith.index_cast %swap3A_1078 : i32 to index
          %swap3A_1080 = arith.constant 96 : index
          %swap3A_1081 = tpu.vector_load %arg15[%swap3A_1079, %swap3A_1080] {strides = array<i32>} : memref<3x128xi32, #tpu.memory_space<vmem>>, vector<16xi32>,
          tpu.vector_store %arg15[%swap3A_1079, %swap3A_1080], %add3A_1077 {strides = array<i32>} : memref<3x128xi32, #tpu.memory_space<vmem>>, vector<16xi32>,
          %swap3A_1082 = arith.constant 0 : i32
          %swap3A_1083 = arith.index_cast %swap3A_1082 : i32 to index
          %swap3A_1084 = arith.constant 96 : index
          %swap3A_1085 = tpu.vector_load %arg16[%swap3A_1083, %swap3A_1084] {strides = array<i32>} : memref<3x128xf32, #tpu.memory_space<vmem>>, vector<16xf32>,
          tpu.vector_store %arg16[%swap3A_1083, %swap3A_1084], %add3A_1039 {strides = array<i32>} : memref<3x128xf32, #tpu.memory_space<vmem>>, vector<16xf32>,
          %swap3A_1086 = arith.constant 1 : i32
          %swap3A_1087 = arith.index_cast %swap3A_1086 : i32 to index
          %swap3A_1088 = arith.constant 96 : index
          %swap3A_1089 = tpu.vector_load %arg16[%swap3A_1087, %swap3A_1088] {strides = array<i32>} : memref<3x128xf32, #tpu.memory_space<vmem>>, vector<16xf32>,
          tpu.vector_store %arg16[%swap3A_1087, %swap3A_1088], %add3A_1042 {strides = array<i32>} : memref<3x128xf32, #tpu.memory_space<vmem>>, vector<16xf32>,
          %swap3A_1090 = arith.constant 2 : i32
          %swap3A_1091 = arith.index_cast %swap3A_1090 : i32 to index
          %swap3A_1092 = arith.constant 96 : index
          %swap3A_1093 = tpu.vector_load %arg16[%swap3A_1091, %swap3A_1092] {strides = array<i32>} : memref<3x128xf32, #tpu.memory_space<vmem>>, vector<16xf32>,
          tpu.vector_store %arg16[%swap3A_1091, %swap3A_1092], %add3A_1045 {strides = array<i32>} : memref<3x128xf32, #tpu.memory_space<vmem>>, vector<16xf32>,
          %neg3A_1094 = arith.constant 0.000000e+00 : f32
          %neg3A_1095 = vector.broadcast %neg3A_1094 : f32 to vector<16xf32>
          %neg3A_1096 = arith.subf %neg3A_1095, %add3A_1039 : vector<16xf32>
          %swap3A_1097 = arith.constant 0 : i32
          %swap3A_1098 = arith.index_cast %swap3A_1097 : i32 to index
          %swap3A_1099 = arith.constant 96 : index
          %swap3A_1100 = tpu.vector_load %arg17[%swap3A_1098, %swap3A_1099] {strides = array<i32>} : memref<3x128xf32, #tpu.memory_space<vmem>>, vector<16xf32>,
          tpu.vector_store %arg17[%swap3A_1098, %swap3A_1099], %neg3A_1096 {strides = array<i32>} : memref<3x128xf32, #tpu.memory_space<vmem>>, vector<16xf32>,
          %neg3A_1101 = arith.constant 0.000000e+00 : f32
          %neg3A_1102 = vector.broadcast %neg3A_1101 : f32 to vector<16xf32>
          %neg3A_1103 = arith.subf %neg3A_1102, %add3A_1042 : vector<16xf32>
          %swap3A_1104 = arith.constant 1 : i32
          %swap3A_1105 = arith.index_cast %swap3A_1104 : i32 to index
          %swap3A_1106 = arith.constant 96 : index
          %swap3A_1107 = tpu.vector_load %arg17[%swap3A_1105, %swap3A_1106] {strides = array<i32>} : memref<3x128xf32, #tpu.memory_space<vmem>>, vector<16xf32>,
          tpu.vector_store %arg17[%swap3A_1105, %swap3A_1106], %neg3A_1103 {strides = array<i32>} : memref<3x128xf32, #tpu.memory_space<vmem>>, vector<16xf32>,
          %neg3A_1108 = arith.constant 0.000000e+00 : f32
          %neg3A_1109 = vector.broadcast %neg3A_1108 : f32 to vector<16xf32>
          %neg3A_1110 = arith.subf %neg3A_1109, %add3A_1045 : vector<16xf32>
          %swap3A_1111 = arith.constant 2 : i32
          %swap3A_1112 = arith.index_cast %swap3A_1111 : i32 to index
          %swap3A_1113 = arith.constant 96 : index
          %swap3A_1114 = tpu.vector_load %arg17[%swap3A_1112, %swap3A_1113] {strides = array<i32>} : memref<3x128xf32, #tpu.memory_space<vmem>>, vector<16xf32>,
          tpu.vector_store %arg17[%swap3A_1112, %swap3A_1113], %neg3A_1110 {strides = array<i32>} : memref<3x128xf32, #tpu.memory_space<vmem>>, vector<16xf32>,
          %gather3A_1115 = tpu.vector_load_idx %arg10[%get3A_993] : memref<50000xi32, #tpu.memory_space<vmem>>[vector<16xi32>], vector<16xi32>,
          %mul3A_1116 = arith.constant 6 : i32
          %mul3A_1117 = vector.broadcast %mul3A_1116 : i32 to vector<16xi32>
          %mul3A_1118 = arith.muli %gather3A_1115, %mul3A_1117 : vector<16xi32>
          %add3A_1119 = arith.addi %mul3A_6, %mul3A_1118 : vector<16xi32>
          %mul3A_1120 = arith.mulf %gather3A_998, %add3A_1039 : vector<16xf32>
          tpu.vector_store_idx %arg18[%add3A_1119], %mul3A_1120 {add = true} : memref<6144xf32, #tpu.memory_space<vmem>>[vector<16xi32>], vector<16xf32>,
          %add3A_1121 = arith.constant 1 : i32
          %add3A_1122 = vector.broadcast %add3A_1121 : i32 to vector<16xi32>
          %add3A_1123 = arith.addi %add3A_1119, %add3A_1122 : vector<16xi32>
          %mul3A_1124 = arith.mulf %gather3A_1002, %add3A_1042 : vector<16xf32>
          tpu.vector_store_idx %arg18[%add3A_1123], %mul3A_1124 {add = true} : memref<6144xf32, #tpu.memory_space<vmem>>[vector<16xi32>], vector<16xf32>,
          %add3A_1125 = arith.constant 2 : i32
          %add3A_1126 = vector.broadcast %add3A_1125 : i32 to vector<16xi32>
          %add3A_1127 = arith.addi %add3A_1119, %add3A_1126 : vector<16xi32>
          %mul3A_1128 = arith.mulf %gather3A_1006, %add3A_1045 : vector<16xf32>
          tpu.vector_store_idx %arg18[%add3A_1127], %mul3A_1128 {add = true} : memref<6144xf32, #tpu.memory_space<vmem>>[vector<16xi32>], vector<16xf32>,
          %add3A_1129 = arith.constant 3 : i32
          %add3A_1130 = vector.broadcast %add3A_1129 : i32 to vector<16xi32>
          %add3A_1131 = arith.addi %add3A_1119, %add3A_1130 : vector<16xi32>
          %mul3A_1132 = arith.mulf %gather3A_998, %add3A_1042 : vector<16xf32>
          tpu.vector_store_idx %arg18[%add3A_1131], %mul3A_1132 {add = true} : memref<6144xf32, #tpu.memory_space<vmem>>[vector<16xi32>], vector<16xf32>,
          %add3A_1133 = arith.constant 4 : i32
          %add3A_1134 = vector.broadcast %add3A_1133 : i32 to vector<16xi32>
          %add3A_1135 = arith.addi %add3A_1119, %add3A_1134 : vector<16xi32>
          %mul3A_1136 = arith.mulf %gather3A_1002, %add3A_1045 : vector<16xf32>
          tpu.vector_store_idx %arg18[%add3A_1135], %mul3A_1136 {add = true} : memref<6144xf32, #tpu.memory_space<vmem>>[vector<16xi32>], vector<16xf32>,
          %add3A_1137 = arith.constant 5 : i32
          %add3A_1138 = vector.broadcast %add3A_1137 : i32 to vector<16xi32>
          %add3A_1139 = arith.addi %add3A_1119, %add3A_1138 : vector<16xi32>
          %mul3A_1140 = arith.mulf %gather3A_1006, %add3A_1039 : vector<16xf32>
          tpu.vector_store_idx %arg18[%add3A_1139], %mul3A_1140 {add = true} : memref<6144xf32, #tpu.memory_space<vmem>>[vector<16xi32>], vector<16xf32>,
          %mul3A_1141 = arith.constant 128 : i32
          %mul3A_1142 = arith.muli %scan3A_61, %mul3A_1141 : i32
          %add3A_1143 = arith.constant 112 : i32
          %add3A_1144 = arith.addi %mul3A_1142, %add3A_1143 : i32
          %get3A_1145 = arith.index_cast %add3A_1144 : i32 to index
          %get3A_1146 = tpu.vector_load %arg12[%get3A_1145] {strides = array<i32>} : memref<1280xi32, #tpu.memory_space<vmem>>, vector<16xi32>,
          %get3A_1147 = arith.index_cast %add3A_1144 : i32 to index
          %get3A_1148 = tpu.vector_load %arg13[%get3A_1147] {strides = array<i32>} : memref<1280xi32, #tpu.memory_space<vmem>>, vector<16xi32>,
          %mul3A_1149 = arith.constant 3 : i32
          %mul3A_1150 = arith.muli %add3A_1144, %mul3A_1149 : i32
          %add3A_1151 = vector.broadcast %mul3A_1150 : i32 to vector<16xi32>
          %add3A_1152 = arith.addi %add3A_1151, %mul3A_3 : vector<16xi32>
          %gather3A_1153 = tpu.vector_load_idx %arg11[%add3A_1152] : memref<3840xf32, #tpu.memory_space<vmem>>[vector<16xi32>], vector<16xf32>,
          %add3A_1154 = arith.constant 1 : i32
          %add3A_1155 = vector.broadcast %add3A_1154 : i32 to vector<16xi32>
          %add3A_1156 = arith.addi %add3A_1152, %add3A_1155 : vector<16xi32>
          %gather3A_1157 = tpu.vector_load_idx %arg11[%add3A_1156] : memref<3840xf32, #tpu.memory_space<vmem>>[vector<16xi32>], vector<16xf32>,
          %add3A_1158 = arith.constant 2 : i32
          %add3A_1159 = vector.broadcast %add3A_1158 : i32 to vector<16xi32>
          %add3A_1160 = arith.addi %add3A_1152, %add3A_1159 : vector<16xi32>
          %gather3A_1161 = tpu.vector_load_idx %arg11[%add3A_1160] : memref<3840xf32, #tpu.memory_space<vmem>>[vector<16xi32>], vector<16xf32>,
          %mul3A_1162 = arith.mulf %gather3A_1153, %gather3A_1153 : vector<16xf32>
          %mul3A_1163 = arith.mulf %gather3A_1157, %gather3A_1157 : vector<16xf32>
          %add3A_1164 = arith.addf %mul3A_1162, %mul3A_1163 : vector<16xf32>
          %mul3A_1165 = arith.mulf %gather3A_1161, %gather3A_1161 : vector<16xf32>
          %add3A_1166 = arith.addf %add3A_1164, %mul3A_1165 : vector<16xf32>
          %mul3A_1167 = arith.constant -1.000000e-01 : f32
          %mul3A_1168 = vector.broadcast %mul3A_1167 : f32 to vector<16xf32>
          %mul3A_1169 = arith.mulf %add3A_1166, %mul3A_1168 : vector<16xf32>
          %exp3A_1170 = math.exp %mul3A_1169 : vector<16xf32>
          %mul3A_1171 = arith.constant -2.000000e-01 : f32
          %mul3A_1172 = vector.broadcast %mul3A_1171 : f32 to vector<16xf32>
          %mul3A_1173 = arith.mulf %exp3A_1170, %mul3A_1172 : vector<16xf32>
          %mul3A_1174 = arith.mulf %gather3A_1153, %get3A_23 : vector<16xf32>
          %mul3A_1175 = arith.mulf %gather3A_1157, %get3A_27 : vector<16xf32>
          %add3A_1176 = arith.addf %mul3A_1174, %mul3A_1175 : vector<16xf32>
          %mul3A_1177 = arith.mulf %gather3A_1161, %get3A_31 : vector<16xf32>
          %add3A_1178 = arith.addf %add3A_1176, %mul3A_1177 : vector<16xf32>
          %abs3A_1179 = math.absf %add3A_1178 : vector<16xf32>
          %mul3A_1180 = arith.constant -2.000000e+00 : f32
          %mul3A_1181 = vector.broadcast %mul3A_1180 : f32 to vector<16xf32>
          %mul3A_1182 = arith.mulf %abs3A_1179, %mul3A_1181 : vector<16xf32>
          %exp3A_1183 = math.exp %mul3A_1182 : vector<16xf32>
          %add3A_1184 = arith.constant 1.000000e+00 : f32
          %add3A_1185 = vector.broadcast %add3A_1184 : f32 to vector<16xf32>
          %add3A_1186 = arith.addf %exp3A_1183, %add3A_1185 : vector<16xf32>
          %mul3A_1187 = arith.constant 4.000000e+00 : f32
          %mul3A_1188 = vector.broadcast %mul3A_1187 : f32 to vector<16xf32>
          %mul3A_1189 = arith.mulf %mul3A_1188, %exp3A_1183 : vector<16xf32>
          %mul3A_1190 = arith.mulf %add3A_1186, %add3A_1186 : vector<16xf32>
          %div3A_1191 = arith.divf %mul3A_1189, %mul3A_1190 : vector<16xf32>
          %mul3A_1192 = arith.mulf %mul3A_1173, %gather3A_1153 : vector<16xf32>
          %mul3A_1193 = arith.mulf %div3A_1191, %get3A_23 : vector<16xf32>
          %add3A_1194 = arith.addf %mul3A_1192, %mul3A_1193 : vector<16xf32>
          %mul3A_1195 = arith.mulf %mul3A_1173, %gather3A_1157 : vector<16xf32>
          %mul3A_1196 = arith.mulf %div3A_1191, %get3A_27 : vector<16xf32>
          %add3A_1197 = arith.addf %mul3A_1195, %mul3A_1196 : vector<16xf32>
          %mul3A_1198 = arith.mulf %mul3A_1173, %gather3A_1161 : vector<16xf32>
          %mul3A_1199 = arith.mulf %div3A_1191, %get3A_31 : vector<16xf32>
          %add3A_1200 = arith.addf %mul3A_1198, %mul3A_1199 : vector<16xf32>
          %swap3A_1201 = arith.constant 0 : i32
          %swap3A_1202 = arith.index_cast %swap3A_1201 : i32 to index
          %swap3A_1203 = arith.constant 112 : index
          %swap3A_1204 = tpu.vector_load %arg14[%swap3A_1202, %swap3A_1203] {strides = array<i32>} : memref<3x128xi32, #tpu.memory_space<vmem>>, vector<16xi32>,
          tpu.vector_store %arg14[%swap3A_1202, %swap3A_1203], %get3A_1146 {strides = array<i32>} : memref<3x128xi32, #tpu.memory_space<vmem>>, vector<16xi32>,
          %add3A_1205 = arith.constant 51200 : i32
          %add3A_1206 = vector.broadcast %add3A_1205 : i32 to vector<16xi32>
          %add3A_1207 = arith.addi %get3A_1146, %add3A_1206 : vector<16xi32>
          %swap3A_1208 = arith.constant 1 : i32
          %swap3A_1209 = arith.index_cast %swap3A_1208 : i32 to index
          %swap3A_1210 = arith.constant 112 : index
          %swap3A_1211 = tpu.vector_load %arg14[%swap3A_1209, %swap3A_1210] {strides = array<i32>} : memref<3x128xi32, #tpu.memory_space<vmem>>, vector<16xi32>,
          tpu.vector_store %arg14[%swap3A_1209, %swap3A_1210], %add3A_1207 {strides = array<i32>} : memref<3x128xi32, #tpu.memory_space<vmem>>, vector<16xi32>,
          %add3A_1212 = arith.constant 102400 : i32
          %add3A_1213 = vector.broadcast %add3A_1212 : i32 to vector<16xi32>
          %add3A_1214 = arith.addi %get3A_1146, %add3A_1213 : vector<16xi32>
          %swap3A_1215 = arith.constant 2 : i32
          %swap3A_1216 = arith.index_cast %swap3A_1215 : i32 to index
          %swap3A_1217 = arith.constant 112 : index
          %swap3A_1218 = tpu.vector_load %arg14[%swap3A_1216, %swap3A_1217] {strides = array<i32>} : memref<3x128xi32, #tpu.memory_space<vmem>>, vector<16xi32>,
          tpu.vector_store %arg14[%swap3A_1216, %swap3A_1217], %add3A_1214 {strides = array<i32>} : memref<3x128xi32, #tpu.memory_space<vmem>>, vector<16xi32>,
          %swap3A_1219 = arith.constant 0 : i32
          %swap3A_1220 = arith.index_cast %swap3A_1219 : i32 to index
          %swap3A_1221 = arith.constant 112 : index
          %swap3A_1222 = tpu.vector_load %arg15[%swap3A_1220, %swap3A_1221] {strides = array<i32>} : memref<3x128xi32, #tpu.memory_space<vmem>>, vector<16xi32>,
          tpu.vector_store %arg15[%swap3A_1220, %swap3A_1221], %get3A_1148 {strides = array<i32>} : memref<3x128xi32, #tpu.memory_space<vmem>>, vector<16xi32>,
          %add3A_1223 = arith.constant 51200 : i32
          %add3A_1224 = vector.broadcast %add3A_1223 : i32 to vector<16xi32>
          %add3A_1225 = arith.addi %get3A_1148, %add3A_1224 : vector<16xi32>
          %swap3A_1226 = arith.constant 1 : i32
          %swap3A_1227 = arith.index_cast %swap3A_1226 : i32 to index
          %swap3A_1228 = arith.constant 112 : index
          %swap3A_1229 = tpu.vector_load %arg15[%swap3A_1227, %swap3A_1228] {strides = array<i32>} : memref<3x128xi32, #tpu.memory_space<vmem>>, vector<16xi32>,
          tpu.vector_store %arg15[%swap3A_1227, %swap3A_1228], %add3A_1225 {strides = array<i32>} : memref<3x128xi32, #tpu.memory_space<vmem>>, vector<16xi32>,
          %add3A_1230 = arith.constant 102400 : i32
          %add3A_1231 = vector.broadcast %add3A_1230 : i32 to vector<16xi32>
          %add3A_1232 = arith.addi %get3A_1148, %add3A_1231 : vector<16xi32>
          %swap3A_1233 = arith.constant 2 : i32
          %swap3A_1234 = arith.index_cast %swap3A_1233 : i32 to index
          %swap3A_1235 = arith.constant 112 : index
          %swap3A_1236 = tpu.vector_load %arg15[%swap3A_1234, %swap3A_1235] {strides = array<i32>} : memref<3x128xi32, #tpu.memory_space<vmem>>, vector<16xi32>,
          tpu.vector_store %arg15[%swap3A_1234, %swap3A_1235], %add3A_1232 {strides = array<i32>} : memref<3x128xi32, #tpu.memory_space<vmem>>, vector<16xi32>,
          %swap3A_1237 = arith.constant 0 : i32
          %swap3A_1238 = arith.index_cast %swap3A_1237 : i32 to index
          %swap3A_1239 = arith.constant 112 : index
          %swap3A_1240 = tpu.vector_load %arg16[%swap3A_1238, %swap3A_1239] {strides = array<i32>} : memref<3x128xf32, #tpu.memory_space<vmem>>, vector<16xf32>,
          tpu.vector_store %arg16[%swap3A_1238, %swap3A_1239], %add3A_1194 {strides = array<i32>} : memref<3x128xf32, #tpu.memory_space<vmem>>, vector<16xf32>,
          %swap3A_1241 = arith.constant 1 : i32
          %swap3A_1242 = arith.index_cast %swap3A_1241 : i32 to index
          %swap3A_1243 = arith.constant 112 : index
          %swap3A_1244 = tpu.vector_load %arg16[%swap3A_1242, %swap3A_1243] {strides = array<i32>} : memref<3x128xf32, #tpu.memory_space<vmem>>, vector<16xf32>,
          tpu.vector_store %arg16[%swap3A_1242, %swap3A_1243], %add3A_1197 {strides = array<i32>} : memref<3x128xf32, #tpu.memory_space<vmem>>, vector<16xf32>,
          %swap3A_1245 = arith.constant 2 : i32
          %swap3A_1246 = arith.index_cast %swap3A_1245 : i32 to index
          %swap3A_1247 = arith.constant 112 : index
          %swap3A_1248 = tpu.vector_load %arg16[%swap3A_1246, %swap3A_1247] {strides = array<i32>} : memref<3x128xf32, #tpu.memory_space<vmem>>, vector<16xf32>,
          tpu.vector_store %arg16[%swap3A_1246, %swap3A_1247], %add3A_1200 {strides = array<i32>} : memref<3x128xf32, #tpu.memory_space<vmem>>, vector<16xf32>,
          %neg3A_1249 = arith.constant 0.000000e+00 : f32
          %neg3A_1250 = vector.broadcast %neg3A_1249 : f32 to vector<16xf32>
          %neg3A_1251 = arith.subf %neg3A_1250, %add3A_1194 : vector<16xf32>
          %swap3A_1252 = arith.constant 0 : i32
          %swap3A_1253 = arith.index_cast %swap3A_1252 : i32 to index
          %swap3A_1254 = arith.constant 112 : index
          %swap3A_1255 = tpu.vector_load %arg17[%swap3A_1253, %swap3A_1254] {strides = array<i32>} : memref<3x128xf32, #tpu.memory_space<vmem>>, vector<16xf32>,
          tpu.vector_store %arg17[%swap3A_1253, %swap3A_1254], %neg3A_1251 {strides = array<i32>} : memref<3x128xf32, #tpu.memory_space<vmem>>, vector<16xf32>,
          %neg3A_1256 = arith.constant 0.000000e+00 : f32
          %neg3A_1257 = vector.broadcast %neg3A_1256 : f32 to vector<16xf32>
          %neg3A_1258 = arith.subf %neg3A_1257, %add3A_1197 : vector<16xf32>
          %swap3A_1259 = arith.constant 1 : i32
          %swap3A_1260 = arith.index_cast %swap3A_1259 : i32 to index
          %swap3A_1261 = arith.constant 112 : index
          %swap3A_1262 = tpu.vector_load %arg17[%swap3A_1260, %swap3A_1261] {strides = array<i32>} : memref<3x128xf32, #tpu.memory_space<vmem>>, vector<16xf32>,
          tpu.vector_store %arg17[%swap3A_1260, %swap3A_1261], %neg3A_1258 {strides = array<i32>} : memref<3x128xf32, #tpu.memory_space<vmem>>, vector<16xf32>,
          %neg3A_1263 = arith.constant 0.000000e+00 : f32
          %neg3A_1264 = vector.broadcast %neg3A_1263 : f32 to vector<16xf32>
          %neg3A_1265 = arith.subf %neg3A_1264, %add3A_1200 : vector<16xf32>
          %swap3A_1266 = arith.constant 2 : i32
          %swap3A_1267 = arith.index_cast %swap3A_1266 : i32 to index
          %swap3A_1268 = arith.constant 112 : index
          %swap3A_1269 = tpu.vector_load %arg17[%swap3A_1267, %swap3A_1268] {strides = array<i32>} : memref<3x128xf32, #tpu.memory_space<vmem>>, vector<16xf32>,
          tpu.vector_store %arg17[%swap3A_1267, %swap3A_1268], %neg3A_1265 {strides = array<i32>} : memref<3x128xf32, #tpu.memory_space<vmem>>, vector<16xf32>,
          %gather3A_1270 = tpu.vector_load_idx %arg10[%get3A_1148] : memref<50000xi32, #tpu.memory_space<vmem>>[vector<16xi32>], vector<16xi32>,
          %mul3A_1271 = arith.constant 6 : i32
          %mul3A_1272 = vector.broadcast %mul3A_1271 : i32 to vector<16xi32>
          %mul3A_1273 = arith.muli %gather3A_1270, %mul3A_1272 : vector<16xi32>
          %add3A_1274 = arith.addi %mul3A_6, %mul3A_1273 : vector<16xi32>
          %mul3A_1275 = arith.mulf %gather3A_1153, %add3A_1194 : vector<16xf32>
          tpu.vector_store_idx %arg18[%add3A_1274], %mul3A_1275 {add = true} : memref<6144xf32, #tpu.memory_space<vmem>>[vector<16xi32>], vector<16xf32>,
          %add3A_1276 = arith.constant 1 : i32
          %add3A_1277 = vector.broadcast %add3A_1276 : i32 to vector<16xi32>
          %add3A_1278 = arith.addi %add3A_1274, %add3A_1277 : vector<16xi32>
          %mul3A_1279 = arith.mulf %gather3A_1157, %add3A_1197 : vector<16xf32>
          tpu.vector_store_idx %arg18[%add3A_1278], %mul3A_1279 {add = true} : memref<6144xf32, #tpu.memory_space<vmem>>[vector<16xi32>], vector<16xf32>,
          %add3A_1280 = arith.constant 2 : i32
          %add3A_1281 = vector.broadcast %add3A_1280 : i32 to vector<16xi32>
          %add3A_1282 = arith.addi %add3A_1274, %add3A_1281 : vector<16xi32>
          %mul3A_1283 = arith.mulf %gather3A_1161, %add3A_1200 : vector<16xf32>
          tpu.vector_store_idx %arg18[%add3A_1282], %mul3A_1283 {add = true} : memref<6144xf32, #tpu.memory_space<vmem>>[vector<16xi32>], vector<16xf32>,
          %add3A_1284 = arith.constant 3 : i32
          %add3A_1285 = vector.broadcast %add3A_1284 : i32 to vector<16xi32>
          %add3A_1286 = arith.addi %add3A_1274, %add3A_1285 : vector<16xi32>
          %mul3A_1287 = arith.mulf %gather3A_1153, %add3A_1197 : vector<16xf32>
          tpu.vector_store_idx %arg18[%add3A_1286], %mul3A_1287 {add = true} : memref<6144xf32, #tpu.memory_space<vmem>>[vector<16xi32>], vector<16xf32>,
          %add3A_1288 = arith.constant 4 : i32
          %add3A_1289 = vector.broadcast %add3A_1288 : i32 to vector<16xi32>
          %add3A_1290 = arith.addi %add3A_1274, %add3A_1289 : vector<16xi32>
          %mul3A_1291 = arith.mulf %gather3A_1157, %add3A_1200 : vector<16xf32>
          tpu.vector_store_idx %arg18[%add3A_1290], %mul3A_1291 {add = true} : memref<6144xf32, #tpu.memory_space<vmem>>[vector<16xi32>], vector<16xf32>,
          %add3A_1292 = arith.constant 5 : i32
          %add3A_1293 = vector.broadcast %add3A_1292 : i32 to vector<16xi32>
          %add3A_1294 = arith.addi %add3A_1274, %add3A_1293 : vector<16xi32>
          %mul3A_1295 = arith.mulf %gather3A_1161, %add3A_1194 : vector<16xf32>
          tpu.vector_store_idx %arg18[%add3A_1294], %mul3A_1295 {add = true} : memref<6144xf32, #tpu.memory_space<vmem>>[vector<16xi32>], vector<16xf32>,
          %dma_start3A = arith.constant 0 : i32
          %dma_start3A_1296 = arith.constant 0 : i32
          %dma_start3A_1297 = arith.constant 0 : i32
          %dma_start3A_1298 = tpu.memref_slice %arg16[%dma_start3A, %dma_start3A_1297] : memref<3x128xf32, #tpu.memory_space<vmem>> -> memref<1x128xf32, #tpu.memory_space<vmem>>
          %dma_start3A_1299 = tpu.memref_squeeze %dma_start3A_1298 : memref<1x128xf32, #tpu.memory_space<vmem>> -> memref<128xf32, #tpu.memory_space<vmem>>
          %dma_start3A_1300 = arith.constant 0 : i32
          %dma_start3A_1301 = tpu.memref_slice %arg14[%dma_start3A_1296, %dma_start3A_1300] : memref<3x128xi32, #tpu.memory_space<vmem>> -> memref<1x128xi32, #tpu.memory_space<vmem>>
          %dma_start3A_1302 = tpu.memref_squeeze %dma_start3A_1301 : memref<1x128xi32, #tpu.memory_space<vmem>> -> memref<128xi32, #tpu.memory_space<vmem>>
          %dma_start3A_1303 = arith.constant 0 : i32
          %dma_start3A_1304 = tpu.memref_slice %arg9[%dma_start3A_1303] : memref<153600xf32, #tpu.memory_space<vmem_shared>> -> memref<153600xf32, #tpu.memory_space<vmem_shared>>
          tpu.enqueue_indirect_dma source(%dma_start3A_1299 : memref<128xf32, #tpu.memory_space<vmem>>) target(%dma_start3A_1304 : memref<153600xf32, #tpu.memory_space<vmem_shared>>) offsets(%dma_start3A_1302 : memref<128xi32, #tpu.memory_space<vmem>>) semaphore(%arg21 : memref<!tpu.dma_semaphore, #tpu.memory_space<semaphore_mem>>) {add = true}
          %dma_start3A_1305 = arith.constant 0 : i32
          %dma_start3A_1306 = arith.constant 0 : i32
          %dma_start3A_1307 = arith.constant 0 : i32
          %dma_start3A_1308 = tpu.memref_slice %arg17[%dma_start3A_1305, %dma_start3A_1307] : memref<3x128xf32, #tpu.memory_space<vmem>> -> memref<1x128xf32, #tpu.memory_space<vmem>>
          %dma_start3A_1309 = tpu.memref_squeeze %dma_start3A_1308 : memref<1x128xf32, #tpu.memory_space<vmem>> -> memref<128xf32, #tpu.memory_space<vmem>>
          %dma_start3A_1310 = arith.constant 0 : i32
          %dma_start3A_1311 = tpu.memref_slice %arg15[%dma_start3A_1306, %dma_start3A_1310] : memref<3x128xi32, #tpu.memory_space<vmem>> -> memref<1x128xi32, #tpu.memory_space<vmem>>
          %dma_start3A_1312 = tpu.memref_squeeze %dma_start3A_1311 : memref<1x128xi32, #tpu.memory_space<vmem>> -> memref<128xi32, #tpu.memory_space<vmem>>
          %dma_start3A_1313 = arith.constant 0 : i32
          %dma_start3A_1314 = tpu.memref_slice %arg9[%dma_start3A_1313] : memref<153600xf32, #tpu.memory_space<vmem_shared>> -> memref<153600xf32, #tpu.memory_space<vmem_shared>>
          tpu.enqueue_indirect_dma source(%dma_start3A_1309 : memref<128xf32, #tpu.memory_space<vmem>>) target(%dma_start3A_1314 : memref<153600xf32, #tpu.memory_space<vmem_shared>>) offsets(%dma_start3A_1312 : memref<128xi32, #tpu.memory_space<vmem>>) semaphore(%arg21 : memref<!tpu.dma_semaphore, #tpu.memory_space<semaphore_mem>>) {add = true}
          %dma_start3A_1315 = arith.constant 1 : i32
          %dma_start3A_1316 = arith.constant 1 : i32
          %dma_start3A_1317 = arith.constant 0 : i32
          %dma_start3A_1318 = tpu.memref_slice %arg16[%dma_start3A_1315, %dma_start3A_1317] : memref<3x128xf32, #tpu.memory_space<vmem>> -> memref<1x128xf32, #tpu.memory_space<vmem>>
          %dma_start3A_1319 = tpu.memref_squeeze %dma_start3A_1318 : memref<1x128xf32, #tpu.memory_space<vmem>> -> memref<128xf32, #tpu.memory_space<vmem>>
          %dma_start3A_1320 = arith.constant 0 : i32
          %dma_start3A_1321 = tpu.memref_slice %arg14[%dma_start3A_1316, %dma_start3A_1320] : memref<3x128xi32, #tpu.memory_space<vmem>> -> memref<1x128xi32, #tpu.memory_space<vmem>>
          %dma_start3A_1322 = tpu.memref_squeeze %dma_start3A_1321 : memref<1x128xi32, #tpu.memory_space<vmem>> -> memref<128xi32, #tpu.memory_space<vmem>>
          %dma_start3A_1323 = arith.constant 0 : i32
          %dma_start3A_1324 = tpu.memref_slice %arg9[%dma_start3A_1323] : memref<153600xf32, #tpu.memory_space<vmem_shared>> -> memref<153600xf32, #tpu.memory_space<vmem_shared>>
          tpu.enqueue_indirect_dma source(%dma_start3A_1319 : memref<128xf32, #tpu.memory_space<vmem>>) target(%dma_start3A_1324 : memref<153600xf32, #tpu.memory_space<vmem_shared>>) offsets(%dma_start3A_1322 : memref<128xi32, #tpu.memory_space<vmem>>) semaphore(%arg21 : memref<!tpu.dma_semaphore, #tpu.memory_space<semaphore_mem>>) {add = true}
          %dma_start3A_1325 = arith.constant 1 : i32
          %dma_start3A_1326 = arith.constant 1 : i32
          %dma_start3A_1327 = arith.constant 0 : i32
          %dma_start3A_1328 = tpu.memref_slice %arg17[%dma_start3A_1325, %dma_start3A_1327] : memref<3x128xf32, #tpu.memory_space<vmem>> -> memref<1x128xf32, #tpu.memory_space<vmem>>
          %dma_start3A_1329 = tpu.memref_squeeze %dma_start3A_1328 : memref<1x128xf32, #tpu.memory_space<vmem>> -> memref<128xf32, #tpu.memory_space<vmem>>
          %dma_start3A_1330 = arith.constant 0 : i32
          %dma_start3A_1331 = tpu.memref_slice %arg15[%dma_start3A_1326, %dma_start3A_1330] : memref<3x128xi32, #tpu.memory_space<vmem>> -> memref<1x128xi32, #tpu.memory_space<vmem>>
          %dma_start3A_1332 = tpu.memref_squeeze %dma_start3A_1331 : memref<1x128xi32, #tpu.memory_space<vmem>> -> memref<128xi32, #tpu.memory_space<vmem>>
          %dma_start3A_1333 = arith.constant 0 : i32
          %dma_start3A_1334 = tpu.memref_slice %arg9[%dma_start3A_1333] : memref<153600xf32, #tpu.memory_space<vmem_shared>> -> memref<153600xf32, #tpu.memory_space<vmem_shared>>
          tpu.enqueue_indirect_dma source(%dma_start3A_1329 : memref<128xf32, #tpu.memory_space<vmem>>) target(%dma_start3A_1334 : memref<153600xf32, #tpu.memory_space<vmem_shared>>) offsets(%dma_start3A_1332 : memref<128xi32, #tpu.memory_space<vmem>>) semaphore(%arg21 : memref<!tpu.dma_semaphore, #tpu.memory_space<semaphore_mem>>) {add = true}
          %dma_start3A_1335 = arith.constant 2 : i32
          %dma_start3A_1336 = arith.constant 2 : i32
          %dma_start3A_1337 = arith.constant 0 : i32
          %dma_start3A_1338 = tpu.memref_slice %arg16[%dma_start3A_1335, %dma_start3A_1337] : memref<3x128xf32, #tpu.memory_space<vmem>> -> memref<1x128xf32, #tpu.memory_space<vmem>>
          %dma_start3A_1339 = tpu.memref_squeeze %dma_start3A_1338 : memref<1x128xf32, #tpu.memory_space<vmem>> -> memref<128xf32, #tpu.memory_space<vmem>>
          %dma_start3A_1340 = arith.constant 0 : i32
          %dma_start3A_1341 = tpu.memref_slice %arg14[%dma_start3A_1336, %dma_start3A_1340] : memref<3x128xi32, #tpu.memory_space<vmem>> -> memref<1x128xi32, #tpu.memory_space<vmem>>
          %dma_start3A_1342 = tpu.memref_squeeze %dma_start3A_1341 : memref<1x128xi32, #tpu.memory_space<vmem>> -> memref<128xi32, #tpu.memory_space<vmem>>
          %dma_start3A_1343 = arith.constant 0 : i32
          %dma_start3A_1344 = tpu.memref_slice %arg9[%dma_start3A_1343] : memref<153600xf32, #tpu.memory_space<vmem_shared>> -> memref<153600xf32, #tpu.memory_space<vmem_shared>>
          tpu.enqueue_indirect_dma source(%dma_start3A_1339 : memref<128xf32, #tpu.memory_space<vmem>>) target(%dma_start3A_1344 : memref<153600xf32, #tpu.memory_space<vmem_shared>>) offsets(%dma_start3A_1342 : memref<128xi32, #tpu.memory_space<vmem>>) semaphore(%arg21 : memref<!tpu.dma_semaphore, #tpu.memory_space<semaphore_mem>>) {add = true}
          %dma_start3A_1345 = arith.constant 2 : i32
          %dma_start3A_1346 = arith.constant 2 : i32
          %dma_start3A_1347 = arith.constant 0 : i32
          %dma_start3A_1348 = tpu.memref_slice %arg17[%dma_start3A_1345, %dma_start3A_1347] : memref<3x128xf32, #tpu.memory_space<vmem>> -> memref<1x128xf32, #tpu.memory_space<vmem>>
          %dma_start3A_1349 = tpu.memref_squeeze %dma_start3A_1348 : memref<1x128xf32, #tpu.memory_space<vmem>> -> memref<128xf32, #tpu.memory_space<vmem>>
          %dma_start3A_1350 = arith.constant 0 : i32
          %dma_start3A_1351 = tpu.memref_slice %arg15[%dma_start3A_1346, %dma_start3A_1350] : memref<3x128xi32, #tpu.memory_space<vmem>> -> memref<1x128xi32, #tpu.memory_space<vmem>>
          %dma_start3A_1352 = tpu.memref_squeeze %dma_start3A_1351 : memref<1x128xi32, #tpu.memory_space<vmem>> -> memref<128xi32, #tpu.memory_space<vmem>>
          %dma_start3A_1353 = arith.constant 0 : i32
          %dma_start3A_1354 = tpu.memref_slice %arg9[%dma_start3A_1353] : memref<153600xf32, #tpu.memory_space<vmem_shared>> -> memref<153600xf32, #tpu.memory_space<vmem_shared>>
          tpu.enqueue_indirect_dma source(%dma_start3A_1349 : memref<128xf32, #tpu.memory_space<vmem>>) target(%dma_start3A_1354 : memref<153600xf32, #tpu.memory_space<vmem_shared>>) offsets(%dma_start3A_1352 : memref<128xi32, #tpu.memory_space<vmem>>) semaphore(%arg21 : memref<!tpu.dma_semaphore, #tpu.memory_space<semaphore_mem>>) {add = true}
          %dma_wait3A = arith.constant 0 : i32
          %dma_wait3A_1355 = arith.constant 0 : i32
          %dma_wait3A_1356 = arith.constant 0 : i32
          %dma_wait3A_1357 = tpu.memref_slice %arg16[%dma_wait3A, %dma_wait3A_1356] : memref<3x128xf32, #tpu.memory_space<vmem>> -> memref<1x128xf32, #tpu.memory_space<vmem>>
          %dma_wait3A_1358 = tpu.memref_squeeze %dma_wait3A_1357 : memref<1x128xf32, #tpu.memory_space<vmem>> -> memref<128xf32, #tpu.memory_space<vmem>>
          %dma_wait3A_1359 = arith.constant 0 : i32
          %dma_wait3A_1360 = tpu.memref_slice %arg14[%dma_wait3A_1355, %dma_wait3A_1359] : memref<3x128xi32, #tpu.memory_space<vmem>> -> memref<1x128xi32, #tpu.memory_space<vmem>>
          %dma_wait3A_1361 = tpu.memref_squeeze %dma_wait3A_1360 : memref<1x128xi32, #tpu.memory_space<vmem>> -> memref<128xi32, #tpu.memory_space<vmem>>
          %dma_wait3A_1362 = arith.constant 0 : i32
          %dma_wait3A_1363 = tpu.memref_slice %arg9[%dma_wait3A_1362] : memref<153600xf32, #tpu.memory_space<vmem_shared>> -> memref<153600xf32, #tpu.memory_space<vmem_shared>>
          tpu.wait_indirect_dma semaphore(%arg21 : memref<!tpu.dma_semaphore, #tpu.memory_space<semaphore_mem>>) src(%dma_wait3A_1358 : memref<128xf32, #tpu.memory_space<vmem>>) dst(%dma_wait3A_1363 : memref<153600xf32, #tpu.memory_space<vmem_shared>>)
          %dma_wait3A_1364 = arith.constant 0 : i32
          %dma_wait3A_1365 = arith.constant 0 : i32
          %dma_wait3A_1366 = arith.constant 0 : i32
          %dma_wait3A_1367 = tpu.memref_slice %arg17[%dma_wait3A_1364, %dma_wait3A_1366] : memref<3x128xf32, #tpu.memory_space<vmem>> -> memref<1x128xf32, #tpu.memory_space<vmem>>
          %dma_wait3A_1368 = tpu.memref_squeeze %dma_wait3A_1367 : memref<1x128xf32, #tpu.memory_space<vmem>> -> memref<128xf32, #tpu.memory_space<vmem>>
          %dma_wait3A_1369 = arith.constant 0 : i32
          %dma_wait3A_1370 = tpu.memref_slice %arg15[%dma_wait3A_1365, %dma_wait3A_1369] : memref<3x128xi32, #tpu.memory_space<vmem>> -> memref<1x128xi32, #tpu.memory_space<vmem>>
          %dma_wait3A_1371 = tpu.memref_squeeze %dma_wait3A_1370 : memref<1x128xi32, #tpu.memory_space<vmem>> -> memref<128xi32, #tpu.memory_space<vmem>>
          %dma_wait3A_1372 = arith.constant 0 : i32
          %dma_wait3A_1373 = tpu.memref_slice %arg9[%dma_wait3A_1372] : memref<153600xf32, #tpu.memory_space<vmem_shared>> -> memref<153600xf32, #tpu.memory_space<vmem_shared>>
          tpu.wait_indirect_dma semaphore(%arg21 : memref<!tpu.dma_semaphore, #tpu.memory_space<semaphore_mem>>) src(%dma_wait3A_1368 : memref<128xf32, #tpu.memory_space<vmem>>) dst(%dma_wait3A_1373 : memref<153600xf32, #tpu.memory_space<vmem_shared>>)
          %dma_wait3A_1374 = arith.constant 1 : i32
          %dma_wait3A_1375 = arith.constant 1 : i32
          %dma_wait3A_1376 = arith.constant 0 : i32
          %dma_wait3A_1377 = tpu.memref_slice %arg16[%dma_wait3A_1374, %dma_wait3A_1376] : memref<3x128xf32, #tpu.memory_space<vmem>> -> memref<1x128xf32, #tpu.memory_space<vmem>>
          %dma_wait3A_1378 = tpu.memref_squeeze %dma_wait3A_1377 : memref<1x128xf32, #tpu.memory_space<vmem>> -> memref<128xf32, #tpu.memory_space<vmem>>
          %dma_wait3A_1379 = arith.constant 0 : i32
          %dma_wait3A_1380 = tpu.memref_slice %arg14[%dma_wait3A_1375, %dma_wait3A_1379] : memref<3x128xi32, #tpu.memory_space<vmem>> -> memref<1x128xi32, #tpu.memory_space<vmem>>
          %dma_wait3A_1381 = tpu.memref_squeeze %dma_wait3A_1380 : memref<1x128xi32, #tpu.memory_space<vmem>> -> memref<128xi32, #tpu.memory_space<vmem>>
          %dma_wait3A_1382 = arith.constant 0 : i32
          %dma_wait3A_1383 = tpu.memref_slice %arg9[%dma_wait3A_1382] : memref<153600xf32, #tpu.memory_space<vmem_shared>> -> memref<153600xf32, #tpu.memory_space<vmem_shared>>
          tpu.wait_indirect_dma semaphore(%arg21 : memref<!tpu.dma_semaphore, #tpu.memory_space<semaphore_mem>>) src(%dma_wait3A_1378 : memref<128xf32, #tpu.memory_space<vmem>>) dst(%dma_wait3A_1383 : memref<153600xf32, #tpu.memory_space<vmem_shared>>)
          %dma_wait3A_1384 = arith.constant 1 : i32
          %dma_wait3A_1385 = arith.constant 1 : i32
          %dma_wait3A_1386 = arith.constant 0 : i32
          %dma_wait3A_1387 = tpu.memref_slice %arg17[%dma_wait3A_1384, %dma_wait3A_1386] : memref<3x128xf32, #tpu.memory_space<vmem>> -> memref<1x128xf32, #tpu.memory_space<vmem>>
          %dma_wait3A_1388 = tpu.memref_squeeze %dma_wait3A_1387 : memref<1x128xf32, #tpu.memory_space<vmem>> -> memref<128xf32, #tpu.memory_space<vmem>>
          %dma_wait3A_1389 = arith.constant 0 : i32
          %dma_wait3A_1390 = tpu.memref_slice %arg15[%dma_wait3A_1385, %dma_wait3A_1389] : memref<3x128xi32, #tpu.memory_space<vmem>> -> memref<1x128xi32, #tpu.memory_space<vmem>>
          %dma_wait3A_1391 = tpu.memref_squeeze %dma_wait3A_1390 : memref<1x128xi32, #tpu.memory_space<vmem>> -> memref<128xi32, #tpu.memory_space<vmem>>
          %dma_wait3A_1392 = arith.constant 0 : i32
          %dma_wait3A_1393 = tpu.memref_slice %arg9[%dma_wait3A_1392] : memref<153600xf32, #tpu.memory_space<vmem_shared>> -> memref<153600xf32, #tpu.memory_space<vmem_shared>>
          tpu.wait_indirect_dma semaphore(%arg21 : memref<!tpu.dma_semaphore, #tpu.memory_space<semaphore_mem>>) src(%dma_wait3A_1388 : memref<128xf32, #tpu.memory_space<vmem>>) dst(%dma_wait3A_1393 : memref<153600xf32, #tpu.memory_space<vmem_shared>>)
          %dma_wait3A_1394 = arith.constant 2 : i32
          %dma_wait3A_1395 = arith.constant 2 : i32
          %dma_wait3A_1396 = arith.constant 0 : i32
          %dma_wait3A_1397 = tpu.memref_slice %arg16[%dma_wait3A_1394, %dma_wait3A_1396] : memref<3x128xf32, #tpu.memory_space<vmem>> -> memref<1x128xf32, #tpu.memory_space<vmem>>
          %dma_wait3A_1398 = tpu.memref_squeeze %dma_wait3A_1397 : memref<1x128xf32, #tpu.memory_space<vmem>> -> memref<128xf32, #tpu.memory_space<vmem>>
          %dma_wait3A_1399 = arith.constant 0 : i32
          %dma_wait3A_1400 = tpu.memref_slice %arg14[%dma_wait3A_1395, %dma_wait3A_1399] : memref<3x128xi32, #tpu.memory_space<vmem>> -> memref<1x128xi32, #tpu.memory_space<vmem>>
          %dma_wait3A_1401 = tpu.memref_squeeze %dma_wait3A_1400 : memref<1x128xi32, #tpu.memory_space<vmem>> -> memref<128xi32, #tpu.memory_space<vmem>>
          %dma_wait3A_1402 = arith.constant 0 : i32
          %dma_wait3A_1403 = tpu.memref_slice %arg9[%dma_wait3A_1402] : memref<153600xf32, #tpu.memory_space<vmem_shared>> -> memref<153600xf32, #tpu.memory_space<vmem_shared>>
          tpu.wait_indirect_dma semaphore(%arg21 : memref<!tpu.dma_semaphore, #tpu.memory_space<semaphore_mem>>) src(%dma_wait3A_1398 : memref<128xf32, #tpu.memory_space<vmem>>) dst(%dma_wait3A_1403 : memref<153600xf32, #tpu.memory_space<vmem_shared>>)
          %dma_wait3A_1404 = arith.constant 2 : i32
          %dma_wait3A_1405 = arith.constant 2 : i32
          %dma_wait3A_1406 = arith.constant 0 : i32
          %dma_wait3A_1407 = tpu.memref_slice %arg17[%dma_wait3A_1404, %dma_wait3A_1406] : memref<3x128xf32, #tpu.memory_space<vmem>> -> memref<1x128xf32, #tpu.memory_space<vmem>>
          %dma_wait3A_1408 = tpu.memref_squeeze %dma_wait3A_1407 : memref<1x128xf32, #tpu.memory_space<vmem>> -> memref<128xf32, #tpu.memory_space<vmem>>
          %dma_wait3A_1409 = arith.constant 0 : i32
          %dma_wait3A_1410 = tpu.memref_slice %arg15[%dma_wait3A_1405, %dma_wait3A_1409] : memref<3x128xi32, #tpu.memory_space<vmem>> -> memref<1x128xi32, #tpu.memory_space<vmem>>
          %dma_wait3A_1411 = tpu.memref_squeeze %dma_wait3A_1410 : memref<1x128xi32, #tpu.memory_space<vmem>> -> memref<128xi32, #tpu.memory_space<vmem>>
          %dma_wait3A_1412 = arith.constant 0 : i32
          %dma_wait3A_1413 = tpu.memref_slice %arg9[%dma_wait3A_1412] : memref<153600xf32, #tpu.memory_space<vmem_shared>> -> memref<153600xf32, #tpu.memory_space<vmem_shared>>
          tpu.wait_indirect_dma semaphore(%arg21 : memref<!tpu.dma_semaphore, #tpu.memory_space<semaphore_mem>>) src(%dma_wait3A_1408 : memref<128xf32, #tpu.memory_space<vmem>>) dst(%dma_wait3A_1413 : memref<153600xf32, #tpu.memory_space<vmem_shared>>)
        }
        %scan3A_60 = arith.constant 10 : i32
      } else {
      }
    }
    %scan3A_37 = arith.constant 40 : i32
    %barrier3A_38 = arith.constant 0 : index
    tpu.barrier barrier_id(%barrier3A_38)
    %mul3A_39 = arith.constant 9600 : i32
    %mul3A_40 = arith.muli %arg1, %mul3A_39 : i32
    "tpu.region"() ({
      %run_scoped3A = tpu.sem_alloc : memref<!tpu.dma_semaphore, #tpu.memory_space<semaphore_mem>>
      %dma_start3A = tpu.memref_slice %arg9[%mul3A_40] : memref<153600xf32, #tpu.memory_space<vmem_shared>> -> memref<9600xf32, #tpu.memory_space<vmem_shared>>
      %dma_start3A_43 = tpu.memref_slice %arg9[%mul3A_40] : memref<153600xf32, #tpu.memory_space<vmem_shared>> -> memref<9600xf32, #tpu.memory_space<vmem_shared>>
      tpu.enqueue_dma source(%dma_start3A_43 : memref<9600xf32, #tpu.memory_space<vmem_shared>>) target(%arg20 : memref<9600xf32, #tpu.memory_space<vmem>>) target_semaphore(%run_scoped3A : memref<!tpu.dma_semaphore, #tpu.memory_space<semaphore_mem>>)
      %dma_wait3A = tpu.memref_slice %arg9[%mul3A_40] : memref<153600xf32, #tpu.memory_space<vmem_shared>> -> memref<9600xf32, #tpu.memory_space<vmem_shared>>
      %dma_wait3A_44 = tpu.memref_slice %arg9[%mul3A_40] : memref<153600xf32, #tpu.memory_space<vmem_shared>> -> memref<9600xf32, #tpu.memory_space<vmem_shared>>
      tpu.wait_dma2 semaphore(%run_scoped3A : memref<!tpu.dma_semaphore, #tpu.memory_space<semaphore_mem>>) src(%dma_wait3A_44 : memref<9600xf32, #tpu.memory_space<vmem_shared>>) dst(%arg20 : memref<9600xf32, #tpu.memory_space<vmem>>)
      tpu.yield
    }) : () -> ()
    %mul3A_41 = arith.constant 9600 : i32
    %mul3A_42 = arith.muli %arg1, %mul3A_41 : i32
    "tpu.region"() ({
      %run_scoped3A = tpu.sem_alloc : memref<!tpu.dma_semaphore, #tpu.memory_space<semaphore_mem>>
      %dma_start3A = tpu.memref_slice %arg7[%arg0, %mul3A_42] : memref<2x153600xf32, #tpu.memory_space<hbm>> -> memref<1x9600xf32, #tpu.memory_space<hbm>>
      %dma_start3A_43 = tpu.memref_squeeze %dma_start3A : memref<1x9600xf32, #tpu.memory_space<hbm>> -> memref<9600xf32, #tpu.memory_space<hbm>>
      %dma_start3A_44 = tpu.memref_slice %arg7[%arg0, %mul3A_42] : memref<2x153600xf32, #tpu.memory_space<hbm>> -> memref<1x9600xf32, #tpu.memory_space<hbm>>
      %dma_start3A_45 = tpu.memref_squeeze %dma_start3A_44 : memref<1x9600xf32, #tpu.memory_space<hbm>> -> memref<9600xf32, #tpu.memory_space<hbm>>
      tpu.enqueue_dma source(%arg20 : memref<9600xf32, #tpu.memory_space<vmem>>) target(%dma_start3A_45 : memref<9600xf32, #tpu.memory_space<hbm>>) target_semaphore(%run_scoped3A : memref<!tpu.dma_semaphore, #tpu.memory_space<semaphore_mem>>)
      %dma_wait3A = tpu.memref_slice %arg7[%arg0, %mul3A_42] : memref<2x153600xf32, #tpu.memory_space<hbm>> -> memref<1x9600xf32, #tpu.memory_space<hbm>>
      %dma_wait3A_46 = tpu.memref_squeeze %dma_wait3A : memref<1x9600xf32, #tpu.memory_space<hbm>> -> memref<9600xf32, #tpu.memory_space<hbm>>
      %dma_wait3A_47 = tpu.memref_slice %arg7[%arg0, %mul3A_42] : memref<2x153600xf32, #tpu.memory_space<hbm>> -> memref<1x9600xf32, #tpu.memory_space<hbm>>
      %dma_wait3A_48 = tpu.memref_squeeze %dma_wait3A_47 : memref<1x9600xf32, #tpu.memory_space<hbm>> -> memref<9600xf32, #tpu.memory_space<hbm>>
      tpu.wait_dma2 semaphore(%run_scoped3A : memref<!tpu.dma_semaphore, #tpu.memory_space<semaphore_mem>>) src(%arg20 : memref<9600xf32, #tpu.memory_space<vmem>>) dst(%dma_wait3A_48 : memref<9600xf32, #tpu.memory_space<hbm>>)
      tpu.yield
    }) : () -> ()
    "tpu.region"() ({
      %run_scoped3A = tpu.sem_alloc : memref<!tpu.dma_semaphore, #tpu.memory_space<semaphore_mem>>
      %dma_start3A = arith.constant 0 : i32
      %dma_start3A_43 = tpu.memref_slice %arg8[%add3A, %dma_start3A] : memref<32x6144xf32, #tpu.memory_space<hbm>> -> memref<1x6144xf32, #tpu.memory_space<hbm>>
      %dma_start3A_44 = tpu.memref_squeeze %dma_start3A_43 : memref<1x6144xf32, #tpu.memory_space<hbm>> -> memref<6144xf32, #tpu.memory_space<hbm>>
      %dma_start3A_45 = arith.constant 0 : i32
      %dma_start3A_46 = tpu.memref_slice %arg8[%add3A, %dma_start3A_45] : memref<32x6144xf32, #tpu.memory_space<hbm>> -> memref<1x6144xf32, #tpu.memory_space<hbm>>
      %dma_start3A_47 = tpu.memref_squeeze %dma_start3A_46 : memref<1x6144xf32, #tpu.memory_space<hbm>> -> memref<6144xf32, #tpu.memory_space<hbm>>
      tpu.enqueue_dma source(%arg18 : memref<6144xf32, #tpu.memory_space<vmem>>) target(%dma_start3A_47 : memref<6144xf32, #tpu.memory_space<hbm>>) target_semaphore(%run_scoped3A : memref<!tpu.dma_semaphore, #tpu.memory_space<semaphore_mem>>)
      %dma_wait3A = arith.constant 0 : i32
      %dma_wait3A_48 = tpu.memref_slice %arg8[%add3A, %dma_wait3A] : memref<32x6144xf32, #tpu.memory_space<hbm>> -> memref<1x6144xf32, #tpu.memory_space<hbm>>
      %dma_wait3A_49 = tpu.memref_squeeze %dma_wait3A_48 : memref<1x6144xf32, #tpu.memory_space<hbm>> -> memref<6144xf32, #tpu.memory_space<hbm>>
      %dma_wait3A_50 = arith.constant 0 : i32
      %dma_wait3A_51 = tpu.memref_slice %arg8[%add3A, %dma_wait3A_50] : memref<32x6144xf32, #tpu.memory_space<hbm>> -> memref<1x6144xf32, #tpu.memory_space<hbm>>
      %dma_wait3A_52 = tpu.memref_squeeze %dma_wait3A_51 : memref<1x6144xf32, #tpu.memory_space<hbm>> -> memref<6144xf32, #tpu.memory_space<hbm>>
      tpu.wait_dma2 semaphore(%run_scoped3A : memref<!tpu.dma_semaphore, #tpu.memory_space<semaphore_mem>>) src(%arg18 : memref<6144xf32, #tpu.memory_space<vmem>>) dst(%dma_wait3A_52 : memref<6144xf32, #tpu.memory_space<hbm>>)
      tpu.yield
    }) : () -> ()
    return
  }
}

module attributes {stable_mosaic.version = 14 : i64} {
  func.func @_moments_body(%arg0: memref<8x3xf32, #tpu.memory_space<vmem>>, %arg1: memref<3x50000xf32, #tpu.memory_space<vmem>>, %arg2: memref<1x50000xf32, #tpu.memory_space<vmem>>, %arg3: memref<8x2xf32, #tpu.memory_space<vmem>>) attributes {dimension_semantics = [], scalar_prefetch = 0 : i64, scratch_operands = 0 : i64, tpu.core_type = #tpu.core_type<tc>} {
    %get3A = arith.constant 0 : index
    %get3A_0 = arith.constant 0 : index
    %get3A_1 = vector.load %arg0[%get3A, %get3A_0] : memref<8x3xf32, #tpu.memory_space<vmem>>, vector<8x3xf32>
    %get3A_2 = arith.constant 0 : index
    %get3A_3 = arith.constant 0 : index
    %get3A_4 = vector.load %arg1[%get3A_2, %get3A_3] : memref<3x50000xf32, #tpu.memory_space<vmem>>, vector<3x50000xf32>
    %dot_general3A = arith.constant dense<0.000000e+00> : vector<8x50000xf32>
    %dot_general3A_5 = tpu.matmul %get3A_1, %get3A_4, %dot_general3A {dimension_numbers = #tpu.dot_dimension_numbers<[1], [0], [0], [1], [0, 0, 1, 1], [], []>, transpose_lhs_hint = false} : vector<8x3xf32>, vector<3x50000xf32>, vector<8x50000xf32> -> vector<8x50000xf32>
    %get3A_6 = arith.constant 0 : index
    %get3A_7 = arith.constant 0 : index
    %get3A_8 = vector.load %arg2[%get3A_6, %get3A_7] : memref<1x50000xf32, #tpu.memory_space<vmem>>, vector<1x50000xf32>
    %cos3A = math.cos %dot_general3A_5 : vector<8x50000xf32>
    %mul3A = vector.broadcast %get3A_8 : vector<1x50000xf32> to vector<8x50000xf32>
    %mul3A_9 = arith.mulf %mul3A, %cos3A : vector<8x50000xf32>
    %reduce_sum3A = arith.constant dense<0.000000e+00> : vector<8xf32>
    %reduce_sum3A_10 = vector.multi_reduction <add>, %mul3A_9, %reduce_sum3A [1] : vector<8x50000xf32> to vector<8xf32>
    %broadcast_in_dim3A = vector.shape_cast %reduce_sum3A_10 : vector<8xf32> to vector<8x1xf32>
    %swap3A = arith.constant 0 : index
    %swap3A_11 = arith.constant 0 : index
    %swap3A_12 = vector.load %arg3[%swap3A, %swap3A_11] : memref<8x2xf32, #tpu.memory_space<vmem>>, vector<8x1xf32>
    tpu.vector_store %arg3[%swap3A, %swap3A_11], %broadcast_in_dim3A {strides = array<i32>} : memref<8x2xf32, #tpu.memory_space<vmem>>, vector<8x1xf32>,
    %sin3A = math.sin %dot_general3A_5 : vector<8x50000xf32>
    %mul3A_13 = vector.broadcast %get3A_8 : vector<1x50000xf32> to vector<8x50000xf32>
    %mul3A_14 = arith.mulf %mul3A_13, %sin3A : vector<8x50000xf32>
    %reduce_sum3A_15 = arith.constant dense<0.000000e+00> : vector<8xf32>
    %reduce_sum3A_16 = vector.multi_reduction <add>, %mul3A_14, %reduce_sum3A_15 [1] : vector<8x50000xf32> to vector<8xf32>
    %broadcast_in_dim3A_17 = vector.shape_cast %reduce_sum3A_16 : vector<8xf32> to vector<8x1xf32>
    %swap3A_18 = arith.constant 0 : index
    %swap3A_19 = arith.constant 1 : index
    %swap3A_20 = vector.load %arg3[%swap3A_18, %swap3A_19] : memref<8x2xf32, #tpu.memory_space<vmem>>, vector<8x1xf32>
    tpu.vector_store %arg3[%swap3A_18, %swap3A_19], %broadcast_in_dim3A_17 {strides = array<i32>} : memref<8x2xf32, #tpu.memory_space<vmem>>, vector<8x1xf32>,
    return
  }
}

module attributes {stable_mosaic.version = 14 : i64} {
  func.func @_finalize_body(%arg0: i32, %arg1: memref<3x2048xf32, #tpu.memory_space<vmem>>, %arg2: memref<3x2048xf32, #tpu.memory_space<vmem>>, %arg3: memref<3x2048xf32, #tpu.memory_space<vmem>>, %arg4: memref<1x2048xf32, #tpu.memory_space<vmem>>, %arg5: memref<8x3xf32, #tpu.memory_space<vmem>>, %arg6: memref<3x8xf32, #tpu.memory_space<vmem>>, %arg7: memref<8x2xf32, #tpu.memory_space<vmem>>, %arg8: memref<3x2048xf32, #tpu.memory_space<vmem>>) attributes {dimension_semantics = [#tpu.dimension_semantics<arbitrary>], iteration_bounds = array<i64: 25>, scalar_prefetch = 0 : i64, scratch_operands = 0 : i64, tpu.core_type = #tpu.core_type<tc>, window_params = [{transform_indices = @transform_0, window_bounds = array<i64: 3, 2048>}, {transform_indices = @transform_1, window_bounds = array<i64: 3, 2048>}, {transform_indices = @transform_2, window_bounds = array<i64: 3, 2048>}, {transform_indices = @transform_3, window_bounds = array<i64: 1, 2048>}, {pipeline_mode = #tpu.pipeline_mode<synchronous>, transform_indices = @transform_4, window_bounds = array<i64: 8, 3>}, {pipeline_mode = #tpu.pipeline_mode<synchronous>, transform_indices = @transform_5, window_bounds = array<i64: 3, 8>}, {pipeline_mode = #tpu.pipeline_mode<synchronous>, transform_indices = @transform_6, window_bounds = array<i64: 8, 2>}, {transform_indices = @transform_7, window_bounds = array<i64: 3, 2048>}]} {
    %get3A = arith.constant 0 : index
    %get3A_0 = arith.constant 0 : index
    %get3A_1 = vector.load %arg5[%get3A, %get3A_0] : memref<8x3xf32, #tpu.memory_space<vmem>>, vector<8x3xf32>
    %get3A_2 = arith.constant 0 : index
    %get3A_3 = arith.constant 0 : index
    %get3A_4 = vector.load %arg3[%get3A_2, %get3A_3] : memref<3x2048xf32, #tpu.memory_space<vmem>>, vector<3x2048xf32>
    %dot_general3A = arith.constant dense<0.000000e+00> : vector<8x2048xf32>
    %dot_general3A_5 = tpu.matmul %get3A_1, %get3A_4, %dot_general3A {dimension_numbers = #tpu.dot_dimension_numbers<[1], [0], [0], [1], [0, 0, 1, 1], [], []>, transpose_lhs_hint = false} : vector<8x3xf32>, vector<3x2048xf32>, vector<8x2048xf32> -> vector<8x2048xf32>
    %get3A_6 = arith.constant 0 : index
    %get3A_7 = arith.constant 0 : index
    %get3A_8 = vector.load %arg7[%get3A_6, %get3A_7] : memref<8x2xf32, #tpu.memory_space<vmem>>, vector<8x1xf32>
    %get3A_9 = arith.constant 0 : index
    %get3A_10 = arith.constant 1 : index
    %get3A_11 = vector.load %arg7[%get3A_9, %get3A_10] : memref<8x2xf32, #tpu.memory_space<vmem>>, vector<8x1xf32>
    %cos3A = math.cos %dot_general3A_5 : vector<8x2048xf32>
    %mul3A = vector.broadcast %get3A_11 : vector<8x1xf32> to vector<8x2048xf32>
    %mul3A_12 = arith.mulf %mul3A, %cos3A : vector<8x2048xf32>
    %sin3A = math.sin %dot_general3A_5 : vector<8x2048xf32>
    %mul3A_13 = vector.broadcast %get3A_8 : vector<8x1xf32> to vector<8x2048xf32>
    %mul3A_14 = arith.mulf %mul3A_13, %sin3A : vector<8x2048xf32>
    %sub3A = arith.subf %mul3A_12, %mul3A_14 : vector<8x2048xf32>
    %mul3A_15 = arith.constant 2.000000e+00 : f32
    %mul3A_16 = vector.broadcast %mul3A_15 : f32 to vector<8x2048xf32>
    %mul3A_17 = arith.mulf %mul3A_16, %sub3A : vector<8x2048xf32>
    %get3A_18 = arith.constant 0 : index
    %get3A_19 = arith.constant 0 : index
    %get3A_20 = vector.load %arg6[%get3A_18, %get3A_19] : memref<3x8xf32, #tpu.memory_space<vmem>>, vector<3x8xf32>
    %dot_general3A_21 = arith.constant dense<0.000000e+00> : vector<3x2048xf32>
    %dot_general3A_22 = tpu.matmul %get3A_20, %mul3A_17, %dot_general3A_21 {dimension_numbers = #tpu.dot_dimension_numbers<[1], [0], [0], [1], [0, 0, 1, 1], [], []>, transpose_lhs_hint = false} : vector<3x8xf32>, vector<8x2048xf32>, vector<3x2048xf32> -> vector<3x2048xf32>
    %get3A_23 = arith.constant 0 : index
    %get3A_24 = arith.constant 0 : index
    %get3A_25 = vector.load %arg4[%get3A_23, %get3A_24] : memref<1x2048xf32, #tpu.memory_space<vmem>>, vector<1x2048xf32>
    %mul3A_26 = vector.broadcast %get3A_25 : vector<1x2048xf32> to vector<3x2048xf32>
    %mul3A_27 = arith.mulf %dot_general3A_22, %mul3A_26 : vector<3x2048xf32>
    %get3A_28 = arith.constant 0 : index
    %get3A_29 = arith.constant 0 : index
    %get3A_30 = vector.load %arg1[%get3A_28, %get3A_29] : memref<3x2048xf32, #tpu.memory_space<vmem>>, vector<3x2048xf32>
    %get3A_31 = arith.constant 0 : index
    %get3A_32 = arith.constant 0 : index
    %get3A_33 = vector.load %arg2[%get3A_31, %get3A_32] : memref<3x2048xf32, #tpu.memory_space<vmem>>, vector<3x2048xf32>
    %add3A = arith.addf %get3A_30, %get3A_33 : vector<3x2048xf32>
    %sub3A_34 = arith.subf %add3A, %mul3A_27 : vector<3x2048xf32>
    %swap3A = arith.constant 0 : index
    %swap3A_35 = arith.constant 0 : index
    %swap3A_36 = vector.load %arg8[%swap3A, %swap3A_35] : memref<3x2048xf32, #tpu.memory_space<vmem>>, vector<3x2048xf32>
    tpu.vector_store %arg8[%swap3A, %swap3A_35], %sub3A_34 {strides = array<i32>} : memref<3x2048xf32, #tpu.memory_space<vmem>>, vector<3x2048xf32>,
    return
  }
  func.func @transform_0(%arg0: i32) -> (i32, i32) {
    %c0_i32 = arith.constant 0 : i32
    %c0_i32_0 = arith.constant 0 : i32
    return %c0_i32, %arg0 : i32, i32
  }
  func.func @transform_1(%arg0: i32) -> (i32, i32) {
    %c0_i32 = arith.constant 0 : i32
    %c0_i32_0 = arith.constant 0 : i32
    return %c0_i32, %arg0 : i32, i32
  }
  func.func @transform_2(%arg0: i32) -> (i32, i32) {
    %c0_i32 = arith.constant 0 : i32
    %c0_i32_0 = arith.constant 0 : i32
    return %c0_i32, %arg0 : i32, i32
  }
  func.func @transform_3(%arg0: i32) -> (i32, i32) {
    %c0_i32 = arith.constant 0 : i32
    %c0_i32_0 = arith.constant 0 : i32
    return %c0_i32, %arg0 : i32, i32
  }
  func.func @transform_4(%arg0: i32) -> (i32, i32) {
    %c0_i32 = arith.constant 0 : i32
    %c0_i32_0 = arith.constant 0 : i32
    %c0_i32_1 = arith.constant 0 : i32
    return %c0_i32, %c0_i32_0 : i32, i32
  }
  func.func @transform_5(%arg0: i32) -> (i32, i32) {
    %c0_i32 = arith.constant 0 : i32
    %c0_i32_0 = arith.constant 0 : i32
    %c0_i32_1 = arith.constant 0 : i32
    return %c0_i32, %c0_i32_0 : i32, i32
  }
  func.func @transform_6(%arg0: i32) -> (i32, i32) {
    %c0_i32 = arith.constant 0 : i32
    %c0_i32_0 = arith.constant 0 : i32
    %c0_i32_1 = arith.constant 0 : i32
    return %c0_i32, %c0_i32_0 : i32, i32
  }
  func.func @transform_7(%arg0: i32) -> (i32, i32) {
    %c0_i32 = arith.constant 0 : i32
    %c0_i32_0 = arith.constant 0 : i32
    return %c0_i32, %arg0 : i32, i32
  }
}

module attributes {stable_mosaic.version = 14 : i64} {
  func.func @_stress_body(%arg0: memref<512x384xf32, #tpu.memory_space<vmem>>, %arg1: memref<1x384xf32, #tpu.memory_space<vmem>>, %arg2: memref<1x384xf32, #tpu.memory_space<vmem>>) attributes {dimension_semantics = [], scalar_prefetch = 0 : i64, scratch_operands = 0 : i64, tpu.core_type = #tpu.core_type<tc>} {
    %get3A = arith.constant 0 : index
    %get3A_0 = arith.constant 0 : index
    %get3A_1 = vector.load %arg0[%get3A, %get3A_0] : memref<512x384xf32, #tpu.memory_space<vmem>>, vector<512x384xf32>
    %reduce_sum3A = arith.constant dense<0.000000e+00> : vector<384xf32>
    %reduce_sum3A_2 = vector.multi_reduction <add>, %get3A_1, %reduce_sum3A [0] : vector<512x384xf32> to vector<384xf32>
    %broadcast_in_dim3A = vector.shape_cast %reduce_sum3A_2 : vector<384xf32> to vector<1x384xf32>
    %get3A_3 = arith.constant 0 : index
    %get3A_4 = arith.constant 0 : index
    %get3A_5 = vector.load %arg1[%get3A_3, %get3A_4] : memref<1x384xf32, #tpu.memory_space<vmem>>, vector<1x384xf32>
    %div3A = arith.divf %broadcast_in_dim3A, %get3A_5 : vector<1x384xf32>
    %neg3A = arith.constant 0.000000e+00 : f32
    %neg3A_6 = vector.broadcast %neg3A : f32 to vector<1x384xf32>
    %neg3A_7 = arith.subf %neg3A_6, %div3A : vector<1x384xf32>
    %swap3A = arith.constant 0 : index
    %swap3A_8 = arith.constant 0 : index
    %swap3A_9 = vector.load %arg2[%swap3A, %swap3A_8] : memref<1x384xf32, #tpu.memory_space<vmem>>, vector<1x384xf32>
    tpu.vector_store %arg2[%swap3A, %swap3A_8], %neg3A_7 {strides = array<i32>} : memref<1x384xf32, #tpu.memory_space<vmem>>, vector<1x384xf32>,
    return
  }
}

</mosaic_0001>

<sc_bundles>
// kernel: kernel.6.cloned.1.call-start
scs
__scs_entry_jumppad:
0x0: {  	(pc) =	sbr.rel $0x88, $3  }
0x1: {  	(tag) =	ssettag $0x0;
	lr =	simm.s32 $0x1  }
0x2: {  	[smem:$0x3F99] =	sst lr;
	_ =	strace $0xD0000000  }
0x3: {  	_ = 	snop  }
0x4: {  	_ = 	snop  }
0x5: {  	_ = 	snop  }
0x6: {  	_ = 	snop  }
0x7: {  	_ = 	snop  }
__scs_overlays_trampoline_lowered:
0x8: {  	[smem:$0x3FA8] =	sst s0  }
0x9: {  	[smem:$0x3FA9] =	sst s1  }
0xa: {  	[smem:$0x3FAA] =	sst s2  }
0xb: {  	[smem:$0x3FAB] =	sst s3  }
0xc: {  	[smem:$0x3FAC] =	sst s4  }
0xd: {  	[smem:$0x3FAD] =	sst s5  }
0xe: {  	[smem:$0x3FAE] =	sst s6  }
0xf: {  	[smem:$0x3FAF] =	sst s7  }
0x10: {  	[smem:$0x3FB0] =	sst s8  }
0x11: {  	[smem:$0x3FB1] =	sst s9;
	s0 =	simm.s32 @!p0 $0x0  }
0x12: {  	s1 =	sld [smem:$0x3F97];
	s0 =	simm.s32 @p0 $0x1  }
0x13: {  	[smem:$0x3FB2] =	sst s0;
	s0 =	simm.s32 @!p1 $0x0  }
0x14: {  	s2 =	sld [smem:$0x3F96];
	s0 =	simm.s32 @p1 $0x1  }
0x15: {  	[smem:$0x3FB3] =	sst s0;
	s0 =	simm.s32 @!p2 $0x0  }
0x16: {  	s3 =	sld [smem:$0x3FDB];
	s0 =	simm.s32 @p2 $0x1  }
0x17: {  	s4 =	simm.s32 $0x1BF5;
	[smem:$0x3FB5] =	sst s0  }
0x18: {  	s0 =	sld [smem:$0x3F98];
	_ =	swait.ge [sflag:s4], $0x0  }
0x19: {  	s7 =	sld [smem:$0x3F99]  }
0x1a: {  	s8 =	sadd.s32 $0xFFFFE003, lr  }
0x1b: {  	s9 =	sadd.s32 $0xFFFFFEF7, lr;
	s5 =	simm.s32 $0xFFFFFFFF;
	p2 =	slt.u32 s8, $0xFFFFF086  }
0x1c: {  	p1 =	slt.u32 s9, $0xF7A;
	s5 =	simm.s32 @!p2 $0x0  }
0x1d: {  	s5 =	simm.s32 @p1 $0x1;
	p0 =	seq.s32 s7, s2  }
0x1e: {  	s7 =	smul.u32 @!p0 $0xF7A, s2;
	p2 =	seq.s32 @!p0 s5, $0x0  }
0x1f: {  	s9 =	smul.u32 $0xF7A, s1;
	s8 =	simm.s32 @!p0 $0x1BF5;
	p2 =	por !p2, p0  }
0x20: {  	[sflag:s8] =	ssyncset.s32 @!p0 $0xFFFFF086;
	s6 =	sadd.s32 @!p0 s3, s7;
	s7 =	simm.s32 @!p0 $0x108  }
0x21: {  	s3 =	sadd.s32 s3, s9;
	s6 =	sadd.s32 @!p0 $0x88, s6;
	s7 =	simm.s32 @p2 $0x1082  }
0x22: {  	[simem:s7], [sflag:s8] =	dma.local @!p0 [hbm:s6], $0xF7A  }
0x23: {  	s9 =	sor.u32 $0xD0000000, s2;
	s6 =	simm.s32 $0x108;
	_ =	swait.ge @!p0 [sflag:s8], $0x0  }
0x24: {  	s3 =	sadd.s32 $0x88, s3;
	s6 =	simm.s32 @!p1 $0x1082;
	[sflag:s4] =	ssyncset.s32 $0xFFFFF086  }
0x25: {  	[simem:s6], [sflag:s4] =	dma.local [hbm:s3], $0xF7A  }
0x26: {  	[smem:$0x3F99] =	sst s1;
	(tag) =	ssettag s2;
	_ =	strace s9  }
0x27: {  	s1 =	sld [smem:$0x3FA9]  }
0x28: {  	s2 =	sld [smem:$0x3FAA]  }
0x29: {  	s4 =	sld [smem:$0x3FAC]  }
0x2a: {  	p0 =	seq.s32 s5, $0x0;
	s5 =	sld [smem:$0x3FAD]  }
0x2b: {  	s6 =	sld [smem:$0x3FAE]  }
0x2c: {  	s7 =	sld [smem:$0x3FAF]  }
0x2d: {  	s3 =	simm.s32 $0x108;
	s8 =	sld [smem:$0x3FB0]  }
0x2e: {  	s3 =	simm.s32 @!p0 $0x1082;
	s9 =	sld [smem:$0x3FB1]  }
0x2f: {  	lr =	sadd.s32 s0, s3;
	s0 =	sld [smem:$0x3FA8]  }
0x30: {  	s3 =	sld [smem:$0x3FAB]  }
0x31: {  	[smem:$0x3FB4] =	sst s10  }
0x32: {  	s10 =	sld [smem:$0x3FB2];
	_ =	sdelay $0x3  }
0x33: {  	p0 =	seq.s32 s10, $0x1;
	s10 =	sld [smem:$0x3FB4];
	_ =	sdelay $0x3  }
0x34: {  	[smem:$0x3FB4] =	sst s10  }
0x35: {  	s10 =	sld [smem:$0x3FB3];
	_ =	sdelay $0x3  }
0x36: {  	p1 =	seq.s32 s10, $0x1;
	s10 =	sld [smem:$0x3FB4];
	_ =	sdelay $0x3  }
0x37: {  	[smem:$0x3FB4] =	sst s10  }
0x38: {  	s10 =	sld [smem:$0x3FB5]  }
0x39: {  	_ = 	snop;
	(pc) =	sbr.ind lr, $3  }
0x3a: {  	_ = 	snop  }
0x3b: {  	_ = 	snop  }
0x3c: {  	p2 =	seq.s32 s10, $0x1;
	s10 =	sld [smem:$0x3FB4]  }
0x3d: {  	_ =	shalt  }
0x3e: {  	_ =	shalt  }
0x3f: {  	_ =	shalt  }
0x40: {  	_ =	shalt  }
0x41: {  	_ =	shalt  }
0x42: {  	_ =	shalt  }
0x43: {  	_ =	shalt  }
0x44: {  	_ =	shalt  }
0x45: {  	_ =	shalt  }
0x46: {  	_ =	shalt  }
0x47: {  	_ =	shalt  }
0x48: {  	_ =	shalt  }
0x49: {  	_ =	shalt  }
0x4a: {  	_ =	shalt  }
0x4b: {  	_ =	shalt  }
0x4c: {  	_ =	shalt  }
0x4d: {  	_ =	shalt  }
0x4e: {  	_ =	shalt  }
0x4f: {  	_ =	shalt  }
0x50: {  	_ =	shalt  }
0x51: {  	_ =	shalt  }
0x52: {  	_ =	shalt  }
0x53: {  	_ =	shalt  }
0x54: {  	_ =	shalt  }
0x55: {  	_ =	shalt  }
0x56: {  	_ =	shalt  }
0x57: {  	_ =	shalt  }
0x58: {  	_ =	shalt  }
0x59: {  	_ =	shalt  }
0x5a: {  	_ =	shalt  }
0x5b: {  	_ =	shalt  }
0x5c: {  	_ =	shalt  }
0x5d: {  	_ =	shalt  }
0x5e: {  	_ =	shalt  }
0x5f: {  	_ =	shalt  }
0x60: {  	_ =	shalt  }
0x61: {  	_ =	shalt  }
0x62: {  	_ =	shalt  }
0x63: {  	_ =	shalt  }
0x64: {  	_ =	shalt  }
0x65: {  	_ =	shalt  }
0x66: {  	_ =	shalt  }
0x67: {  	_ =	shalt  }
0x68: {  	_ =	shalt  }
0x69: {  	_ =	shalt  }
0x6a: {  	_ =	shalt  }
0x6b: {  	_ =	shalt  }
0x6c: {  	_ =	shalt  }
0x6d: {  	_ =	shalt  }
0x6e: {  	_ =	shalt  }
0x6f: {  	_ =	shalt  }
0x70: {  	_ =	shalt  }
0x71: {  	_ =	shalt  }
0x72: {  	_ =	shalt  }
0x73: {  	_ =	shalt  }
0x74: {  	_ =	shalt  }
0x75: {  	_ =	shalt  }
0x76: {  	_ =	shalt  }
0x77: {  	_ =	shalt  }
0x78: {  	_ =	shalt  }
0x79: {  	_ =	shalt  }
0x7a: {  	_ =	shalt  }
0x7b: {  	_ =	shalt  }
0x7c: {  	_ =	shalt  }
0x7d: {  	_ =	shalt  }
0x7e: {  	_ =	shalt  }
0x7f: {  	_ =	shalt  }
0x80: {  	_ =	shalt  }
0x81: {  	_ =	shalt  }
0x82: {  	_ =	shalt  }
0x83: {  	_ =	shalt  }
0x84: {  	_ =	shalt  }
0x85: {  	_ =	shalt  }
0x86: {  	_ =	shalt  }
0x87: {  	_ =	shalt  }
.Lfunc_end0:
.L_simem_size_0:
called_computation_lowered:
.L_overlay_start_0:
0x88: {  	s2 =	sld [smem:$0x3FD9]  }
0x89: {  	s3 =	sld [smem:$0x3FFE];
	_ =	sdelay $0x1  }
0x8a: {  	s1 =	srdreg.scid  }
0x8b: {  	s0 =	sand.u32 $0x1, s1  }
0x8c: {  	s14 =	sshll.u32 s0, $0xA;
	s2 =	sadd.s32 s3, s2  }
0x8d: {  	s2 =	sadd.s32 s2, s14  }
0x8e: {  	[smem:$0x3FC0] =	sst s2  }
0x8f: {  	_ = 	snop  }
0x90: {  	s2 =	sld [smem:$0x3FD0];
	_ =	sdelay $0x2  }
0x91: {  	s4 =	simm.s32 $0xA;
	s5 =	simm.s32 $0x10;
	s15 =	sld [smem:$0x3FC2]  }
0x92: {  	[smem:s5], [sflag:s4] =	dma.local [hbm:s2], $0x1  }
0x93: {  	_ =	swait.eq [sflag:s4], $0x1  }
0x94: {  	[sflag:s4] =	ssyncset.done $0x0  }
0x95: {  	[sflag:s4] =	ssyncadd.s32 $0xFFFFFFFF  }
0x96: {  	s16 =	sld [smem:$0x11];
	(tm) =	ssettm $0x1  }
0x97: {  	s17 =	sld [smem:$0x3FFB];
	_ =	sdelay $0x3  }
0x98: {  	_ =	strace s17  }
0x99: {  	s4 =	sld [smem:$0x3FFC];
	_ =	sdelay $0x3  }
0x9a: {  	_ =	strace s4  }
0x9b: {  	s4 =	sld [smem:$0x3FFD];
	_ =	sdelay $0x3  }
0x9c: {  	_ =	strace s4  }
0x9d: {  	_ =	strace $0x8FFFFFFF  }
0x9e: {  	s18 =	sld [smem:$0x3FDB];
	_ =	sdelay $0x1  }
0x9f: {  	s19 =	simm.s32 $_scs_section_size  }
0xa0: {  	s6 =	simm.s32 $_size__tile_overlayer_lowered;
	s7 =	simm.s32 $_tile_overlayer_lowered  }
0xa1: {  	s22 =	simm.s32 $0x1BFF;
	s21 =	sshll.u32 s7, $0x1;
	s4 =	sadd.s32 s19, s18  }
0xa2: {  	s8 =	simm.s32 $0x0;
	s20 =	sshll.u32 s6, $0x1;
	s6 =	sadd.s32 s21, s4  }
0xa3: {  	[timem:s8], [sflag:s22] =	dma.local [hbm:s6], s20  }
0xa4: {  	_ =	swait.ge [sflag:s22], s20  }
0xa5: {  	s5 =	ssub.s32 $0x0, s20;
	[sflag:s22] =	ssyncset.done $0x0  }
0xa6: {  	[sflag:s22] =	ssyncadd.s32 s5;
	_ =	sdelay $0x1  }
0xa7: {  	s23 =	simm.s32 $0x1B8B  }
0xa8: {  	_ =	swait.ge [sflag:s23], $0x1  }
0xa9: {  	[sflag:s23] =	ssyncset.done $0x0  }
0xaa: {  	s25 =	simm.s32 $0x1B8E;
	s24 =	sld [smem:$0x3FFE];
	[sflag:s23] =	ssyncadd.s32 $0xFFFFFFFF  }
0xab: {  	s26 =	simm.s32 $execute0_lowered;
	[smem:$0x3FD2] =	sst s25  }
0xac: {  	s6 =	sshll.u32 s26, $0x1;
	_ =	strace $0x80000046;
	[dreg:$0x1] =	wrdreg $0xFFFFFFFF  }
0xad: {  	s28 =	simm.s32 $_size_execute0_lowered;
	s4 =	sadd.s32 s4, s6;
	[dreg:$0x0] =	wrdreg $0x0  }
0xae: {  	s6 =	sshll.u32 s28, $0x1;
	[dreg:$0x2] =	wrdreg s4  }
0xaf: {  	[dreg:$0x3] =	wrdreg s6  }
0xb0: {  	[dreg:$0x4] =	wrdreg $0xC0  }
0xb1: {  	_ =	task [dreg:s8], $0x5FFFF  }
0xb2: {  	[dreg:$0x1] =	wrdreg $0xFFFFFFFF  }
0xb3: {  	[dreg:$0x0] =	wrdreg $0x60  }
0xb4: {  	[dreg:$0x2] =	wrdreg s24  }
0xb5: {  	[dreg:$0x3] =	wrdreg s15  }
0xb6: {  	[dreg:$0x4] =	wrdreg s16  }
0xb7: {  	[dreg:$0x5] =	wrdreg $0x0  }
0xb8: {  	[dreg:$0x6] =	wrdreg $0x9  }
0xb9: {  	_ =	task.clear_ibuf [dreg:s8], $0x7FFFF;
	_ =	strace $0x90000046  }
0xba: {  	s29 =	simm.s32 $0x9;
	_ =	strace $0x80000048  }
0xbb: {  	_ =	swait.ge [sflag:s29], $0x1  }
0xbc: {  	[sflag:s29] =	ssyncadd.s32 $0xFFFFFFFF  }
0xbd: {  	_ =	strace $0x90000048  }
0xbe: {  	_ =	sfence  }
0xbf: {  	s30 =	sld [smem:$0x0];
	_ =	sdelay $0x2  }
0xc0: {  	s31 =	sshll.u32 s1, $0xD;
	s1 =	sshrl.u32 s1, $0x2  }
0xc1: {  	s3 =	sand.u32 $0x4000, s31;
	s1 =	sadd.s32 s1, s30  }
0xc2: {  	s0 =	sor.u32 s3, s0;
	s1 =	sshll.u32 s1, $0x11  }
0xc3: {  	s0 =	sor.u32 s1, s0  }
0xc4: {  	s0 =	sadd.s32 $0x8F2B, s0  }
0xc5: {  	[sflag:s0] =	ssyncadd.remote.s32 $0x1  }
0xc6: {  	_ =	sfence.sel $0xFFFF  }
0xc7: {  	[dreg:$0x0] =	wrdreg $0xFFFFFFFF;
	(pc) =	sbr.abs _section_cstart, $3  }
0xc8: {  	[dreg:$0x1] =	wrdreg $0xFFFFFFFF  }
0xc9: {  	_ =	task.clear_ibuf [dreg:s8], $0x2FFFF;
	_ =	strace $0x9FFFFFFF  }
0xca: {  	(tm) =	ssettm $0x7FFFFFFF  }
0xcb: {  	_ =	shalt  }
tec
execute0_lowered:
.L_overlay_start_1:
0x0: {  	(tag) =	ssettag $0x1  }
0x1: {  	s1 =	rddreg [dreg:$0x0]  }
0x2: {  	s4 =	rddreg [dreg:$0x3];
	s0 =	srdreg.scid  }
0x3: {  	s6 =	simm.s32 $0x0;
	s11 =	stileid.u32;
	s14 =	simm.s32 $0x2580  }
0x4: {  	s15 =	simm.s32 $0x2;
	s13 =	simm.s32 $0x12400;
	s18 =	simm.s32 $0xE900  }
0x5: {  	s19 =	simm.s32 $0xF800;
	s20 =	simm.s32 $0xFD00;
	s21 =	simm.s32 $0x10A00  }
0x6: {  	s28 =	simm.s32 $0x10280;
	s29 =	simm.s32 $0x10680;
	s30 =	simm.s32 $0x10480  }
0x7: {  	s31 =	simm.s32 $0x10880;
	s16 =	simm.s32 $0x1;
	s12 =	simm.s32 $0x0  }
0x8: {  	s0 =	sand.u32 $0x1, s0;
	[smem:$0x7FF] =	sst s6;
	s8 =	sadd.s32 $0x186A000, s1  }
0x9: {  	s22 =	smul.u32 $0x4B00, s11;
	s10 =	sshll.u32 s11, $0x7;
	s9 =	sadd.s32 $0x30E00, s1  }
0xa: {  	s24 =	smul.u32 $0x9600, s11;
	s2 =	sshll.u32 s0, $0x4;
	_ =	strace $0x80000047  }
0xb: {  	s5 =	sshll.u32 s0, $0x7;
	s23 =	sand.u32 $0x380, s10;
	s0 =	ssub.s32 $0x2, s0  }
0xc: {  	s7 =	sor.u32 s11, s2;
	s2 =	sor.u32 s5, s22;
	s25 =	sshrl.u32 s0, $0x1  }
0xd: {  	s5 =	sshrl.u32 s24, $0x2;
	s22 =	simm.s32 $0x80;
	s24 =	simm.s32 $0x10600  }
0xe: {  	s3 =	sshrl.u32 s7, $0x3;
	s2 =	sshrl.u32 s2, $0x3;
	s0 =	ssub.s32 s0, s25  }
0xf: {  	s11 =	sadd.s32 s5, s4;
	s25 =	simm.s32 $0x10400;
	s3 =	smul.u32 $0xC000, s3  }
0x10: {  	v1 =	vlaneseq.u32;
	s5 =	simm.s32 $0x10700;
	s2 =	sadd.s32 s2, s1;
	s0 =	smax.u32 s0, $0x1  }
.Ltmp0:
0x11: {  	v0 =	vmul.u32 $0x3, v1;
	v1 =	vmul.u32 $0x180, v1;
	[dreg:$0x5] =	wrdreg s11;
	s3 =	sor.u32 s23, s3;
	(pc) =	sbr.rel .LBB2_1-.Ltmp0, $4  }
0x12: {  	v2 =	vimm.f32 $0.0e+00;
	s2 =	sadd.s32 $0x61C00, s2;
	[dreg:$0x8] =	wrdreg s0;
	s3 =	sshrl.u32 s3, $0x3  }
0x13: {  	v3 =	vadd.s32 $0x1, v0;
	v4 =	vadd.s32 $0x2, v0;
	v5 =	vor.u32 $0x1, v1;
	s0 =	simm.s32 $0x10300;
	[dreg:$0x6] =	wrdreg s2;
	s3 =	sadd.s32 s3, s1  }
0x14: {  	v6 =	vor.u32 $0x2, v1;
	v7 =	vor.u32 $0x3, v1;
	v8 =	vor.u32 $0x4, v1;
	s23 =	simm.s32 $0x10200;
	s2 =	simm.s32 $0x10500;
	s26 =	sadd.s32 $0x6B200, s3  }
0x15: {  	v9 =	vor.u32 $0x5, v1;
	v10 =	vadd.s32 $0x41, v0;
	v11 =	vadd.s32 $0x42, v0;
	s3 =	simm.s32 $0x10900;
	[dreg:$0x7] =	wrdreg s26;
	s26 =	simm.s32 $0x10800  }
.LBB2_10:
0x16: {  	[bflag:$0x0] =	sbarrier.arrive $0xFFFF  }
0x17: {  	s13 =	simm.s32 $0x12400;
	s11 =	rddreg [dreg:$0x5]  }
0x18: {  	[tilespmem:s13], [sflag:$0x2] =	stream.linear.gather [spmem:s11], $0x2580, $0x38;
	[tilespmem:$0x14980] =	vst v63  }
0x19: {  	_ =	swait.ge [sflag:s15], $0x2580  }
0x1a: {  	[sflag:s15] =	ssyncset.done $0x0  }
0x1b: {  	s12 =	simm.s32 $0x100;
	s10 =	rddreg [dreg:$0x6];
	[sflag:s15] =	ssyncadd.s32 $0xFFFFDA80  }
0x1c: {  	[hbm4b:s10+s22] =	stream.strided.scatter [tilespmem:s13], [sflag:$0x2], $0x2580, s12, s22, $0x38;
	[tilespmem:$0x14980] =	vst v63  }
0x1d: {  	_ =	swait.ge [sflag:s15], $0x2580  }
0x1e: {  	[sflag:s15] =	ssyncset.done $0x0  }
0x1f: {  	s17 =	simm.s32 $0x400;
	s12 =	rddreg [dreg:$0x7];
	[sflag:s15] =	ssyncadd.s32 $0xFFFFDA80  }
0x20: {  	[hbm4b:s12+s22] =	stream.strided.scatter [tilespmem:s21], [sflag:$0x2], $0x1800, s17, s22, $0x38;
	[tilespmem:$0x14980] =	vst v63  }
0x21: {  	_ =	swait.ge [sflag:s15], $0x1800  }
0x22: {  	s10 =	rddreg [dreg:$0x9]  }
0x23: {  	s17 =	rddreg [dreg:$0x8];
	s12 =	sadd.s32 $0x1, s10  }
0x24: {  	p0 =	sne.s32 s12, s17  }
.Ltmp1:
0x25: {  	_ = 	snop;
	(pc) =	sbr.rel @!p0 .LBB2_11-.Ltmp1, $3  }
0x26: {  	_ =	sdelay $0x1  }
0x27: {  	[sflag:s15] =	ssyncset.done $0x0  }
0x28: {  	[sflag:s15] =	ssyncadd.s32 $0xFFFFE800  }
.LBB2_1:
0x29: {  	[dreg:$0x9] =	wrdreg s12  }
0x2a: {  	s10 =	rddreg [dreg:$0x1]  }
0x2b: {  	[tilespmem:s14], [sflag:$0x2] =	stream.linear.gather [hbm4b:s10+s6], $0xC380, $0x38;
	[tilespmem:$0x14980] =	vst v63  }
0x2c: {  	_ =	swait.ge [sflag:s15], $0xC380  }
0x2d: {  	[sflag:s15] =	ssyncset.done $0x0  }
0x2e: {  	[sflag:s15] =	ssyncadd.s32 $0xFFFF3C80  }
0x2f: {  	s17 =	simm.s32 $0x12200;
	s12 =	rddreg [dreg:$0x2]  }
0x30: {  	[tilespmem:s17], [sflag:$0x2] =	stream.linear.gather [hbm4b:s12+s6], $0x180, $0x38;
	[tilespmem:$0x14980] =	vst v63  }
0x31: {  	_ =	swait.ge [sflag:s15], $0x180  }
0x32: {  	[sflag:s15] =	ssyncset.done $0x0  }
0x33: {  	s10 =	simm.s32 $0x40;
	s12 =	simm.s32 $0x0;
	[sflag:s15] =	ssyncadd.s32 $0xFFFFFE80  }
.LBB2_2:
0x34: {  	p0 =	sne.s32 s10, $0x95C0;
	[tilespmem:s12+$0x12400] =	vst v2;
	s12 =	smov.u32 s10;
	s10 =	sadd.s32 $0x40, s10  }
.Ltmp2:
0x35: {  	(pc) =	sbr.rel @p0 .LBB2_2-.Ltmp2, $2  }
0x36: {  	_ =	sdelay $0x2  }
0x37: {  	s12 =	sshra.s32 s12, $0x2  }
0x38: {  	[tilespmem:s12+$0x12400] =	vst v2  }
0x39: {  	[spmem:s11] =	stream.linear.scatter [tilespmem:s13], [sflag:$0x2], $0x2580, $0x38;
	[tilespmem:$0x14980] =	vst v63  }
0x3a: {  	_ =	swait.ge [sflag:s15], $0x2580  }
0x3b: {  	[sflag:s15] =	ssyncset.done $0x0  }
0x3c: {  	s10 =	simm.s32 $0x40;
	s12 =	simm.s32 $0x0;
	[sflag:s15] =	ssyncadd.s32 $0xFFFFDA80  }
.LBB2_4:
0x3d: {  	p0 =	sne.s32 s10, $0x5FC0;
	[tilespmem:s12+$0x10A00] =	vst v2;
	s12 =	smov.u32 s10;
	s10 =	sadd.s32 $0x40, s10  }
.Ltmp3:
0x3e: {  	(pc) =	sbr.rel @p0 .LBB2_4-.Ltmp3, $2  }
0x3f: {  	_ =	sdelay $0x2  }
0x40: {  	s12 =	sshra.s32 s12, $0x2  }
.Ltmp4:
0x41: {  	[tilespmem:s12+$0x10A00] =	vst v2;
	(pc) =	sbr.rel .LBB2_6-.Ltmp4, $4  }
0x42: {  	[bflag:$0x0] =	sbarrier.arrive $0xFFFF  }
0x43: {  	v12 =	vld [tilespmem:$0x12200]  }
0x44: {  	v13 =	vld [tilespmem:$0x12280]  }
0x45: {  	s12 =	simm.s32 $0x0;
	v14 =	vld [tilespmem:$0x12300]  }
.LBB2_9:
0x46: {  	s12 =	sadd.s32 $0x1, s12  }
0x47: {  	p0 =	sne.s32 s12, $0x28  }
.Ltmp5:
0x48: {  	_ = 	snop;
	(pc) =	sbr.rel @!p0 .LBB2_10-.Ltmp5, $1  }
0x49: {  	_ =	sdelay $0x3  }
.LBB2_6:
0x4a: {  	s10 =	sshll.u32 s12, $0x5  }
0x4b: {  	s10 =	sor.u32 s7, s10  }
0x4c: {  	p0 =	sgt.u32 s10, $0x4E1  }
.Ltmp6:
0x4d: {  	_ = 	snop;
	(pc) =	sbr.rel @p0 .LBB2_9-.Ltmp6, $1  }
0x4e: {  	_ =	sdelay $0x3  }
0x4f: {  	s13 =	smul.u32 $0x1E0, s10;
	_ =	sdelay $0x1  }
0x50: {  	s13 =	sadd.s32 s8, s13  }
0x51: {  	[tilespmem:s18], [sflag:$0x2] =	stream.linear.gather [hbm4b:s13+s6], $0xF00, $0x38;
	[tilespmem:$0x14980] =	vst v63  }
0x52: {  	s11 =	smul.u32 $0xA0, s10;
	_ =	swait.ge [sflag:s15], $0xF00  }
0x53: {  	[sflag:s15] =	ssyncset.done $0x0  }
0x54: {  	s17 =	sadd.s32 s9, s11;
	[sflag:s15] =	ssyncadd.s32 $0xFFFFF100  }
0x55: {  	[tilespmem:s19], [sflag:$0x2] =	stream.linear.gather [hbm4b:s17+s6], $0x500, $0x38;
	[tilespmem:$0x14980] =	vst v63  }
0x56: {  	_ =	swait.ge [sflag:s15], $0x500  }
0x57: {  	[sflag:s15] =	ssyncset.done $0x0  }
0x58: {  	s10 =	sadd.s32 s1, s11;
	[sflag:s15] =	ssyncadd.s32 $0xFFFFFB00  }
0x59: {  	[tilespmem:s20], [sflag:$0x2] =	stream.linear.gather [hbm4b:s10+s6], $0x500, $0x38;
	[tilespmem:$0x14980] =	vst v63  }
0x5a: {  	_ =	swait.ge [sflag:s15], $0x500  }
0x5b: {  	s13 =	simm.s32 $0x150;
	[sflag:s15] =	ssyncset.done $0x0  }
0x5c: {  	s17 =	simm.s32 $0xF840;
	s10 =	simm.s32 $0xFD40;
	[sflag:s15] =	ssyncadd.s32 $0xFFFFFB00  }
.LBB2_8:
0x5d: {  	s11 =	sadd.s32 $0xFFFFFEB0, s13  }
0x5e: {  	v15 =	vor.u32 s11, v0  }
0x5f: {  	v16 =	vor.u32 s11, v3;
	_ =	sdelay $0x1  }
0x60: {  	v17 =	vor.u32 s11, v4;
	_ =	sdelay $0x1  }
0x61: {  	v15 =	vld.idx.msk [tilespmem:v15+s18+$0x0], $0xffff  }
0x62: {  	v16 =	vld.idx.msk [tilespmem:v16+s18+$0x0], $0xffff;
	_ =	sdelay $0x1  }
0x63: {  	v17 =	vld.idx.msk [tilespmem:v17+s18+$0x0], $0xffff;
	_ =	sdelay $0x2  }
0x64: {  	v18 =	vmul.f32 v15, v15;
	v19 =	vmul.f32 v16, v16  }
0x65: {  	v20 =	vmul.f32 v15, v12;
	v21 =	vmul.f32 v16, v13  }
0x66: {  	v53 =	vmul.f32 v17, v17  }
0x67: {  	v54 =	vmul.f32 v17, v14;
	v18 =	vadd.f32 v19, v18;
	v20 =	vadd.f32 v21, v20;
	_ =	sdelay $0x1  }
0x68: {  	v18 =	vadd.f32 v53, v18;
	v55 =	vadd.f32 v54, v20;
	_ =	sdelay $0x1  }
0x69: {  	v18 =	vmul.f32 $-1.000000010e-01, v18;
	v19 =	vand.u32 $0x7FFFFFFF, v55  }
0x6a: {  	v19 =	vmul.f32 $-2.000000000e+00, v19  }
0x6b: {  	v18 =	vmul.f32 $1.442695020e+00, v18  }
0x6c: {  	v19 =	vmul.f32 $1.442695020e+00, v19  }
0x6d: {  	(erf) = vpow2.f32 v18  }
0x6e: {  	(erf) = vpow2.f32 v19;
	_ =	sdelay $0x7  }
0x6f: {  	v18 =	vpop (erf)  }
0x70: {  	v19 =	vpop (erf)  }
0x71: {  	v56 =	vadd.f32 $1.000000000e+00, v19;
	_ =	sdelay $0x1  }
0x72: {  	v20 =	vmul.f32 v56, v56;
	_ =	sdelay $0x1  }
0x73: {  	(erf) = vrcp.f32 v20;
	_ =	sdelay $0x4  }
0x74: {  	v57 =	vld [tilespmem:s17+$0xFFFFFFC0];
	_ =	sdelay $0x1  }
0x75: {  	v22 =	vld [tilespmem:s10+$0xFFFFFFC0]  }
0x76: {  	v19 =	vmul.f32 $4.000000000e+00, v19  }
0x77: {  	v18 =	vmul.f32 $-2.000000030e-01, v18;
	v58 =	vpop (erf)  }
0x78: {  	v24 =	vadd.s32 $0xC800, v57;
	[tilespmem:$0x10200] =	vst v57;
	v19 =	vmul.f32 v58, v19  }
0x79: {  	[tilespmem:$0x10280] =	vst v24;
	v59 =	vmul.f32 v18, v15  }
0x7a: {  	v62 =	vadd.s32 $0xC800, v22;
	[tilespmem:$0x10400] =	vst v22;
	v60 =	vmul.f32 v18, v16;
	v23 =	vmul.f32 v19, v12  }
0x7b: {  	v63 =	vadd.s32 $0x19000, v22;
	[tilespmem:$0x10480] =	vst v62;
	v18 =	vmul.f32 v18, v17;
	v61 =	vmul.f32 v19, v13  }
0x7c: {  	[tilespmem:$0x10500] =	vst v63;
	v20 =	vadd.s32 $0x19000, v57;
	v19 =	vmul.f32 v19, v14;
	v21 =	vadd.f32 v23, v59  }
0x7d: {  	[tilespmem:$0x10300] =	vst v20;
	v20 =	vadd.f32 v61, v60  }
0x7e: {  	v18 =	vadd.f32 v19, v18;
	[tilespmem:$0x10600] =	vst v21  }
0x7f: {  	[tilespmem:$0x10680] =	vst v20;
	v28 =	vsub.f32 $0.0e+00, v21  }
0x80: {  	[tilespmem:$0x10700] =	vst v18;
	v23 =	vsub.f32 $0.0e+00, v20  }
0x81: {  	v29 =	vsub.f32 $0.0e+00, v18;
	[tilespmem:$0x10800] =	vst v28  }
0x82: {  	[tilespmem:$0x10880] =	vst v23  }
0x83: {  	[tilespmem:$0x10900] =	vst v29  }
0x84: {  	v19 =	vld.idx.msk [tilespmem:v22+s14+$0x0], $0xffff;
	_ =	sdelay $0x4  }
0x85: {  	v19 =	vmul.u32 $0x6, v19;
	_ =	sdelay $0x1  }
0x86: {  	v30 =	vadd.s32 v1, v19  }
0x87: {  	v31 =	vand.u32 $0x7E, v19;
	v22 =	vand.u32 $0xFFFFFF80, v30  }
0x88: {  	v22 =	vor.u32 v31, v22  }
0x89: {  	v32 =	vadd.s32 v5, v19  }
0x8a: {  	v33 =	vadd.s32 v6, v19  }
0x8b: {  	v25 =	vmul.f32 v21, v15;
	v26 =	vadd.s32 v7, v19  }
0x8c: {  	v27 =	vmul.f32 v20, v16;
	v28 =	vadd.s32 v8, v19  }
0x8d: {  	s11 =	sadd.s32 $0xFFFFFEE0, s13;
	v34 =	vmul.f32 v18, v17;
	v19 =	vadd.s32 v9, v19;
	[tilespmem:v22+s21+$0x0] =	vst.idx.add.f32.msk $0xffff, v25  }
0x8e: {  	v35 =	vadd.s32 s11, v0;
	v15 =	vmul.f32 v20, v15;
	[tilespmem:v32+s21+$0x0] =	vst.idx.add.f32.msk $0xffff, v27  }
0x8f: {  	v36 =	vadd.s32 s11, v3;
	v16 =	vmul.f32 v18, v16;
	[tilespmem:v33+s21+$0x0] =	vst.idx.add.f32.msk $0xffff, v34  }
0x90: {  	[tilespmem:v26+s21+$0x0] =	vst.idx.add.f32.msk $0xffff, v15;
	v15 =	vmul.f32 v21, v17  }
0x91: {  	[tilespmem:v28+s21+$0x0] =	vst.idx.add.f32.msk $0xffff, v16  }
0x92: {  	[tilespmem:v19+s21+$0x0] =	vst.idx.add.f32.msk $0xffff, v15;
	v15 =	vadd.s32 s11, v4  }
0x93: {  	v16 =	vld.idx.msk [tilespmem:v35+s18+$0x0], $0xffff  }
0x94: {  	v37 =	vld.idx.msk [tilespmem:v36+s18+$0x0], $0xffff;
	_ =	sdelay $0x2  }
0x95: {  	v15 =	vld.idx.msk [tilespmem:v15+s18+$0x0], $0xffff;
	_ =	sdelay $0x1  }
0x96: {  	v38 =	vmul.f32 v16, v16;
	v39 =	vmul.f32 v37, v37  }
0x97: {  	v20 =	vmul.f32 v16, v12;
	v40 =	vmul.f32 v37, v13  }
0x98: {  	v18 =	vadd.f32 v39, v38  }
0x99: {  	v20 =	vadd.f32 v40, v20;
	v41 =	vmul.f32 v15, v15;
	v42 =	vmul.f32 v15, v14;
	_ =	sdelay $0x1  }
0x9a: {  	v18 =	vadd.f32 v41, v18;
	v43 =	vadd.f32 v42, v20;
	_ =	sdelay $0x1  }
0x9b: {  	v18 =	vmul.f32 $-1.000000010e-01, v18;
	v19 =	vand.u32 $0x7FFFFFFF, v43  }
0x9c: {  	v19 =	vmul.f32 $-2.000000000e+00, v19  }
0x9d: {  	v18 =	vmul.f32 $1.442695020e+00, v18  }
0x9e: {  	v19 =	vmul.f32 $1.442695020e+00, v19  }
0x9f: {  	(erf) = vpow2.f32 v18  }
0xa0: {  	(erf) = vpow2.f32 v19;
	_ =	sdelay $0x7  }
0xa1: {  	v18 =	vpop (erf)  }
0xa2: {  	v19 =	vpop (erf)  }
0xa3: {  	v44 =	vadd.f32 $1.000000000e+00, v19;
	_ =	sdelay $0x1  }
0xa4: {  	v20 =	vmul.f32 v44, v44;
	_ =	sdelay $0x1  }
0xa5: {  	(erf) = vrcp.f32 v20;
	_ =	sdelay $0x4  }
0xa6: {  	v45 =	vld [tilespmem:s17+$0xFFFFFFD0]  }
0xa7: {  	v22 =	vld [tilespmem:s10+$0xFFFFFFD0];
	_ =	sdelay $0x1  }
0xa8: {  	v19 =	vmul.f32 $4.000000000e+00, v19  }
0xa9: {  	v18 =	vmul.f32 $-2.000000030e-01, v18;
	v46 =	vpop (erf)  }
0xaa: {  	[tilespmem:$0x10210] =	vst v45;
	v19 =	vmul.f32 v46, v19  }
0xab: {  	v49 =	vadd.s32 $0xC800, v45;
	[tilespmem:$0x10410] =	vst v22;
	v47 =	vmul.f32 v18, v16  }
0xac: {  	v52 =	vadd.s32 $0xC800, v22;
	[tilespmem:$0x10290] =	vst v49;
	v50 =	vmul.f32 v18, v37;
	v48 =	vmul.f32 v19, v12  }
0xad: {  	v53 =	vadd.s32 $0x19000, v22;
	[tilespmem:$0x10490] =	vst v52;
	v18 =	vmul.f32 v18, v15;
	v51 =	vmul.f32 v19, v13  }
0xae: {  	[tilespmem:$0x10510] =	vst v53;
	v20 =	vadd.s32 $0x19000, v45;
	v19 =	vmul.f32 v19, v14;
	v21 =	vadd.f32 v48, v47  }
0xaf: {  	[tilespmem:$0x10310] =	vst v20;
	v20 =	vadd.f32 v51, v50  }
0xb0: {  	v18 =	vadd.f32 v19, v18;
	[tilespmem:$0x10610] =	vst v21  }
0xb1: {  	[tilespmem:$0x10690] =	vst v20;
	v54 =	vsub.f32 $0.0e+00, v21  }
0xb2: {  	[tilespmem:$0x10710] =	vst v18;
	v23 =	vsub.f32 $0.0e+00, v20  }
0xb3: {  	v55 =	vsub.f32 $0.0e+00, v18;
	[tilespmem:$0x10810] =	vst v54  }
0xb4: {  	[tilespmem:$0x10890] =	vst v23  }
0xb5: {  	[tilespmem:$0x10910] =	vst v55  }
0xb6: {  	v19 =	vld.idx.msk [tilespmem:v22+s14+$0x0], $0xffff;
	_ =	sdelay $0x4  }
0xb7: {  	v19 =	vmul.u32 $0x6, v19;
	_ =	sdelay $0x1  }
0xb8: {  	v56 =	vadd.s32 v1, v19  }
0xb9: {  	v57 =	vand.u32 $0x7E, v19;
	v22 =	vand.u32 $0xFFFFFF80, v56  }
0xba: {  	v22 =	vor.u32 v57, v22  }
0xbb: {  	v58 =	vadd.s32 v5, v19  }
0xbc: {  	v59 =	vadd.s32 v6, v19  }
0xbd: {  	v60 =	vmul.f32 v21, v16;
	v61 =	vadd.s32 v7, v19  }
0xbe: {  	v62 =	vmul.f32 v20, v37;
	v63 =	vadd.s32 v8, v19  }
0xbf: {  	s11 =	sadd.s32 $0xFFFFFF10, s13;
	v29 =	vmul.f32 v18, v15;
	v19 =	vadd.s32 v9, v19;
	[tilespmem:v22+s21+$0x0] =	vst.idx.add.f32.msk $0xffff, v60  }
0xc0: {  	v30 =	vadd.s32 s11, v0;
	v16 =	vmul.f32 v20, v16;
	[tilespmem:v58+s21+$0x0] =	vst.idx.add.f32.msk $0xffff, v62  }
0xc1: {  	v31 =	vadd.s32 s11, v3;
	v17 =	vmul.f32 v18, v37;
	[tilespmem:v59+s21+$0x0] =	vst.idx.add.f32.msk $0xffff, v29  }
0xc2: {  	v15 =	vmul.f32 v21, v15;
	[tilespmem:v61+s21+$0x0] =	vst.idx.add.f32.msk $0xffff, v16  }
0xc3: {  	[tilespmem:v63+s21+$0x0] =	vst.idx.add.f32.msk $0xffff, v17  }
0xc4: {  	[tilespmem:v19+s21+$0x0] =	vst.idx.add.f32.msk $0xffff, v15;
	v15 =	vadd.s32 s11, v4  }
0xc5: {  	v16 =	vld.idx.msk [tilespmem:v30+s18+$0x0], $0xffff  }
0xc6: {  	v17 =	vld.idx.msk [tilespmem:v31+s18+$0x0], $0xffff;
	_ =	sdelay $0x2  }
0xc7: {  	v15 =	vld.idx.msk [tilespmem:v15+s18+$0x0], $0xffff;
	_ =	sdelay $0x1  }
0xc8: {  	v32 =	vmul.f32 v16, v16;
	v33 =	vmul.f32 v17, v17  }
0xc9: {  	v20 =	vmul.f32 v16, v12;
	v34 =	vmul.f32 v17, v13  }
0xca: {  	v18 =	vadd.f32 v33, v32  }
0xcb: {  	v20 =	vadd.f32 v34, v20;
	v35 =	vmul.f32 v15, v15;
	v36 =	vmul.f32 v15, v14;
	_ =	sdelay $0x1  }
0xcc: {  	v18 =	vadd.f32 v35, v18;
	v37 =	vadd.f32 v36, v20;
	_ =	sdelay $0x1  }
0xcd: {  	v18 =	vmul.f32 $-1.000000010e-01, v18;
	v19 =	vand.u32 $0x7FFFFFFF, v37  }
0xce: {  	v19 =	vmul.f32 $-2.000000000e+00, v19  }
0xcf: {  	v18 =	vmul.f32 $1.442695020e+00, v18  }
0xd0: {  	v19 =	vmul.f32 $1.442695020e+00, v19  }
0xd1: {  	(erf) = vpow2.f32 v18  }
0xd2: {  	(erf) = vpow2.f32 v19;
	_ =	sdelay $0x7  }
0xd3: {  	v18 =	vpop (erf)  }
0xd4: {  	v19 =	vpop (erf)  }
0xd5: {  	v38 =	vadd.f32 $1.000000000e+00, v19;
	_ =	sdelay $0x1  }
0xd6: {  	v20 =	vmul.f32 v38, v38;
	_ =	sdelay $0x1  }
0xd7: {  	(erf) = vrcp.f32 v20;
	_ =	sdelay $0x4  }
0xd8: {  	v39 =	vld [tilespmem:s17+$0xFFFFFFE0]  }
0xd9: {  	v22 =	vld [tilespmem:s10+$0xFFFFFFE0];
	_ =	sdelay $0x1  }
0xda: {  	v19 =	vmul.f32 $4.000000000e+00, v19  }
0xdb: {  	v18 =	vmul.f32 $-2.000000030e-01, v18;
	v40 =	vpop (erf)  }
0xdc: {  	[tilespmem:$0x10220] =	vst v39;
	v19 =	vmul.f32 v40, v19  }
0xdd: {  	v43 =	vadd.s32 $0xC800, v39;
	[tilespmem:$0x10420] =	vst v22;
	v41 =	vmul.f32 v18, v16  }
0xde: {  	v46 =	vadd.s32 $0xC800, v22;
	[tilespmem:$0x102A0] =	vst v43;
	v44 =	vmul.f32 v18, v17;
	v42 =	vmul.f32 v19, v12  }
0xdf: {  	v47 =	vadd.s32 $0x19000, v22;
	[tilespmem:$0x104A0] =	vst v46;
	v18 =	vmul.f32 v18, v15;
	v45 =	vmul.f32 v19, v13  }
0xe0: {  	[tilespmem:$0x10520] =	vst v47;
	v20 =	vadd.s32 $0x19000, v39;
	v19 =	vmul.f32 v19, v14;
	v21 =	vadd.f32 v42, v41  }
0xe1: {  	[tilespmem:$0x10320] =	vst v20;
	v20 =	vadd.f32 v45, v44  }
0xe2: {  	v18 =	vadd.f32 v19, v18;
	[tilespmem:$0x10620] =	vst v21  }
0xe3: {  	[tilespmem:$0x106A0] =	vst v20;
	v48 =	vsub.f32 $0.0e+00, v21  }
0xe4: {  	[tilespmem:$0x10720] =	vst v18;
	v23 =	vsub.f32 $0.0e+00, v20  }
0xe5: {  	v49 =	vsub.f32 $0.0e+00, v18;
	[tilespmem:$0x10820] =	vst v48  }
0xe6: {  	[tilespmem:$0x108A0] =	vst v23  }
0xe7: {  	[tilespmem:$0x10920] =	vst v49  }
0xe8: {  	v19 =	vld.idx.msk [tilespmem:v22+s14+$0x0], $0xffff;
	_ =	sdelay $0x4  }
0xe9: {  	v19 =	vmul.u32 $0x6, v19;
	_ =	sdelay $0x1  }
0xea: {  	v50 =	vadd.s32 v1, v19  }
0xeb: {  	v51 =	vand.u32 $0x7E, v19;
	v22 =	vand.u32 $0xFFFFFF80, v50  }
0xec: {  	v22 =	vor.u32 v51, v22  }
0xed: {  	v52 =	vadd.s32 v5, v19  }
0xee: {  	v53 =	vadd.s32 v6, v19  }
0xef: {  	v54 =	vmul.f32 v21, v16;
	v55 =	vadd.s32 v7, v19  }
0xf0: {  	v56 =	vmul.f32 v20, v17;
	v57 =	vadd.s32 v8, v19  }
0xf1: {  	s11 =	sadd.s32 $0xFFFFFF40, s13;
	v58 =	vmul.f32 v18, v15;
	v19 =	vadd.s32 v9, v19;
	[tilespmem:v22+s21+$0x0] =	vst.idx.add.f32.msk $0xffff, v54  }
0xf2: {  	v59 =	vadd.s32 s11, v0;
	v16 =	vmul.f32 v20, v16;
	[tilespmem:v52+s21+$0x0] =	vst.idx.add.f32.msk $0xffff, v56  }
0xf3: {  	v60 =	vadd.s32 s11, v3;
	v17 =	vmul.f32 v18, v17;
	[tilespmem:v53+s21+$0x0] =	vst.idx.add.f32.msk $0xffff, v58  }
0xf4: {  	v15 =	vmul.f32 v21, v15;
	[tilespmem:v55+s21+$0x0] =	vst.idx.add.f32.msk $0xffff, v16  }
0xf5: {  	[tilespmem:v57+s21+$0x0] =	vst.idx.add.f32.msk $0xffff, v17  }
0xf6: {  	[tilespmem:v19+s21+$0x0] =	vst.idx.add.f32.msk $0xffff, v15;
	v15 =	vadd.s32 s11, v4  }
0xf7: {  	v16 =	vld.idx.msk [tilespmem:v59+s18+$0x0], $0xffff  }
0xf8: {  	v17 =	vld.idx.msk [tilespmem:v60+s18+$0x0], $0xffff;
	_ =	sdelay $0x2  }
0xf9: {  	v15 =	vld.idx.msk [tilespmem:v15+s18+$0x0], $0xffff;
	_ =	sdelay $0x1  }
0xfa: {  	v61 =	vmul.f32 v16, v16;
	v62 =	vmul.f32 v17, v17  }
0xfb: {  	v20 =	vmul.f32 v16, v12;
	v63 =	vmul.f32 v17, v13  }
0xfc: {  	v18 =	vadd.f32 v62, v61  }
0xfd: {  	v20 =	vadd.f32 v63, v20;
	v24 =	vmul.f32 v15, v15;
	v25 =	vmul.f32 v15, v14;
	_ =	sdelay $0x1  }
0xfe: {  	v18 =	vadd.f32 v24, v18;
	v26 =	vadd.f32 v25, v20;
	_ =	sdelay $0x1  }
0xff: {  	v18 =	vmul.f32 $-1.000000010e-01, v18;
	v19 =	vand.u32 $0x7FFFFFFF, v26  }
0x100: {  	v19 =	vmul.f32 $-2.000000000e+00, v19  }
0x101: {  	v18 =	vmul.f32 $1.442695020e+00, v18  }
0x102: {  	v19 =	vmul.f32 $1.442695020e+00, v19  }
0x103: {  	(erf) = vpow2.f32 v18  }
0x104: {  	(erf) = vpow2.f32 v19;
	_ =	sdelay $0x7  }
0x105: {  	v18 =	vpop (erf)  }
0x106: {  	v19 =	vpop (erf)  }
0x107: {  	v27 =	vadd.f32 $1.000000000e+00, v19;
	_ =	sdelay $0x1  }
0x108: {  	v20 =	vmul.f32 v27, v27;
	_ =	sdelay $0x1  }
0x109: {  	(erf) = vrcp.f32 v20;
	_ =	sdelay $0x4  }
0x10a: {  	v28 =	vld [tilespmem:s17+$0xFFFFFFF0]  }
0x10b: {  	v22 =	vld [tilespmem:s10+$0xFFFFFFF0];
	_ =	sdelay $0x1  }
0x10c: {  	v19 =	vmul.f32 $4.000000000e+00, v19  }
0x10d: {  	v18 =	vmul.f32 $-2.000000030e-01, v18;
	v29 =	vpop (erf)  }
0x10e: {  	[tilespmem:$0x10230] =	vst v28;
	v19 =	vmul.f32 v29, v19  }
0x10f: {  	v32 =	vadd.s32 $0xC800, v28;
	[tilespmem:$0x10430] =	vst v22;
	v30 =	vmul.f32 v18, v16  }
0x110: {  	v35 =	vadd.s32 $0xC800, v22;
	[tilespmem:$0x102B0] =	vst v32;
	v33 =	vmul.f32 v18, v17;
	v31 =	vmul.f32 v19, v12  }
0x111: {  	v36 =	vadd.s32 $0x19000, v22;
	[tilespmem:$0x104B0] =	vst v35;
	v18 =	vmul.f32 v18, v15;
	v34 =	vmul.f32 v19, v13  }
0x112: {  	[tilespmem:$0x10530] =	vst v36;
	v20 =	vadd.s32 $0x19000, v28;
	v19 =	vmul.f32 v19, v14;
	v21 =	vadd.f32 v31, v30  }
0x113: {  	[tilespmem:$0x10330] =	vst v20;
	v20 =	vadd.f32 v34, v33  }
0x114: {  	v18 =	vadd.f32 v19, v18;
	[tilespmem:$0x10630] =	vst v21  }
0x115: {  	[tilespmem:$0x106B0] =	vst v20;
	v37 =	vsub.f32 $0.0e+00, v21  }
0x116: {  	[tilespmem:$0x10730] =	vst v18;
	v23 =	vsub.f32 $0.0e+00, v20  }
0x117: {  	v38 =	vsub.f32 $0.0e+00, v18;
	[tilespmem:$0x10830] =	vst v37  }
0x118: {  	[tilespmem:$0x108B0] =	vst v23  }
0x119: {  	[tilespmem:$0x10930] =	vst v38  }
0x11a: {  	v19 =	vld.idx.msk [tilespmem:v22+s14+$0x0], $0xffff;
	_ =	sdelay $0x4  }
0x11b: {  	v19 =	vmul.u32 $0x6, v19;
	_ =	sdelay $0x1  }
0x11c: {  	v39 =	vadd.s32 v1, v19  }
0x11d: {  	v40 =	vand.u32 $0x7E, v19;
	v22 =	vand.u32 $0xFFFFFF80, v39  }
0x11e: {  	v22 =	vor.u32 v40, v22  }
0x11f: {  	v41 =	vadd.s32 v5, v19  }
0x120: {  	v42 =	vadd.s32 v6, v19  }
0x121: {  	v43 =	vmul.f32 v21, v16;
	v44 =	vadd.s32 v7, v19  }
0x122: {  	v45 =	vmul.f32 v20, v17;
	v46 =	vadd.s32 v8, v19  }
0x123: {  	s11 =	sadd.s32 $0xFFFFFF70, s13;
	v47 =	vmul.f32 v18, v15;
	v19 =	vadd.s32 v9, v19;
	[tilespmem:v22+s21+$0x0] =	vst.idx.add.f32.msk $0xffff, v43  }
0x124: {  	v48 =	vor.u32 s11, v0;
	v16 =	vmul.f32 v20, v16;
	[tilespmem:v41+s21+$0x0] =	vst.idx.add.f32.msk $0xffff, v45  }
0x125: {  	v49 =	vor.u32 s11, v10;
	v17 =	vmul.f32 v18, v17;
	[tilespmem:v42+s21+$0x0] =	vst.idx.add.f32.msk $0xffff, v47  }
0x126: {  	v15 =	vmul.f32 v21, v15;
	[tilespmem:v44+s21+$0x0] =	vst.idx.add.f32.msk $0xffff, v16  }
0x127: {  	[tilespmem:v46+s21+$0x0] =	vst.idx.add.f32.msk $0xffff, v17  }
0x128: {  	[tilespmem:v19+s21+$0x0] =	vst.idx.add.f32.msk $0xffff, v15;
	v15 =	vor.u32 s11, v11  }
0x129: {  	v16 =	vld.idx.msk [tilespmem:v48+s18+$0x0], $0xffff  }
0x12a: {  	v17 =	vld.idx.msk [tilespmem:v49+s18+$0x0], $0xffff;
	_ =	sdelay $0x2  }
0x12b: {  	v15 =	vld.idx.msk [tilespmem:v15+s18+$0x0], $0xffff;
	_ =	sdelay $0x1  }
0x12c: {  	v50 =	vmul.f32 v16, v16;
	v51 =	vmul.f32 v17, v17  }
0x12d: {  	v20 =	vmul.f32 v16, v12;
	v52 =	vmul.f32 v17, v13  }
0x12e: {  	v18 =	vadd.f32 v51, v50  }
0x12f: {  	v20 =	vadd.f32 v52, v20;
	v53 =	vmul.f32 v15, v15;
	v54 =	vmul.f32 v15, v14;
	_ =	sdelay $0x1  }
0x130: {  	v18 =	vadd.f32 v53, v18;
	v55 =	vadd.f32 v54, v20;
	_ =	sdelay $0x1  }
0x131: {  	v18 =	vmul.f32 $-1.000000010e-01, v18;
	v19 =	vand.u32 $0x7FFFFFFF, v55  }
0x132: {  	v19 =	vmul.f32 $-2.000000000e+00, v19  }
0x133: {  	v18 =	vmul.f32 $1.442695020e+00, v18  }
0x134: {  	v19 =	vmul.f32 $1.442695020e+00, v19  }
0x135: {  	(erf) = vpow2.f32 v18  }
0x136: {  	(erf) = vpow2.f32 v19;
	_ =	sdelay $0x7  }
0x137: {  	v18 =	vpop (erf)  }
0x138: {  	v19 =	vpop (erf)  }
0x139: {  	v56 =	vadd.f32 $1.000000000e+00, v19;
	_ =	sdelay $0x1  }
0x13a: {  	v20 =	vmul.f32 v56, v56;
	_ =	sdelay $0x1  }
0x13b: {  	(erf) = vrcp.f32 v20;
	_ =	sdelay $0x4  }
0x13c: {  	v57 =	vld [tilespmem:s17+$0x0]  }
0x13d: {  	v22 =	vld [tilespmem:s10+$0x0];
	_ =	sdelay $0x1  }
0x13e: {  	v19 =	vmul.f32 $4.000000000e+00, v19  }
0x13f: {  	v18 =	vmul.f32 $-2.000000030e-01, v18;
	v58 =	vpop (erf)  }
0x140: {  	[tilespmem:$0x10240] =	vst v57;
	v19 =	vmul.f32 v58, v19  }
0x141: {  	v61 =	vadd.s32 $0xC800, v57;
	[tilespmem:$0x10440] =	vst v22;
	v59 =	vmul.f32 v18, v16  }
0x142: {  	v28 =	vadd.s32 $0xC800, v22;
	[tilespmem:$0x102C0] =	vst v61;
	v62 =	vmul.f32 v18, v17;
	v60 =	vmul.f32 v19, v12  }
0x143: {  	v29 =	vadd.s32 $0x19000, v22;
	[tilespmem:$0x104C0] =	vst v28;
	v18 =	vmul.f32 v18, v15;
	v63 =	vmul.f32 v19, v13  }
0x144: {  	[tilespmem:$0x10540] =	vst v29;
	v20 =	vadd.s32 $0x19000, v57;
	v19 =	vmul.f32 v19, v14;
	v21 =	vadd.f32 v60, v59  }
0x145: {  	[tilespmem:$0x10340] =	vst v20;
	v20 =	vadd.f32 v63, v62  }
0x146: {  	v18 =	vadd.f32 v19, v18;
	[tilespmem:$0x10640] =	vst v21  }
0x147: {  	[tilespmem:$0x106C0] =	vst v20;
	v30 =	vsub.f32 $0.0e+00, v21  }
0x148: {  	[tilespmem:$0x10740] =	vst v18;
	v23 =	vsub.f32 $0.0e+00, v20  }
0x149: {  	v31 =	vsub.f32 $0.0e+00, v18;
	[tilespmem:$0x10840] =	vst v30  }
0x14a: {  	[tilespmem:$0x108C0] =	vst v23  }
0x14b: {  	[tilespmem:$0x10940] =	vst v31  }
0x14c: {  	v19 =	vld.idx.msk [tilespmem:v22+s14+$0x0], $0xffff;
	_ =	sdelay $0x4  }
0x14d: {  	v19 =	vmul.u32 $0x6, v19;
	_ =	sdelay $0x1  }
0x14e: {  	v32 =	vadd.s32 v1, v19  }
0x14f: {  	v33 =	vand.u32 $0x7E, v19;
	v22 =	vand.u32 $0xFFFFFF80, v32  }
0x150: {  	v22 =	vor.u32 v33, v22  }
0x151: {  	v34 =	vadd.s32 v5, v19  }
0x152: {  	v35 =	vadd.s32 v6, v19  }
0x153: {  	v36 =	vmul.f32 v21, v16;
	v37 =	vadd.s32 v7, v19  }
0x154: {  	v38 =	vmul.f32 v20, v17;
	v39 =	vadd.s32 v8, v19  }
0x155: {  	s11 =	sadd.s32 $0xFFFFFFA0, s13;
	v40 =	vmul.f32 v18, v15;
	v19 =	vadd.s32 v9, v19;
	[tilespmem:v22+s21+$0x0] =	vst.idx.add.f32.msk $0xffff, v36  }
0x156: {  	v41 =	vadd.s32 s11, v0;
	v16 =	vmul.f32 v20, v16;
	[tilespmem:v34+s21+$0x0] =	vst.idx.add.f32.msk $0xffff, v38  }
0x157: {  	v42 =	vadd.s32 s11, v3;
	v17 =	vmul.f32 v18, v17;
	[tilespmem:v35+s21+$0x0] =	vst.idx.add.f32.msk $0xffff, v40  }
0x158: {  	v15 =	vmul.f32 v21, v15;
	[tilespmem:v37+s21+$0x0] =	vst.idx.add.f32.msk $0xffff, v16  }
0x159: {  	[tilespmem:v39+s21+$0x0] =	vst.idx.add.f32.msk $0xffff, v17  }
0x15a: {  	[tilespmem:v19+s21+$0x0] =	vst.idx.add.f32.msk $0xffff, v15;
	v15 =	vadd.s32 s11, v4  }
0x15b: {  	v16 =	vld.idx.msk [tilespmem:v41+s18+$0x0], $0xffff  }
0x15c: {  	v17 =	vld.idx.msk [tilespmem:v42+s18+$0x0], $0xffff;
	_ =	sdelay $0x2  }
0x15d: {  	v15 =	vld.idx.msk [tilespmem:v15+s18+$0x0], $0xffff;
	_ =	sdelay $0x1  }
0x15e: {  	v43 =	vmul.f32 v16, v16;
	v44 =	vmul.f32 v17, v17  }
0x15f: {  	v20 =	vmul.f32 v16, v12;
	v45 =	vmul.f32 v17, v13  }
0x160: {  	v18 =	vadd.f32 v44, v43  }
0x161: {  	v20 =	vadd.f32 v45, v20;
	v46 =	vmul.f32 v15, v15;
	v47 =	vmul.f32 v15, v14;
	_ =	sdelay $0x1  }
0x162: {  	v18 =	vadd.f32 v46, v18;
	v48 =	vadd.f32 v47, v20;
	_ =	sdelay $0x1  }
0x163: {  	v18 =	vmul.f32 $-1.000000010e-01, v18;
	v19 =	vand.u32 $0x7FFFFFFF, v48  }
0x164: {  	v19 =	vmul.f32 $-2.000000000e+00, v19  }
0x165: {  	v18 =	vmul.f32 $1.442695020e+00, v18  }
0x166: {  	v19 =	vmul.f32 $1.442695020e+00, v19  }
0x167: {  	(erf) = vpow2.f32 v18  }
0x168: {  	(erf) = vpow2.f32 v19;
	_ =	sdelay $0x7  }
0x169: {  	v18 =	vpop (erf)  }
0x16a: {  	v19 =	vpop (erf)  }
0x16b: {  	v49 =	vadd.f32 $1.000000000e+00, v19;
	_ =	sdelay $0x1  }
0x16c: {  	v20 =	vmul.f32 v49, v49;
	_ =	sdelay $0x1  }
0x16d: {  	(erf) = vrcp.f32 v20;
	_ =	sdelay $0x4  }
0x16e: {  	v50 =	vld [tilespmem:s17+$0x10]  }
0x16f: {  	v22 =	vld [tilespmem:s10+$0x10];
	_ =	sdelay $0x1  }
0x170: {  	v19 =	vmul.f32 $4.000000000e+00, v19  }
0x171: {  	v18 =	vmul.f32 $-2.000000030e-01, v18;
	v51 =	vpop (erf)  }
0x172: {  	[tilespmem:$0x10250] =	vst v50;
	v19 =	vmul.f32 v51, v19  }
0x173: {  	v54 =	vadd.s32 $0xC800, v50;
	[tilespmem:$0x10450] =	vst v22;
	v52 =	vmul.f32 v18, v16  }
0x174: {  	v57 =	vadd.s32 $0xC800, v22;
	[tilespmem:$0x102D0] =	vst v54;
	v55 =	vmul.f32 v18, v17;
	v53 =	vmul.f32 v19, v12  }
0x175: {  	v58 =	vadd.s32 $0x19000, v22;
	[tilespmem:$0x104D0] =	vst v57;
	v18 =	vmul.f32 v18, v15;
	v56 =	vmul.f32 v19, v13  }
0x176: {  	[tilespmem:$0x10550] =	vst v58;
	v20 =	vadd.s32 $0x19000, v50;
	v19 =	vmul.f32 v19, v14;
	v21 =	vadd.f32 v53, v52  }
0x177: {  	[tilespmem:$0x10350] =	vst v20;
	v20 =	vadd.f32 v56, v55  }
0x178: {  	v18 =	vadd.f32 v19, v18;
	[tilespmem:$0x10650] =	vst v21  }
0x179: {  	[tilespmem:$0x106D0] =	vst v20;
	v59 =	vsub.f32 $0.0e+00, v21  }
0x17a: {  	[tilespmem:$0x10750] =	vst v18;
	v23 =	vsub.f32 $0.0e+00, v20  }
0x17b: {  	v60 =	vsub.f32 $0.0e+00, v18;
	[tilespmem:$0x10850] =	vst v59  }
0x17c: {  	[tilespmem:$0x108D0] =	vst v23  }
0x17d: {  	[tilespmem:$0x10950] =	vst v60  }
0x17e: {  	v19 =	vld.idx.msk [tilespmem:v22+s14+$0x0], $0xffff;
	_ =	sdelay $0x4  }
0x17f: {  	v19 =	vmul.u32 $0x6, v19;
	_ =	sdelay $0x1  }
0x180: {  	v61 =	vadd.s32 v1, v19  }
0x181: {  	v62 =	vand.u32 $0x7E, v19;
	v22 =	vand.u32 $0xFFFFFF80, v61  }
0x182: {  	v22 =	vor.u32 v62, v22  }
0x183: {  	v63 =	vadd.s32 v5, v19  }
0x184: {  	v32 =	vadd.s32 v6, v19  }
0x185: {  	v33 =	vmul.f32 v21, v16;
	v34 =	vadd.s32 v7, v19  }
0x186: {  	v35 =	vmul.f32 v20, v17;
	v36 =	vadd.s32 v8, v19  }
0x187: {  	s11 =	sadd.s32 $0xFFFFFFD0, s13;
	v37 =	vmul.f32 v18, v15;
	v19 =	vadd.s32 v9, v19;
	[tilespmem:v22+s21+$0x0] =	vst.idx.add.f32.msk $0xffff, v33  }
0x188: {  	v38 =	vadd.s32 s11, v0;
	v16 =	vmul.f32 v20, v16;
	[tilespmem:v63+s21+$0x0] =	vst.idx.add.f32.msk $0xffff, v35  }
0x189: {  	v39 =	vadd.s32 s11, v3;
	v17 =	vmul.f32 v18, v17;
	[tilespmem:v32+s21+$0x0] =	vst.idx.add.f32.msk $0xffff, v37  }
0x18a: {  	v15 =	vmul.f32 v21, v15;
	[tilespmem:v34+s21+$0x0] =	vst.idx.add.f32.msk $0xffff, v16  }
0x18b: {  	[tilespmem:v36+s21+$0x0] =	vst.idx.add.f32.msk $0xffff, v17  }
0x18c: {  	[tilespmem:v19+s21+$0x0] =	vst.idx.add.f32.msk $0xffff, v15;
	v15 =	vadd.s32 s11, v4  }
0x18d: {  	v16 =	vld.idx.msk [tilespmem:v38+s18+$0x0], $0xffff  }
0x18e: {  	v17 =	vld.idx.msk [tilespmem:v39+s18+$0x0], $0xffff;
	_ =	sdelay $0x2  }
0x18f: {  	v15 =	vld.idx.msk [tilespmem:v15+s18+$0x0], $0xffff;
	_ =	sdelay $0x1  }
0x190: {  	v40 =	vmul.f32 v16, v16;
	v41 =	vmul.f32 v17, v17  }
0x191: {  	v20 =	vmul.f32 v16, v12;
	v42 =	vmul.f32 v17, v13  }
0x192: {  	v18 =	vadd.f32 v41, v40  }
0x193: {  	v20 =	vadd.f32 v42, v20;
	v43 =	vmul.f32 v15, v15;
	v44 =	vmul.f32 v15, v14;
	_ =	sdelay $0x1  }
0x194: {  	v18 =	vadd.f32 v43, v18;
	v45 =	vadd.f32 v44, v20;
	_ =	sdelay $0x1  }
0x195: {  	v18 =	vmul.f32 $-1.000000010e-01, v18;
	v19 =	vand.u32 $0x7FFFFFFF, v45  }
0x196: {  	v19 =	vmul.f32 $-2.000000000e+00, v19  }
0x197: {  	v18 =	vmul.f32 $1.442695020e+00, v18  }
0x198: {  	v19 =	vmul.f32 $1.442695020e+00, v19  }
0x199: {  	(erf) = vpow2.f32 v18  }
0x19a: {  	(erf) = vpow2.f32 v19;
	_ =	sdelay $0x7  }
0x19b: {  	v18 =	vpop (erf)  }
0x19c: {  	v19 =	vpop (erf)  }
0x19d: {  	v46 =	vadd.f32 $1.000000000e+00, v19;
	_ =	sdelay $0x1  }
0x19e: {  	v20 =	vmul.f32 v46, v46;
	_ =	sdelay $0x1  }
0x19f: {  	(erf) = vrcp.f32 v20;
	_ =	sdelay $0x4  }
0x1a0: {  	v47 =	vld [tilespmem:s17+$0x20]  }
0x1a1: {  	v22 =	vld [tilespmem:s10+$0x20];
	_ =	sdelay $0x1  }
0x1a2: {  	v19 =	vmul.f32 $4.000000000e+00, v19  }
0x1a3: {  	v18 =	vmul.f32 $-2.000000030e-01, v18;
	v48 =	vpop (erf)  }
0x1a4: {  	[tilespmem:$0x10260] =	vst v47;
	v19 =	vmul.f32 v48, v19  }
0x1a5: {  	v51 =	vadd.s32 $0xC800, v47;
	[tilespmem:$0x10460] =	vst v22;
	v49 =	vmul.f32 v18, v16  }
0x1a6: {  	v54 =	vadd.s32 $0xC800, v22;
	[tilespmem:$0x102E0] =	vst v51;
	v52 =	vmul.f32 v18, v17;
	v50 =	vmul.f32 v19, v12  }
0x1a7: {  	v55 =	vadd.s32 $0x19000, v22;
	[tilespmem:$0x104E0] =	vst v54;
	v18 =	vmul.f32 v18, v15;
	v53 =	vmul.f32 v19, v13  }
0x1a8: {  	[tilespmem:$0x10560] =	vst v55;
	v20 =	vadd.s32 $0x19000, v47;
	v19 =	vmul.f32 v19, v14;
	v21 =	vadd.f32 v50, v49  }
0x1a9: {  	[tilespmem:$0x10360] =	vst v20;
	v20 =	vadd.f32 v53, v52  }
0x1aa: {  	v18 =	vadd.f32 v19, v18;
	[tilespmem:$0x10660] =	vst v21  }
0x1ab: {  	[tilespmem:$0x106E0] =	vst v20;
	v56 =	vsub.f32 $0.0e+00, v21  }
0x1ac: {  	[tilespmem:$0x10760] =	vst v18;
	v23 =	vsub.f32 $0.0e+00, v20  }
0x1ad: {  	v57 =	vsub.f32 $0.0e+00, v18;
	[tilespmem:$0x10860] =	vst v56  }
0x1ae: {  	[tilespmem:$0x108E0] =	vst v23  }
0x1af: {  	[tilespmem:$0x10960] =	vst v57  }
0x1b0: {  	v19 =	vld.idx.msk [tilespmem:v22+s14+$0x0], $0xffff;
	_ =	sdelay $0x4  }
0x1b1: {  	v19 =	vmul.u32 $0x6, v19;
	_ =	sdelay $0x1  }
0x1b2: {  	v58 =	vadd.s32 v1, v19  }
0x1b3: {  	v59 =	vand.u32 $0x7E, v19;
	v22 =	vand.u32 $0xFFFFFF80, v58  }
0x1b4: {  	v22 =	vor.u32 v59, v22  }
0x1b5: {  	v60 =	vadd.s32 v5, v19  }
0x1b6: {  	v61 =	vadd.s32 v6, v19  }
0x1b7: {  	v62 =	vmul.f32 v21, v16;
	v63 =	vadd.s32 v7, v19  }
0x1b8: {  	v32 =	vmul.f32 v20, v17;
	v33 =	vadd.s32 v8, v19  }
0x1b9: {  	v34 =	vmul.f32 v18, v15;
	v19 =	vadd.s32 v9, v19;
	[tilespmem:v22+s21+$0x0] =	vst.idx.add.f32.msk $0xffff, v62  }
0x1ba: {  	v35 =	vadd.s32 s13, v0;
	v16 =	vmul.f32 v20, v16;
	[tilespmem:v60+s21+$0x0] =	vst.idx.add.f32.msk $0xffff, v32  }
0x1bb: {  	v36 =	vadd.s32 s13, v3;
	v17 =	vmul.f32 v18, v17;
	[tilespmem:v61+s21+$0x0] =	vst.idx.add.f32.msk $0xffff, v34  }
0x1bc: {  	v15 =	vmul.f32 v21, v15;
	[tilespmem:v63+s21+$0x0] =	vst.idx.add.f32.msk $0xffff, v16  }
0x1bd: {  	[tilespmem:v33+s21+$0x0] =	vst.idx.add.f32.msk $0xffff, v17  }
0x1be: {  	[tilespmem:v19+s21+$0x0] =	vst.idx.add.f32.msk $0xffff, v15;
	v15 =	vadd.s32 s13, v4  }
0x1bf: {  	v16 =	vld.idx.msk [tilespmem:v35+s18+$0x0], $0xffff  }
0x1c0: {  	v17 =	vld.idx.msk [tilespmem:v36+s18+$0x0], $0xffff;
	_ =	sdelay $0x2  }
0x1c1: {  	v15 =	vld.idx.msk [tilespmem:v15+s18+$0x0], $0xffff;
	_ =	sdelay $0x1  }
0x1c2: {  	v37 =	vmul.f32 v16, v16;
	v38 =	vmul.f32 v17, v17  }
0x1c3: {  	v20 =	vmul.f32 v16, v12;
	v39 =	vmul.f32 v17, v13  }
0x1c4: {  	v18 =	vadd.f32 v38, v37  }
0x1c5: {  	v20 =	vadd.f32 v39, v20;
	v40 =	vmul.f32 v15, v15;
	v41 =	vmul.f32 v15, v14;
	_ =	sdelay $0x1  }
0x1c6: {  	v18 =	vadd.f32 v40, v18;
	v42 =	vadd.f32 v41, v20;
	_ =	sdelay $0x1  }
0x1c7: {  	v18 =	vmul.f32 $-1.000000010e-01, v18;
	v19 =	vand.u32 $0x7FFFFFFF, v42  }
0x1c8: {  	v19 =	vmul.f32 $-2.000000000e+00, v19  }
0x1c9: {  	v18 =	vmul.f32 $1.442695020e+00, v18  }
0x1ca: {  	v19 =	vmul.f32 $1.442695020e+00, v19  }
0x1cb: {  	(erf) = vpow2.f32 v18  }
0x1cc: {  	(erf) = vpow2.f32 v19;
	_ =	sdelay $0x7  }
0x1cd: {  	v18 =	vpop (erf)  }
0x1ce: {  	v19 =	vpop (erf)  }
0x1cf: {  	v43 =	vadd.f32 $1.000000000e+00, v19;
	_ =	sdelay $0x1  }
0x1d0: {  	v20 =	vmul.f32 v43, v43;
	_ =	sdelay $0x1  }
0x1d1: {  	(erf) = vrcp.f32 v20;
	_ =	sdelay $0x4  }
0x1d2: {  	v44 =	vld [tilespmem:s17+$0x30]  }
0x1d3: {  	v22 =	vld [tilespmem:s10+$0x30];
	_ =	sdelay $0x1  }
0x1d4: {  	v19 =	vmul.f32 $4.000000000e+00, v19  }
0x1d5: {  	v18 =	vmul.f32 $-2.000000030e-01, v18;
	v45 =	vpop (erf)  }
0x1d6: {  	[tilespmem:$0x10270] =	vst v44;
	v19 =	vmul.f32 v45, v19  }
0x1d7: {  	v48 =	vadd.s32 $0xC800, v44;
	[tilespmem:$0x10470] =	vst v22;
	v46 =	vmul.f32 v18, v16  }
0x1d8: {  	v51 =	vadd.s32 $0xC800, v22;
	[tilespmem:$0x102F0] =	vst v48;
	v49 =	vmul.f32 v18, v17;
	v47 =	vmul.f32 v19, v12  }
0x1d9: {  	v52 =	vadd.s32 $0x19000, v22;
	[tilespmem:$0x104F0] =	vst v51;
	v18 =	vmul.f32 v18, v15;
	v50 =	vmul.f32 v19, v13  }
0x1da: {  	[tilespmem:$0x10570] =	vst v52;
	v20 =	vadd.s32 $0x19000, v44;
	v19 =	vmul.f32 v19, v14;
	v21 =	vadd.f32 v47, v46  }
0x1db: {  	[tilespmem:$0x10370] =	vst v20;
	v20 =	vadd.f32 v50, v49  }
0x1dc: {  	v18 =	vadd.f32 v19, v18;
	[tilespmem:$0x10670] =	vst v21  }
0x1dd: {  	[tilespmem:$0x106F0] =	vst v20;
	v53 =	vsub.f32 $0.0e+00, v21  }
0x1de: {  	[tilespmem:$0x10770] =	vst v18;
	v23 =	vsub.f32 $0.0e+00, v20  }
0x1df: {  	v54 =	vsub.f32 $0.0e+00, v18;
	[tilespmem:$0x10870] =	vst v53  }
0x1e0: {  	[tilespmem:$0x108F0] =	vst v23  }
0x1e1: {  	[tilespmem:$0x10970] =	vst v54  }
0x1e2: {  	v19 =	vld.idx.msk [tilespmem:v22+s14+$0x0], $0xffff;
	_ =	sdelay $0x4  }
0x1e3: {  	v19 =	vmul.u32 $0x6, v19;
	_ =	sdelay $0x1  }
0x1e4: {  	v55 =	vadd.s32 v1, v19  }
0x1e5: {  	v56 =	vand.u32 $0x7E, v19;
	v22 =	vand.u32 $0xFFFFFF80, v55  }
0x1e6: {  	v22 =	vor.u32 v56, v22  }
0x1e7: {  	v57 =	vadd.s32 v5, v19  }
0x1e8: {  	v58 =	vadd.s32 v6, v19  }
0x1e9: {  	v59 =	vmul.f32 v21, v16;
	v60 =	vadd.s32 v7, v19  }
0x1ea: {  	v61 =	vmul.f32 v20, v17;
	v62 =	vadd.s32 v8, v19  }
0x1eb: {  	v63 =	vmul.f32 v18, v15;
	v19 =	vadd.s32 v9, v19;
	[tilespmem:v22+s21+$0x0] =	vst.idx.add.f32.msk $0xffff, v59  }
0x1ec: {  	v16 =	vmul.f32 v20, v16;
	[tilespmem:v57+s21+$0x0] =	vst.idx.add.f32.msk $0xffff, v61  }
0x1ed: {  	v17 =	vmul.f32 v18, v17;
	[tilespmem:v58+s21+$0x0] =	vst.idx.add.f32.msk $0xffff, v63  }
0x1ee: {  	v15 =	vmul.f32 v21, v15;
	[tilespmem:v60+s21+$0x0] =	vst.idx.add.f32.msk $0xffff, v16  }
0x1ef: {  	[tilespmem:v62+s21+$0x0] =	vst.idx.add.f32.msk $0xffff, v17  }
0x1f0: {  	[tilespmem:v19+s21+$0x0] =	vst.idx.add.f32.msk $0xffff, v15  }
0x1f1: {  	[spmem:s4] =	stream.indirect.scatter.add.f32 [tilespmem:s24], [sflag:$0x1], $0x1, s23, s22, $0xb8;
	[tilespmem:$0x14980] =	vst v63  }
0x1f2: {  	_ = 	snop  }
0x1f3: {  	[spmem:s4] =	stream.indirect.scatter.add.f32 [tilespmem:s26], [sflag:$0x1], $0x1, s25, s22, $0xb8;
	[tilespmem:$0x14980] =	vst v63  }
0x1f4: {  	_ = 	snop  }
0x1f5: {  	[spmem:s4] =	stream.indirect.scatter.add.f32 [tilespmem:s29], [sflag:$0x1], $0x1, s28, s22, $0xb8;
	[tilespmem:$0x14980] =	vst v63  }
0x1f6: {  	_ = 	snop  }
0x1f7: {  	[spmem:s4] =	stream.indirect.scatter.add.f32 [tilespmem:s31], [sflag:$0x1], $0x1, s30, s22, $0xb8;
	[tilespmem:$0x14980] =	vst v63  }
0x1f8: {  	_ = 	snop  }
0x1f9: {  	[spmem:s4] =	stream.indirect.scatter.add.f32 [tilespmem:s5], [sflag:$0x1], $0x1, s0, s22, $0xb8;
	[tilespmem:$0x14980] =	vst v63  }
0x1fa: {  	_ = 	snop  }
0x1fb: {  	[spmem:s4] =	stream.indirect.scatter.add.f32 [tilespmem:s3], [sflag:$0x1], $0x1, s2, s22, $0xb8;
	[tilespmem:$0x14980] =	vst v63  }
0x1fc: {  	_ =	swait.ge [sflag:s16], $0x80  }
0x1fd: {  	[sflag:s16] =	ssyncset.done $0x0  }
0x1fe: {  	[sflag:s16] =	ssyncadd.s32 $0xFFFFFF80  }
0x1ff: {  	_ =	swait.ge [sflag:s16], $0x80  }
0x200: {  	[sflag:s16] =	ssyncset.done $0x0  }
0x201: {  	[sflag:s16] =	ssyncadd.s32 $0xFFFFFF80  }
0x202: {  	_ =	swait.ge [sflag:s16], $0x80  }
0x203: {  	[sflag:s16] =	ssyncset.done $0x0  }
0x204: {  	[sflag:s16] =	ssyncadd.s32 $0xFFFFFF80  }
0x205: {  	_ =	swait.ge [sflag:s16], $0x80  }
0x206: {  	[sflag:s16] =	ssyncset.done $0x0  }
0x207: {  	[sflag:s16] =	ssyncadd.s32 $0xFFFFFF80  }
0x208: {  	p0 =	sne.s32 s13, $0xED0;
	_ =	swait.ge [sflag:s16], $0x80  }
.Ltmp7:
0x209: {  	[sflag:s16] =	ssyncset.done $0x0;
	(pc) =	sbr.rel @p0 .LBB2_8-.Ltmp7, $4  }
0x20a: {  	[sflag:s16] =	ssyncadd.s32 $0xFFFFFF80  }
0x20b: {  	_ =	swait.ge [sflag:s16], $0x80  }
0x20c: {  	s13 =	sadd.s32 $0x180, s13;
	[sflag:s16] =	ssyncset.done $0x0  }
0x20d: {  	s17 =	sadd.s32 $0x80, s17;
	s10 =	sadd.s32 $0x80, s10;
	[sflag:s16] =	ssyncadd.s32 $0xFFFFFF80  }
.Ltmp8:
0x20e: {  	_ = 	snop;
	(pc) =	sbr.rel .LBB2_9-.Ltmp8, $1  }
0x20f: {  	_ =	sdelay $0x3  }
.LBB2_11:
0x210: {  	_ =	sfence.sel $0x180000  }
0x211: {  	[bflag:$0x0] =	sbarrier.arrive $0xFFFF  }
0x212: {  	_ =	strace $0x90000047  }
0x213: {  	s0 =	stileid.u32;
	[bflag:$0x2] =	sbarrier.arrive $0xFFFF  }
0x214: {  	p0 =	sne.s32 s0, $0x0;
	s0 =	rddreg [dreg:$0x4]  }
0x215: {  	s0 =	sadd.s32 @!p0 $0x100000, s0  }
0x216: {  	[sflag:s0] =	ssyncadd.tile.s32 @!p0 $0x1;
	_ =	shalt  }
.Lfunc_end2:
_tile_overlayer_lowered:
.L_overlay_start_2:
0x217: {  	(tag) =	ssettag $0x2  }
0x218: {  	s0 =	rddreg [dreg:$0x0];
	s2 =	stileid.u32  }
0x219: {  	s1 =	rddreg [dreg:$0x1];
	p0 =	sne.s32 s2, $0x0  }
0x21a: {  	s3 =	rddreg [dreg:$0x2];
	[bflag:$0x3] =	sbarrier.arrive $0xFFFF;
	s2 =	simm.s32 @!p0 $0x1C02  }
0x21b: {  	[timem:s3], [sflag:s2] =	dma.local @!p0 [hbm:s0], s1  }
0x21c: {  	s0 =	simm.s32 @!p0 $0x2  }
0x21d: {  	_ =	swait.ge @!p0 [sflag:s0], s1  }
0x21e: {  	s1 =	ssub.s32 @!p0 $0x0, s1;
	[sflag:s0] =	ssyncset.done @!p0 $0x0  }
0x21f: {  	[sflag:s0] =	ssyncadd.s32 @!p0 s1  }
0x220: {  	[bflag:$0x3] =	sbarrier.arrive $0xFFFF  }
0x221: {  	_ =	shalt  }

</sc_bundles>
